<compile_context>
chip_gen: v7x
topology: tpu7x:2x2x1
jax: 0.10.2.dev20260603
libtpu: 0.0.44.dev20260713+nightly
codegen_flags: <defaults>
</compile_context>

<pallas_src>
import functools

import jax
import jax.numpy as jnp
from jax import lax
from jax.experimental import pallas as pl
from jax.experimental.pallas import tpu as pltpu
from jax.experimental.pallas import tpu_sc as plsc

_N = 10000
_E = 320000
_H = 128
_G = 64

_NC = 2
_NS = 16
_NW = _NC * _NS

_C = 40
_EPW = _E // _NW
_NCH = _EPW // _C
_ZR = 640
_ZMAX = _N - _ZR

_BN = 2000
_PREC = jax.lax.Precision.DEFAULT

_mesh = plsc.VectorSubcoreMesh(core_axis_name="c", subcore_axis_name="s")


_NSLOT = 5


@functools.partial(
    pl.kernel,
    mesh=_mesh,
    out_type=jax.ShapeDtypeStruct((_NC, _N, _H), jnp.float32),
    scratch_types=[
        pltpu.VMEM((_EPW,), jnp.int32),
        pltpu.VMEM((_EPW,), jnp.int32),
        pltpu.VMEM((_NSLOT, _C, _H), jnp.float32),
        pltpu.VMEM((16, _H), jnp.float32),
        pltpu.VMEM_SHARED((_N, _H), jnp.float32),
    ] + [pltpu.SemaphoreType.DMA] * (2 * _NSLOT + 1),
)
def _seg_sum(h_hbm, src_hbm, dst_hbm, z_hbm, out_hbm, srcv, dstv, rows, zbuf,
             acc, *sems):
  gsem = sems[:_NSLOT]
  ssem = sems[_NSLOT:2 * _NSLOT]
  zsem = sems[2 * _NSLOT]
  cid = lax.axis_index("c")
  sid = lax.axis_index("s")
  wid = sid * _NC + cid

  def start_gather(ci, s):
    pltpu.async_copy(h_hbm.at[srcv.at[pl.ds(ci * _C, _C)]], rows.at[s],
                     gsem[s])

  def wait_gather(ci, s):
    pltpu.make_async_copy(h_hbm.at[srcv.at[pl.ds(ci * _C, _C)]], rows.at[s],
                          gsem[s]).wait()

  def start_scatter(ci, s):
    pltpu.async_copy(rows.at[s], acc.at[dstv.at[pl.ds(ci * _C, _C)]],
                     ssem[s], add=True)

  def wait_scatter(s):
    pltpu.make_async_copy(rows.at[s], acc.at[dstv.at[pl.ds(0, _C)]],
                          ssem[s]).wait()

  zoff = jnp.minimum(sid * _ZR, _ZMAX)
  pltpu.sync_copy(z_hbm, zbuf)
  _NZB = _ZR // 16

  @pl.loop(0, _NZB)
  def _(k):
    pltpu.async_copy(zbuf, acc.at[pl.ds(zoff + k * 16, 16)], zsem)

  pltpu.sync_copy(src_hbm.at[pl.ds(wid * _EPW, _EPW)], srcv)
  pltpu.sync_copy(dst_hbm.at[pl.ds(wid * _EPW, _EPW)], dstv)
  for s in range(_NSLOT):
    start_gather(s, s)

  @pl.loop(0, _NZB)
  def _(k):
    pltpu.make_async_copy(zbuf, acc.at[pl.ds(zoff, 16)], zsem).wait()

  plsc.subcore_barrier()

  @pl.loop(0, _NCH, step=_NSLOT)
  def _(i):
    for s in range(_NSLOT):
      ci = i + s

      @pl.when(ci < _NCH)
      def _():
        wait_gather(ci, s)
        start_scatter(ci, s)
    for s in range(_NSLOT):
      j = i + _NSLOT + s

      @pl.when(j < _NCH)
      def _():
        wait_scatter(s)
        start_gather(j, s)

  for s in range(_NSLOT):
    wait_scatter(s)

  plsc.subcore_barrier()
  pltpu.sync_copy(acc.at[pl.ds(zoff, _ZR)],
                  out_hbm.at[cid, pl.ds(zoff, _ZR)])


def _tc_pre(xp, wrel, wroot, b):
  n, d_in = xp.shape
  grid = (n // _BN,)

  def body(x_ref, wrel_ref, wroot_ref, b_ref, y_ref, r_ref):
    xb = x_ref[...]
    y_ref[...] = jnp.dot(xb, wrel_ref[...],
                         preferred_element_type=jnp.float32, precision=_PREC)
    r_ref[...] = jnp.dot(xb, wroot_ref[...],
                         preferred_element_type=jnp.float32,
                         precision=_PREC) + b_ref[...]

  return pl.pallas_call(
      body,
      grid=grid,
      in_specs=[
          pl.BlockSpec((_BN, d_in), lambda i: (i, 0)),
          pl.BlockSpec((d_in, _H), lambda i: (0, 0)),
          pl.BlockSpec((d_in, _H), lambda i: (0, 0)),
          pl.BlockSpec((1, _H), lambda i: (0, 0)),
      ],
      out_specs=[
          pl.BlockSpec((_BN, _H), lambda i: (i, 0)),
          pl.BlockSpec((_BN, _H), lambda i: (i, 0)),
      ],
      out_shape=[
          jax.ShapeDtypeStruct((n, _H), jnp.float32),
          jax.ShapeDtypeStruct((n, _H), jnp.float32),
      ],
  )(xp, wrel, wroot, b)


def _tc_mid(p, r, wrel, wroot, b):
  n = r.shape[0]
  grid = (n // _BN,)

  def body(p_ref, r_ref, wrel_ref, wroot_ref, b_ref, y_ref, rn_ref):
    h = jnp.maximum(p_ref[0] + p_ref[1] + r_ref[...], 0.0)
    y_ref[...] = jnp.dot(h, wrel_ref[...],
                         preferred_element_type=jnp.float32, precision=_PREC)
    rn_ref[...] = jnp.dot(h, wroot_ref[...],
                          preferred_element_type=jnp.float32,
                          precision=_PREC) + b_ref[...]

  return pl.pallas_call(
      body,
      grid=grid,
      in_specs=[
          pl.BlockSpec((_NC, _BN, _H), lambda i: (0, i, 0)),
          pl.BlockSpec((_BN, _H), lambda i: (i, 0)),
          pl.BlockSpec((_H, _H), lambda i: (0, 0)),
          pl.BlockSpec((_H, _H), lambda i: (0, 0)),
          pl.BlockSpec((1, _H), lambda i: (0, 0)),
      ],
      out_specs=[
          pl.BlockSpec((_BN, _H), lambda i: (i, 0)),
          pl.BlockSpec((_BN, _H), lambda i: (i, 0)),
      ],
      out_shape=[
          jax.ShapeDtypeStruct((n, _H), jnp.float32),
          jax.ShapeDtypeStruct((n, _H), jnp.float32),
      ],
  )(p, r, wrel, wroot, b)


def _tc_final(p, r, batch3d, wimp, bimp, wsta, wstb, bst):
  n = r.shape[0]
  grid_n = n // _BN

  def body(p_ref, r_ref, batch_ref, wimp_ref, bimp_ref, wsta_ref, wstb_ref,
           bst_ref, imp_ref, st_ref, psum, pcnt):
    i = pl.program_id(0)

    @pl.when(i == 0)
    def _():
      psum[...] = jnp.zeros_like(psum)
      pcnt[...] = jnp.zeros_like(pcnt)

    h3 = p_ref[0] + p_ref[1] + r_ref[...]
    bvec = batch_ref[0]
    sel = (lax.broadcasted_iota(jnp.int32, (_G, _BN), 0) == bvec)
    sel = sel.astype(jnp.float32)
    psum[...] += jnp.dot(sel, h3, preferred_element_type=jnp.float32,
                         precision=_PREC)
    pcnt[...] += jnp.sum(sel, axis=1, keepdims=True)

    @pl.when(i == grid_n - 1)
    def _():
      pooled = psum[...] / jnp.maximum(pcnt[...], 1.0)
      imp = jnp.dot(pooled, wimp_ref[...], preferred_element_type=jnp.float32,
                    precision=_PREC) + bimp_ref[...]
      st = jnp.dot(pooled, wsta_ref[...], preferred_element_type=jnp.float32,
                   precision=_PREC)
      st += jnp.dot(imp, wstb_ref[...], preferred_element_type=jnp.float32,
                    precision=_PREC)
      st += bst_ref[...]
      imp_ref[...] = imp
      st_ref[...] = st

  return pl.pallas_call(
      body,
      grid=(grid_n,),
      in_specs=[
          pl.BlockSpec((_NC, _BN, _H), lambda i: (0, i, 0)),
          pl.BlockSpec((_BN, _H), lambda i: (i, 0)),
          pl.BlockSpec((1, 1, _BN), lambda i: (i, 0, 0)),
          pl.BlockSpec((_H, 3), lambda i: (0, 0)),
          pl.BlockSpec((1, 3), lambda i: (0, 0)),
          pl.BlockSpec((_H, 3), lambda i: (0, 0)),
          pl.BlockSpec((3, 3), lambda i: (0, 0)),
          pl.BlockSpec((1, 3), lambda i: (0, 0)),
      ],
      out_specs=[
          pl.BlockSpec((_G, 3), lambda i: (0, 0)),
          pl.BlockSpec((_G, 3), lambda i: (0, 0)),
      ],
      out_shape=[
          jax.ShapeDtypeStruct((_G, 3), jnp.float32),
          jax.ShapeDtypeStruct((_G, 3), jnp.float32),
      ],
      scratch_shapes=[
          pltpu.VMEM((_G, _H), jnp.float32),
          pltpu.VMEM((_G, 1), jnp.float32),
      ],
  )(p, r, batch3d, wimp, bimp, wsta, wstb, bst)


def kernel(x, edge_index, batch, Wrel1, Wroot1, b1, Wrel2, Wroot2, b2,
           Wrel3, Wroot3, b3, Wimp, bimp, Wst, bst):
  src_flat = edge_index[0]
  dst_flat = edge_index[1]
  xp = jnp.pad(x, ((0, 0), (0, 8 - x.shape[1])))
  wrel1p = jnp.pad(Wrel1, ((0, 8 - Wrel1.shape[0]), (0, 0)))
  wroot1p = jnp.pad(Wroot1, ((0, 8 - Wroot1.shape[0]), (0, 0)))
  zeros = jnp.zeros((16, _H), jnp.float32)
  batch3d = batch.reshape(_N // _BN, 1, _BN)

  y1, r1 = _tc_pre(xp, wrel1p, wroot1p, b1.reshape(1, _H))
  p1 = _seg_sum(y1, src_flat, dst_flat, zeros)
  y2, r2 = _tc_mid(p1, r1, Wrel2, Wroot2, b2.reshape(1, _H))
  p2 = _seg_sum(y2, src_flat, dst_flat, zeros)
  y3, r3 = _tc_mid(p2, r2, Wrel3, Wroot3, b3.reshape(1, _H))
  p3 = _seg_sum(y3, src_flat, dst_flat, zeros)
  imp, st = _tc_final(p3, r3, batch3d, Wimp, bimp.reshape(1, 3),
                      Wst[:_H], Wst[_H:], bst.reshape(1, 3))
  return (imp, st)

# --- scband reference (transcript-rebuilt; emitter-appended) ---
"""Pipeline reference for scband-gnn-18528488915063 (READ-ONLY COPY).

The authoritative reference and input builder live on the scoring server;
editing this copy changes nothing except your own understanding.
"""

import jax, jax.numpy as jnp
import numpy as np

N = 10000
E = 320000
H = 128
G = 64
IN_DIM = 2


def _glorot(key, shape):
    fan_in = shape[0]
    return jax.random.normal(key, shape, dtype=jnp.float32) * (1.0 / np.sqrt(max(fan_in, 1)))


def setup_inputs(seed: int = 0) -> dict:
    key = jax.random.key(seed)
    ks = jax.random.split(key, 20)
    x = jax.random.normal(ks[0], (N, IN_DIM), dtype=jnp.float32)
    edge_index = jax.random.randint(ks[1], (2, E), 0, N, dtype=jnp.int32)
    batch = jnp.sort(jax.random.randint(ks[2], (N,), 0, G, dtype=jnp.int32))
    params = {
        'Wrel1': _glorot(ks[3], (IN_DIM, H)), 'Wroot1': _glorot(ks[4], (IN_DIM, H)), 'b1': jnp.zeros((H,), jnp.float32),
        'Wrel2': _glorot(ks[5], (H, H)), 'Wroot2': _glorot(ks[6], (H, H)), 'b2': jnp.zeros((H,), jnp.float32),
        'Wrel3': _glorot(ks[7], (H, H)), 'Wroot3': _glorot(ks[8], (H, H)), 'b3': jnp.zeros((H,), jnp.float32),
        'Wimp': _glorot(ks[9], (H, 3)), 'bimp': jnp.zeros((3,), jnp.float32),
        'Wst': _glorot(ks[10], (H + 3, 3)), 'bst': jnp.zeros((3,), jnp.float32),
    }
    out = {'x': x, 'edge_index': edge_index, 'batch': batch}
    out.update(params)
    return out


def _graph_conv(x, src, dst, Wrel, Wroot, b):
    # PyG GraphConv (aggr='add'): out = lin_rel(sum_{j in N(i)} x_j) + lin_root(x_i)
    msg = jnp.take(x, src, axis=0)
    agg = jax.ops.segment_sum(msg, dst, num_segments=x.shape[0])
    return agg @ Wrel + x @ Wroot + b


def _global_mean_pool(x, batch, num_graphs):
    sums = jax.ops.segment_sum(x, batch, num_segments=num_graphs)
    counts = jax.ops.segment_sum(jnp.ones((x.shape[0], 1), x.dtype), batch, num_segments=num_graphs)
    return sums / jnp.clip(counts, 1.0, None)


def reference(x, edge_index, batch, Wrel1, Wroot1, b1, Wrel2, Wroot2, b2, Wrel3, Wroot3, b3, Wimp, bimp, Wst, bst):
    src, dst = edge_index[0], edge_index[1]
    h = jax.nn.relu(_graph_conv(x, src, dst, Wrel1, Wroot1, b1))
    h = jax.nn.relu(_graph_conv(h, src, dst, Wrel2, Wroot2, b2))
    h = _graph_conv(h, src, dst, Wrel3, Wroot3, b3)
    pooled = _global_mean_pool(h, batch, G)
    importance = pooled @ Wimp + bimp
    state = jnp.concatenate((pooled, importance.astype(jnp.float32)), axis=1) @ Wst + bst
    return (importance, state)

if __name__ == "__main__":
    import jax
    _d = setup_inputs()
    print(jax.jit(kernel)(*tuple(_d.values())))

</pallas_src>

<mosaic_0001>
#map = affine_map<(d0, d1) -> (0, 0)>
#map1 = affine_map<(d0, d1) -> (0)>
#map2 = affine_map<(d0, d1) -> (0, 0, 0)>
module attributes {stable_mosaic.version = 14 : i64} {
  func.func @_seg_sum(%arg0: i32, %arg1: i32, %arg2: memref<10000x128xf32, #tpu.memory_space<hbm>>, %arg3: memref<320000xi32, #tpu.memory_space<hbm>>, %arg4: memref<320000xi32, #tpu.memory_space<hbm>>, %arg5: memref<16x128xf32, #tpu.memory_space<hbm>>, %arg6: memref<2x10000x128xf32, #tpu.memory_space<hbm>>, %arg7: memref<10000xi32, #tpu.memory_space<vmem>>, %arg8: memref<10000xi32, #tpu.memory_space<vmem>>, %arg9: memref<5x40x128xf32, #tpu.memory_space<vmem>>, %arg10: memref<16x128xf32, #tpu.memory_space<vmem>>, %arg11: memref<10000x128xf32, #tpu.memory_space<vmem_shared>>, %arg12: memref<!tpu.dma_semaphore, #tpu.memory_space<semaphore_mem>>, %arg13: memref<!tpu.dma_semaphore, #tpu.memory_space<semaphore_mem>>, %arg14: memref<!tpu.dma_semaphore, #tpu.memory_space<semaphore_mem>>, %arg15: memref<!tpu.dma_semaphore, #tpu.memory_space<semaphore_mem>>, %arg16: memref<!tpu.dma_semaphore, #tpu.memory_space<semaphore_mem>>, %arg17: memref<!tpu.dma_semaphore, #tpu.memory_space<semaphore_mem>>, %arg18: memref<!tpu.dma_semaphore, #tpu.memory_space<semaphore_mem>>, %arg19: memref<!tpu.dma_semaphore, #tpu.memory_space<semaphore_mem>>, %arg20: memref<!tpu.dma_semaphore, #tpu.memory_space<semaphore_mem>>, %arg21: memref<!tpu.dma_semaphore, #tpu.memory_space<semaphore_mem>>, %arg22: memref<!tpu.dma_semaphore, #tpu.memory_space<semaphore_mem>>) attributes {dimension_semantics = [#tpu.dimension_semantics<core_parallel>, #tpu.dimension_semantics<subcore_parallel>], iteration_bounds = array<i64: 2, 16>, scalar_prefetch = 0 : i64, scratch_operands = 16 : i64, tpu.core_type = #tpu.core_type<sc_vector_subcore>, window_params = [{transform_indices = #map}, {transform_indices = #map1}, {transform_indices = #map1}, {transform_indices = #map}, {transform_indices = #map2}]} {
    %mul3A = arith.constant 2 : i32
    %mul3A_0 = arith.muli %arg1, %mul3A : i32
    %add3A = arith.addi %mul3A_0, %arg0 : i32
    %mul3A_1 = arith.constant 640 : i32
    %mul3A_2 = arith.muli %arg1, %mul3A_1 : i32
    %min3A = arith.constant 9360 : i32
    %min3A_3 = arith.minsi %mul3A_2, %min3A : i32
    "tpu.region"() ({
      %run_scoped3A = tpu.sem_alloc : memref<!tpu.dma_semaphore, #tpu.memory_space<semaphore_mem>>
      tpu.enqueue_dma source(%arg5 : memref<16x128xf32, #tpu.memory_space<hbm>>) target(%arg10 : memref<16x128xf32, #tpu.memory_space<vmem>>) target_semaphore(%run_scoped3A : memref<!tpu.dma_semaphore, #tpu.memory_space<semaphore_mem>>)
      tpu.wait_dma2 semaphore(%run_scoped3A : memref<!tpu.dma_semaphore, #tpu.memory_space<semaphore_mem>>) src(%arg5 : memref<16x128xf32, #tpu.memory_space<hbm>>) dst(%arg10 : memref<16x128xf32, #tpu.memory_space<vmem>>)
      tpu.yield
    }) : () -> ()
    %scan3A = arith.constant 0 : i32
    %scan3A_4 = arith.constant 40 : i32
    %scan3A_5 = arith.addi %scan3A, %scan3A_4 : i32
    %scan3A_6 = arith.constant 1 : i32
    scf.for %scan3A_121 = %scan3A to %scan3A_5 step %scan3A_6  : i32 {
      %mul3A_122 = arith.constant 1 : i32
      %mul3A_123 = arith.muli %scan3A_121, %mul3A_122 : i32
      %add3A_124 = arith.constant 0 : i32
      %add3A_125 = arith.addi %add3A_124, %mul3A_123 : i32
      %mul3A_126 = arith.constant 16 : i32
      %mul3A_127 = arith.muli %add3A_125, %mul3A_126 : i32
      %add3A_128 = arith.addi %min3A_3, %mul3A_127 : i32
      %dma_start3A_129 = arith.constant 0 : i32
      %dma_start3A_130 = tpu.memref_slice %arg11[%add3A_128, %dma_start3A_129] : memref<10000x128xf32, #tpu.memory_space<vmem_shared>> -> memref<16x128xf32, #tpu.memory_space<vmem_shared>>
      %dma_start3A_131 = arith.constant 0 : i32
      %dma_start3A_132 = tpu.memref_slice %arg11[%add3A_128, %dma_start3A_131] : memref<10000x128xf32, #tpu.memory_space<vmem_shared>> -> memref<16x128xf32, #tpu.memory_space<vmem_shared>>
      tpu.enqueue_dma source(%arg10 : memref<16x128xf32, #tpu.memory_space<vmem>>) target(%dma_start3A_132 : memref<16x128xf32, #tpu.memory_space<vmem_shared>>) target_semaphore(%arg22 : memref<!tpu.dma_semaphore, #tpu.memory_space<semaphore_mem>>)
    }
    %scan3A_7 = arith.constant 40 : i32
    %mul3A_8 = arith.constant 10000 : i32
    %mul3A_9 = arith.muli %add3A, %mul3A_8 : i32
    "tpu.region"() ({
      %run_scoped3A = tpu.sem_alloc : memref<!tpu.dma_semaphore, #tpu.memory_space<semaphore_mem>>
      %dma_start3A_121 = tpu.memref_slice %arg3[%mul3A_9] : memref<320000xi32, #tpu.memory_space<hbm>> -> memref<10000xi32, #tpu.memory_space<hbm>>
      %dma_start3A_122 = tpu.memref_slice %arg3[%mul3A_9] : memref<320000xi32, #tpu.memory_space<hbm>> -> memref<10000xi32, #tpu.memory_space<hbm>>
      tpu.enqueue_dma source(%dma_start3A_122 : memref<10000xi32, #tpu.memory_space<hbm>>) target(%arg7 : memref<10000xi32, #tpu.memory_space<vmem>>) target_semaphore(%run_scoped3A : memref<!tpu.dma_semaphore, #tpu.memory_space<semaphore_mem>>)
      %dma_wait3A_123 = tpu.memref_slice %arg3[%mul3A_9] : memref<320000xi32, #tpu.memory_space<hbm>> -> memref<10000xi32, #tpu.memory_space<hbm>>
      %dma_wait3A_124 = tpu.memref_slice %arg3[%mul3A_9] : memref<320000xi32, #tpu.memory_space<hbm>> -> memref<10000xi32, #tpu.memory_space<hbm>>
      tpu.wait_dma2 semaphore(%run_scoped3A : memref<!tpu.dma_semaphore, #tpu.memory_space<semaphore_mem>>) src(%dma_wait3A_124 : memref<10000xi32, #tpu.memory_space<hbm>>) dst(%arg7 : memref<10000xi32, #tpu.memory_space<vmem>>)
      tpu.yield
    }) : () -> ()
    %mul3A_10 = arith.constant 10000 : i32
    %mul3A_11 = arith.muli %add3A, %mul3A_10 : i32
    "tpu.region"() ({
      %run_scoped3A = tpu.sem_alloc : memref<!tpu.dma_semaphore, #tpu.memory_space<semaphore_mem>>
      %dma_start3A_121 = tpu.memref_slice %arg4[%mul3A_11] : memref<320000xi32, #tpu.memory_space<hbm>> -> memref<10000xi32, #tpu.memory_space<hbm>>
      %dma_start3A_122 = tpu.memref_slice %arg4[%mul3A_11] : memref<320000xi32, #tpu.memory_space<hbm>> -> memref<10000xi32, #tpu.memory_space<hbm>>
      tpu.enqueue_dma source(%dma_start3A_122 : memref<10000xi32, #tpu.memory_space<hbm>>) target(%arg8 : memref<10000xi32, #tpu.memory_space<vmem>>) target_semaphore(%run_scoped3A : memref<!tpu.dma_semaphore, #tpu.memory_space<semaphore_mem>>)
      %dma_wait3A_123 = tpu.memref_slice %arg4[%mul3A_11] : memref<320000xi32, #tpu.memory_space<hbm>> -> memref<10000xi32, #tpu.memory_space<hbm>>
      %dma_wait3A_124 = tpu.memref_slice %arg4[%mul3A_11] : memref<320000xi32, #tpu.memory_space<hbm>> -> memref<10000xi32, #tpu.memory_space<hbm>>
      tpu.wait_dma2 semaphore(%run_scoped3A : memref<!tpu.dma_semaphore, #tpu.memory_space<semaphore_mem>>) src(%dma_wait3A_124 : memref<10000xi32, #tpu.memory_space<hbm>>) dst(%arg8 : memref<10000xi32, #tpu.memory_space<vmem>>)
      tpu.yield
    }) : () -> ()
    %dma_start3A = arith.constant 0 : i32
    %dma_start3A_12 = arith.constant 0 : i32
    %dma_start3A_13 = arith.constant 0 : i32
    %dma_start3A_14 = tpu.memref_slice %arg9[%dma_start3A, %dma_start3A_12, %dma_start3A_13] : memref<5x40x128xf32, #tpu.memory_space<vmem>> -> memref<1x40x128xf32, #tpu.memory_space<vmem>>
    %dma_start3A_15 = tpu.memref_squeeze %dma_start3A_14 : memref<1x40x128xf32, #tpu.memory_space<vmem>> -> memref<40x128xf32, #tpu.memory_space<vmem>>
    %dma_start3A_16 = arith.constant 0 : i32
    %dma_start3A_17 = tpu.memref_slice %arg7[%dma_start3A_16] : memref<10000xi32, #tpu.memory_space<vmem>> -> memref<40xi32, #tpu.memory_space<vmem>>
    %dma_start3A_18 = arith.constant 0 : i32
    %dma_start3A_19 = arith.constant 0 : i32
    %dma_start3A_20 = tpu.memref_slice %arg2[%dma_start3A_18, %dma_start3A_19] : memref<10000x128xf32, #tpu.memory_space<hbm>> -> memref<10000x128xf32, #tpu.memory_space<hbm>>
    tpu.enqueue_indirect_dma source(%dma_start3A_20 : memref<10000x128xf32, #tpu.memory_space<hbm>>) target(%dma_start3A_15 : memref<40x128xf32, #tpu.memory_space<vmem>>) offsets(%dma_start3A_17 : memref<40xi32, #tpu.memory_space<vmem>>) semaphore(%arg12 : memref<!tpu.dma_semaphore, #tpu.memory_space<semaphore_mem>>)
    %dma_start3A_21 = arith.constant 1 : i32
    %dma_start3A_22 = arith.constant 0 : i32
    %dma_start3A_23 = arith.constant 0 : i32
    %dma_start3A_24 = tpu.memref_slice %arg9[%dma_start3A_21, %dma_start3A_22, %dma_start3A_23] : memref<5x40x128xf32, #tpu.memory_space<vmem>> -> memref<1x40x128xf32, #tpu.memory_space<vmem>>
    %dma_start3A_25 = tpu.memref_squeeze %dma_start3A_24 : memref<1x40x128xf32, #tpu.memory_space<vmem>> -> memref<40x128xf32, #tpu.memory_space<vmem>>
    %dma_start3A_26 = arith.constant 40 : i32
    %dma_start3A_27 = tpu.memref_slice %arg7[%dma_start3A_26] : memref<10000xi32, #tpu.memory_space<vmem>> -> memref<40xi32, #tpu.memory_space<vmem>>
    %dma_start3A_28 = arith.constant 0 : i32
    %dma_start3A_29 = arith.constant 0 : i32
    %dma_start3A_30 = tpu.memref_slice %arg2[%dma_start3A_28, %dma_start3A_29] : memref<10000x128xf32, #tpu.memory_space<hbm>> -> memref<10000x128xf32, #tpu.memory_space<hbm>>
    tpu.enqueue_indirect_dma source(%dma_start3A_30 : memref<10000x128xf32, #tpu.memory_space<hbm>>) target(%dma_start3A_25 : memref<40x128xf32, #tpu.memory_space<vmem>>) offsets(%dma_start3A_27 : memref<40xi32, #tpu.memory_space<vmem>>) semaphore(%arg13 : memref<!tpu.dma_semaphore, #tpu.memory_space<semaphore_mem>>)
    %dma_start3A_31 = arith.constant 2 : i32
    %dma_start3A_32 = arith.constant 0 : i32
    %dma_start3A_33 = arith.constant 0 : i32
    %dma_start3A_34 = tpu.memref_slice %arg9[%dma_start3A_31, %dma_start3A_32, %dma_start3A_33] : memref<5x40x128xf32, #tpu.memory_space<vmem>> -> memref<1x40x128xf32, #tpu.memory_space<vmem>>
    %dma_start3A_35 = tpu.memref_squeeze %dma_start3A_34 : memref<1x40x128xf32, #tpu.memory_space<vmem>> -> memref<40x128xf32, #tpu.memory_space<vmem>>
    %dma_start3A_36 = arith.constant 80 : i32
    %dma_start3A_37 = tpu.memref_slice %arg7[%dma_start3A_36] : memref<10000xi32, #tpu.memory_space<vmem>> -> memref<40xi32, #tpu.memory_space<vmem>>
    %dma_start3A_38 = arith.constant 0 : i32
    %dma_start3A_39 = arith.constant 0 : i32
    %dma_start3A_40 = tpu.memref_slice %arg2[%dma_start3A_38, %dma_start3A_39] : memref<10000x128xf32, #tpu.memory_space<hbm>> -> memref<10000x128xf32, #tpu.memory_space<hbm>>
    tpu.enqueue_indirect_dma source(%dma_start3A_40 : memref<10000x128xf32, #tpu.memory_space<hbm>>) target(%dma_start3A_35 : memref<40x128xf32, #tpu.memory_space<vmem>>) offsets(%dma_start3A_37 : memref<40xi32, #tpu.memory_space<vmem>>) semaphore(%arg14 : memref<!tpu.dma_semaphore, #tpu.memory_space<semaphore_mem>>)
    %dma_start3A_41 = arith.constant 3 : i32
    %dma_start3A_42 = arith.constant 0 : i32
    %dma_start3A_43 = arith.constant 0 : i32
    %dma_start3A_44 = tpu.memref_slice %arg9[%dma_start3A_41, %dma_start3A_42, %dma_start3A_43] : memref<5x40x128xf32, #tpu.memory_space<vmem>> -> memref<1x40x128xf32, #tpu.memory_space<vmem>>
    %dma_start3A_45 = tpu.memref_squeeze %dma_start3A_44 : memref<1x40x128xf32, #tpu.memory_space<vmem>> -> memref<40x128xf32, #tpu.memory_space<vmem>>
    %dma_start3A_46 = arith.constant 120 : i32
    %dma_start3A_47 = tpu.memref_slice %arg7[%dma_start3A_46] : memref<10000xi32, #tpu.memory_space<vmem>> -> memref<40xi32, #tpu.memory_space<vmem>>
    %dma_start3A_48 = arith.constant 0 : i32
    %dma_start3A_49 = arith.constant 0 : i32
    %dma_start3A_50 = tpu.memref_slice %arg2[%dma_start3A_48, %dma_start3A_49] : memref<10000x128xf32, #tpu.memory_space<hbm>> -> memref<10000x128xf32, #tpu.memory_space<hbm>>
    tpu.enqueue_indirect_dma source(%dma_start3A_50 : memref<10000x128xf32, #tpu.memory_space<hbm>>) target(%dma_start3A_45 : memref<40x128xf32, #tpu.memory_space<vmem>>) offsets(%dma_start3A_47 : memref<40xi32, #tpu.memory_space<vmem>>) semaphore(%arg15 : memref<!tpu.dma_semaphore, #tpu.memory_space<semaphore_mem>>)
    %dma_start3A_51 = arith.constant 4 : i32
    %dma_start3A_52 = arith.constant 0 : i32
    %dma_start3A_53 = arith.constant 0 : i32
    %dma_start3A_54 = tpu.memref_slice %arg9[%dma_start3A_51, %dma_start3A_52, %dma_start3A_53] : memref<5x40x128xf32, #tpu.memory_space<vmem>> -> memref<1x40x128xf32, #tpu.memory_space<vmem>>
    %dma_start3A_55 = tpu.memref_squeeze %dma_start3A_54 : memref<1x40x128xf32, #tpu.memory_space<vmem>> -> memref<40x128xf32, #tpu.memory_space<vmem>>
    %dma_start3A_56 = arith.constant 160 : i32
    %dma_start3A_57 = tpu.memref_slice %arg7[%dma_start3A_56] : memref<10000xi32, #tpu.memory_space<vmem>> -> memref<40xi32, #tpu.memory_space<vmem>>
    %dma_start3A_58 = arith.constant 0 : i32
    %dma_start3A_59 = arith.constant 0 : i32
    %dma_start3A_60 = tpu.memref_slice %arg2[%dma_start3A_58, %dma_start3A_59] : memref<10000x128xf32, #tpu.memory_space<hbm>> -> memref<10000x128xf32, #tpu.memory_space<hbm>>
    tpu.enqueue_indirect_dma source(%dma_start3A_60 : memref<10000x128xf32, #tpu.memory_space<hbm>>) target(%dma_start3A_55 : memref<40x128xf32, #tpu.memory_space<vmem>>) offsets(%dma_start3A_57 : memref<40xi32, #tpu.memory_space<vmem>>) semaphore(%arg16 : memref<!tpu.dma_semaphore, #tpu.memory_space<semaphore_mem>>)
    %scan3A_61 = arith.constant 0 : i32
    %scan3A_62 = arith.constant 40 : i32
    %scan3A_63 = arith.addi %scan3A_61, %scan3A_62 : i32
    %scan3A_64 = arith.constant 1 : i32
    scf.for %scan3A_121 = %scan3A_61 to %scan3A_63 step %scan3A_64  : i32 {
      %mul3A_122 = arith.constant 1 : i32
      %mul3A_123 = arith.muli %scan3A_121, %mul3A_122 : i32
      %add3A_124 = arith.constant 0 : i32
      %add3A_125 = arith.addi %add3A_124, %mul3A_123 : i32
      %dma_wait3A_126 = arith.constant 0 : i32
      %dma_wait3A_127 = tpu.memref_slice %arg11[%min3A_3, %dma_wait3A_126] : memref<10000x128xf32, #tpu.memory_space<vmem_shared>> -> memref<16x128xf32, #tpu.memory_space<vmem_shared>>
      %dma_wait3A_128 = arith.constant 0 : i32
      %dma_wait3A_129 = tpu.memref_slice %arg11[%min3A_3, %dma_wait3A_128] : memref<10000x128xf32, #tpu.memory_space<vmem_shared>> -> memref<16x128xf32, #tpu.memory_space<vmem_shared>>
      tpu.wait_dma2 semaphore(%arg22 : memref<!tpu.dma_semaphore, #tpu.memory_space<semaphore_mem>>) src(%arg10 : memref<16x128xf32, #tpu.memory_space<vmem>>) dst(%dma_wait3A_129 : memref<16x128xf32, #tpu.memory_space<vmem_shared>>)
    }
    %scan3A_65 = arith.constant 40 : i32
    %barrier3A = arith.constant 0 : index
    tpu.barrier barrier_id(%barrier3A)
    %scan3A_66 = arith.constant 0 : i32
    %scan3A_67 = arith.constant 50 : i32
    %scan3A_68 = arith.addi %scan3A_66, %scan3A_67 : i32
    %scan3A_69 = arith.constant 1 : i32
    scf.for %scan3A_121 = %scan3A_66 to %scan3A_68 step %scan3A_69  : i32 {
      %mul3A_122 = arith.constant 5 : i32
      %mul3A_123 = arith.muli %scan3A_121, %mul3A_122 : i32
      %add3A_124 = arith.constant 0 : i32
      %add3A_125 = arith.addi %add3A_124, %mul3A_123 : i32
      %add3A_126 = arith.constant 0 : i32
      %add3A_127 = arith.addi %add3A_125, %add3A_126 : i32
      %lt3A = arith.constant 250 : i32
      %lt3A_128 = arith.cmpi slt, %add3A_127, %lt3A : i32
      %convert_element_type3A = arith.extui %lt3A_128 : i1 to i32
      %cond3A = arith.constant 0 : i32
      %cond3A_129 = arith.cmpi ne, %convert_element_type3A, %cond3A : i32
      scf.if %cond3A_129 {
        %mul3A_203 = arith.constant 40 : i32
        %mul3A_204 = arith.muli %add3A_127, %mul3A_203 : i32
        %dma_wait3A_205 = arith.constant 0 : i32
        %dma_wait3A_206 = arith.constant 0 : i32
        %dma_wait3A_207 = arith.constant 0 : i32
        %dma_wait3A_208 = tpu.memref_slice %arg9[%dma_wait3A_205, %dma_wait3A_206, %dma_wait3A_207] : memref<5x40x128xf32, #tpu.memory_space<vmem>> -> memref<1x40x128xf32, #tpu.memory_space<vmem>>
        %dma_wait3A_209 = tpu.memref_squeeze %dma_wait3A_208 : memref<1x40x128xf32, #tpu.memory_space<vmem>> -> memref<40x128xf32, #tpu.memory_space<vmem>>
        %dma_wait3A_210 = tpu.memref_slice %arg7[%mul3A_204] : memref<10000xi32, #tpu.memory_space<vmem>> -> memref<40xi32, #tpu.memory_space<vmem>>
        %dma_wait3A_211 = arith.constant 0 : i32
        %dma_wait3A_212 = arith.constant 0 : i32
        %dma_wait3A_213 = tpu.memref_slice %arg2[%dma_wait3A_211, %dma_wait3A_212] : memref<10000x128xf32, #tpu.memory_space<hbm>> -> memref<10000x128xf32, #tpu.memory_space<hbm>>
        tpu.wait_indirect_dma semaphore(%arg12 : memref<!tpu.dma_semaphore, #tpu.memory_space<semaphore_mem>>) src(%dma_wait3A_213 : memref<10000x128xf32, #tpu.memory_space<hbm>>) dst(%dma_wait3A_209 : memref<40x128xf32, #tpu.memory_space<vmem>>)
        %mul3A_214 = arith.constant 40 : i32
        %mul3A_215 = arith.muli %add3A_127, %mul3A_214 : i32
        %dma_start3A_216 = arith.constant 0 : i32
        %dma_start3A_217 = arith.constant 0 : i32
        %dma_start3A_218 = arith.constant 0 : i32
        %dma_start3A_219 = tpu.memref_slice %arg9[%dma_start3A_216, %dma_start3A_217, %dma_start3A_218] : memref<5x40x128xf32, #tpu.memory_space<vmem>> -> memref<1x40x128xf32, #tpu.memory_space<vmem>>
        %dma_start3A_220 = tpu.memref_squeeze %dma_start3A_219 : memref<1x40x128xf32, #tpu.memory_space<vmem>> -> memref<40x128xf32, #tpu.memory_space<vmem>>
        %dma_start3A_221 = tpu.memref_slice %arg8[%mul3A_215] : memref<10000xi32, #tpu.memory_space<vmem>> -> memref<40xi32, #tpu.memory_space<vmem>>
        %dma_start3A_222 = arith.constant 0 : i32
        %dma_start3A_223 = arith.constant 0 : i32
        %dma_start3A_224 = tpu.memref_slice %arg11[%dma_start3A_222, %dma_start3A_223] : memref<10000x128xf32, #tpu.memory_space<vmem_shared>> -> memref<10000x128xf32, #tpu.memory_space<vmem_shared>>
        tpu.enqueue_indirect_dma source(%dma_start3A_220 : memref<40x128xf32, #tpu.memory_space<vmem>>) target(%dma_start3A_224 : memref<10000x128xf32, #tpu.memory_space<vmem_shared>>) offsets(%dma_start3A_221 : memref<40xi32, #tpu.memory_space<vmem>>) semaphore(%arg17 : memref<!tpu.dma_semaphore, #tpu.memory_space<semaphore_mem>>) {add = true}
      } else {
      }
      %add3A_130 = arith.constant 1 : i32
      %add3A_131 = arith.addi %add3A_125, %add3A_130 : i32
      %lt3A_132 = arith.constant 250 : i32
      %lt3A_133 = arith.cmpi slt, %add3A_131, %lt3A_132 : i32
      %convert_element_type3A_134 = arith.extui %lt3A_133 : i1 to i32
      %cond3A_135 = arith.constant 0 : i32
      %cond3A_136 = arith.cmpi ne, %convert_element_type3A_134, %cond3A_135 : i32
      scf.if %cond3A_136 {
        %mul3A_203 = arith.constant 40 : i32
        %mul3A_204 = arith.muli %add3A_131, %mul3A_203 : i32
        %dma_wait3A_205 = arith.constant 1 : i32
        %dma_wait3A_206 = arith.constant 0 : i32
        %dma_wait3A_207 = arith.constant 0 : i32
        %dma_wait3A_208 = tpu.memref_slice %arg9[%dma_wait3A_205, %dma_wait3A_206, %dma_wait3A_207] : memref<5x40x128xf32, #tpu.memory_space<vmem>> -> memref<1x40x128xf32, #tpu.memory_space<vmem>>
        %dma_wait3A_209 = tpu.memref_squeeze %dma_wait3A_208 : memref<1x40x128xf32, #tpu.memory_space<vmem>> -> memref<40x128xf32, #tpu.memory_space<vmem>>
        %dma_wait3A_210 = tpu.memref_slice %arg7[%mul3A_204] : memref<10000xi32, #tpu.memory_space<vmem>> -> memref<40xi32, #tpu.memory_space<vmem>>
        %dma_wait3A_211 = arith.constant 0 : i32
        %dma_wait3A_212 = arith.constant 0 : i32
        %dma_wait3A_213 = tpu.memref_slice %arg2[%dma_wait3A_211, %dma_wait3A_212] : memref<10000x128xf32, #tpu.memory_space<hbm>> -> memref<10000x128xf32, #tpu.memory_space<hbm>>
        tpu.wait_indirect_dma semaphore(%arg13 : memref<!tpu.dma_semaphore, #tpu.memory_space<semaphore_mem>>) src(%dma_wait3A_213 : memref<10000x128xf32, #tpu.memory_space<hbm>>) dst(%dma_wait3A_209 : memref<40x128xf32, #tpu.memory_space<vmem>>)
        %mul3A_214 = arith.constant 40 : i32
        %mul3A_215 = arith.muli %add3A_131, %mul3A_214 : i32
        %dma_start3A_216 = arith.constant 1 : i32
        %dma_start3A_217 = arith.constant 0 : i32
        %dma_start3A_218 = arith.constant 0 : i32
        %dma_start3A_219 = tpu.memref_slice %arg9[%dma_start3A_216, %dma_start3A_217, %dma_start3A_218] : memref<5x40x128xf32, #tpu.memory_space<vmem>> -> memref<1x40x128xf32, #tpu.memory_space<vmem>>
        %dma_start3A_220 = tpu.memref_squeeze %dma_start3A_219 : memref<1x40x128xf32, #tpu.memory_space<vmem>> -> memref<40x128xf32, #tpu.memory_space<vmem>>
        %dma_start3A_221 = tpu.memref_slice %arg8[%mul3A_215] : memref<10000xi32, #tpu.memory_space<vmem>> -> memref<40xi32, #tpu.memory_space<vmem>>
        %dma_start3A_222 = arith.constant 0 : i32
        %dma_start3A_223 = arith.constant 0 : i32
        %dma_start3A_224 = tpu.memref_slice %arg11[%dma_start3A_222, %dma_start3A_223] : memref<10000x128xf32, #tpu.memory_space<vmem_shared>> -> memref<10000x128xf32, #tpu.memory_space<vmem_shared>>
        tpu.enqueue_indirect_dma source(%dma_start3A_220 : memref<40x128xf32, #tpu.memory_space<vmem>>) target(%dma_start3A_224 : memref<10000x128xf32, #tpu.memory_space<vmem_shared>>) offsets(%dma_start3A_221 : memref<40xi32, #tpu.memory_space<vmem>>) semaphore(%arg18 : memref<!tpu.dma_semaphore, #tpu.memory_space<semaphore_mem>>) {add = true}
      } else {
      }
      %add3A_137 = arith.constant 2 : i32
      %add3A_138 = arith.addi %add3A_125, %add3A_137 : i32
      %lt3A_139 = arith.constant 250 : i32
      %lt3A_140 = arith.cmpi slt, %add3A_138, %lt3A_139 : i32
      %convert_element_type3A_141 = arith.extui %lt3A_140 : i1 to i32
      %cond3A_142 = arith.constant 0 : i32
      %cond3A_143 = arith.cmpi ne, %convert_element_type3A_141, %cond3A_142 : i32
      scf.if %cond3A_143 {
        %mul3A_203 = arith.constant 40 : i32
        %mul3A_204 = arith.muli %add3A_138, %mul3A_203 : i32
        %dma_wait3A_205 = arith.constant 2 : i32
        %dma_wait3A_206 = arith.constant 0 : i32
        %dma_wait3A_207 = arith.constant 0 : i32
        %dma_wait3A_208 = tpu.memref_slice %arg9[%dma_wait3A_205, %dma_wait3A_206, %dma_wait3A_207] : memref<5x40x128xf32, #tpu.memory_space<vmem>> -> memref<1x40x128xf32, #tpu.memory_space<vmem>>
        %dma_wait3A_209 = tpu.memref_squeeze %dma_wait3A_208 : memref<1x40x128xf32, #tpu.memory_space<vmem>> -> memref<40x128xf32, #tpu.memory_space<vmem>>
        %dma_wait3A_210 = tpu.memref_slice %arg7[%mul3A_204] : memref<10000xi32, #tpu.memory_space<vmem>> -> memref<40xi32, #tpu.memory_space<vmem>>
        %dma_wait3A_211 = arith.constant 0 : i32
        %dma_wait3A_212 = arith.constant 0 : i32
        %dma_wait3A_213 = tpu.memref_slice %arg2[%dma_wait3A_211, %dma_wait3A_212] : memref<10000x128xf32, #tpu.memory_space<hbm>> -> memref<10000x128xf32, #tpu.memory_space<hbm>>
        tpu.wait_indirect_dma semaphore(%arg14 : memref<!tpu.dma_semaphore, #tpu.memory_space<semaphore_mem>>) src(%dma_wait3A_213 : memref<10000x128xf32, #tpu.memory_space<hbm>>) dst(%dma_wait3A_209 : memref<40x128xf32, #tpu.memory_space<vmem>>)
        %mul3A_214 = arith.constant 40 : i32
        %mul3A_215 = arith.muli %add3A_138, %mul3A_214 : i32
        %dma_start3A_216 = arith.constant 2 : i32
        %dma_start3A_217 = arith.constant 0 : i32
        %dma_start3A_218 = arith.constant 0 : i32
        %dma_start3A_219 = tpu.memref_slice %arg9[%dma_start3A_216, %dma_start3A_217, %dma_start3A_218] : memref<5x40x128xf32, #tpu.memory_space<vmem>> -> memref<1x40x128xf32, #tpu.memory_space<vmem>>
        %dma_start3A_220 = tpu.memref_squeeze %dma_start3A_219 : memref<1x40x128xf32, #tpu.memory_space<vmem>> -> memref<40x128xf32, #tpu.memory_space<vmem>>
        %dma_start3A_221 = tpu.memref_slice %arg8[%mul3A_215] : memref<10000xi32, #tpu.memory_space<vmem>> -> memref<40xi32, #tpu.memory_space<vmem>>
        %dma_start3A_222 = arith.constant 0 : i32
        %dma_start3A_223 = arith.constant 0 : i32
        %dma_start3A_224 = tpu.memref_slice %arg11[%dma_start3A_222, %dma_start3A_223] : memref<10000x128xf32, #tpu.memory_space<vmem_shared>> -> memref<10000x128xf32, #tpu.memory_space<vmem_shared>>
        tpu.enqueue_indirect_dma source(%dma_start3A_220 : memref<40x128xf32, #tpu.memory_space<vmem>>) target(%dma_start3A_224 : memref<10000x128xf32, #tpu.memory_space<vmem_shared>>) offsets(%dma_start3A_221 : memref<40xi32, #tpu.memory_space<vmem>>) semaphore(%arg19 : memref<!tpu.dma_semaphore, #tpu.memory_space<semaphore_mem>>) {add = true}
      } else {
      }
      %add3A_144 = arith.constant 3 : i32
      %add3A_145 = arith.addi %add3A_125, %add3A_144 : i32
      %lt3A_146 = arith.constant 250 : i32
      %lt3A_147 = arith.cmpi slt, %add3A_145, %lt3A_146 : i32
      %convert_element_type3A_148 = arith.extui %lt3A_147 : i1 to i32
      %cond3A_149 = arith.constant 0 : i32
      %cond3A_150 = arith.cmpi ne, %convert_element_type3A_148, %cond3A_149 : i32
      scf.if %cond3A_150 {
        %mul3A_203 = arith.constant 40 : i32
        %mul3A_204 = arith.muli %add3A_145, %mul3A_203 : i32
        %dma_wait3A_205 = arith.constant 3 : i32
        %dma_wait3A_206 = arith.constant 0 : i32
        %dma_wait3A_207 = arith.constant 0 : i32
        %dma_wait3A_208 = tpu.memref_slice %arg9[%dma_wait3A_205, %dma_wait3A_206, %dma_wait3A_207] : memref<5x40x128xf32, #tpu.memory_space<vmem>> -> memref<1x40x128xf32, #tpu.memory_space<vmem>>
        %dma_wait3A_209 = tpu.memref_squeeze %dma_wait3A_208 : memref<1x40x128xf32, #tpu.memory_space<vmem>> -> memref<40x128xf32, #tpu.memory_space<vmem>>
        %dma_wait3A_210 = tpu.memref_slice %arg7[%mul3A_204] : memref<10000xi32, #tpu.memory_space<vmem>> -> memref<40xi32, #tpu.memory_space<vmem>>
        %dma_wait3A_211 = arith.constant 0 : i32
        %dma_wait3A_212 = arith.constant 0 : i32
        %dma_wait3A_213 = tpu.memref_slice %arg2[%dma_wait3A_211, %dma_wait3A_212] : memref<10000x128xf32, #tpu.memory_space<hbm>> -> memref<10000x128xf32, #tpu.memory_space<hbm>>
        tpu.wait_indirect_dma semaphore(%arg15 : memref<!tpu.dma_semaphore, #tpu.memory_space<semaphore_mem>>) src(%dma_wait3A_213 : memref<10000x128xf32, #tpu.memory_space<hbm>>) dst(%dma_wait3A_209 : memref<40x128xf32, #tpu.memory_space<vmem>>)
        %mul3A_214 = arith.constant 40 : i32
        %mul3A_215 = arith.muli %add3A_145, %mul3A_214 : i32
        %dma_start3A_216 = arith.constant 3 : i32
        %dma_start3A_217 = arith.constant 0 : i32
        %dma_start3A_218 = arith.constant 0 : i32
        %dma_start3A_219 = tpu.memref_slice %arg9[%dma_start3A_216, %dma_start3A_217, %dma_start3A_218] : memref<5x40x128xf32, #tpu.memory_space<vmem>> -> memref<1x40x128xf32, #tpu.memory_space<vmem>>
        %dma_start3A_220 = tpu.memref_squeeze %dma_start3A_219 : memref<1x40x128xf32, #tpu.memory_space<vmem>> -> memref<40x128xf32, #tpu.memory_space<vmem>>
        %dma_start3A_221 = tpu.memref_slice %arg8[%mul3A_215] : memref<10000xi32, #tpu.memory_space<vmem>> -> memref<40xi32, #tpu.memory_space<vmem>>
        %dma_start3A_222 = arith.constant 0 : i32
        %dma_start3A_223 = arith.constant 0 : i32
        %dma_start3A_224 = tpu.memref_slice %arg11[%dma_start3A_222, %dma_start3A_223] : memref<10000x128xf32, #tpu.memory_space<vmem_shared>> -> memref<10000x128xf32, #tpu.memory_space<vmem_shared>>
        tpu.enqueue_indirect_dma source(%dma_start3A_220 : memref<40x128xf32, #tpu.memory_space<vmem>>) target(%dma_start3A_224 : memref<10000x128xf32, #tpu.memory_space<vmem_shared>>) offsets(%dma_start3A_221 : memref<40xi32, #tpu.memory_space<vmem>>) semaphore(%arg20 : memref<!tpu.dma_semaphore, #tpu.memory_space<semaphore_mem>>) {add = true}
      } else {
      }
      %add3A_151 = arith.constant 4 : i32
      %add3A_152 = arith.addi %add3A_125, %add3A_151 : i32
      %lt3A_153 = arith.constant 250 : i32
      %lt3A_154 = arith.cmpi slt, %add3A_152, %lt3A_153 : i32
      %convert_element_type3A_155 = arith.extui %lt3A_154 : i1 to i32
      %cond3A_156 = arith.constant 0 : i32
      %cond3A_157 = arith.cmpi ne, %convert_element_type3A_155, %cond3A_156 : i32
      scf.if %cond3A_157 {
        %mul3A_203 = arith.constant 40 : i32
        %mul3A_204 = arith.muli %add3A_152, %mul3A_203 : i32
        %dma_wait3A_205 = arith.constant 4 : i32
        %dma_wait3A_206 = arith.constant 0 : i32
        %dma_wait3A_207 = arith.constant 0 : i32
        %dma_wait3A_208 = tpu.memref_slice %arg9[%dma_wait3A_205, %dma_wait3A_206, %dma_wait3A_207] : memref<5x40x128xf32, #tpu.memory_space<vmem>> -> memref<1x40x128xf32, #tpu.memory_space<vmem>>
        %dma_wait3A_209 = tpu.memref_squeeze %dma_wait3A_208 : memref<1x40x128xf32, #tpu.memory_space<vmem>> -> memref<40x128xf32, #tpu.memory_space<vmem>>
        %dma_wait3A_210 = tpu.memref_slice %arg7[%mul3A_204] : memref<10000xi32, #tpu.memory_space<vmem>> -> memref<40xi32, #tpu.memory_space<vmem>>
        %dma_wait3A_211 = arith.constant 0 : i32
        %dma_wait3A_212 = arith.constant 0 : i32
        %dma_wait3A_213 = tpu.memref_slice %arg2[%dma_wait3A_211, %dma_wait3A_212] : memref<10000x128xf32, #tpu.memory_space<hbm>> -> memref<10000x128xf32, #tpu.memory_space<hbm>>
        tpu.wait_indirect_dma semaphore(%arg16 : memref<!tpu.dma_semaphore, #tpu.memory_space<semaphore_mem>>) src(%dma_wait3A_213 : memref<10000x128xf32, #tpu.memory_space<hbm>>) dst(%dma_wait3A_209 : memref<40x128xf32, #tpu.memory_space<vmem>>)
        %mul3A_214 = arith.constant 40 : i32
        %mul3A_215 = arith.muli %add3A_152, %mul3A_214 : i32
        %dma_start3A_216 = arith.constant 4 : i32
        %dma_start3A_217 = arith.constant 0 : i32
        %dma_start3A_218 = arith.constant 0 : i32
        %dma_start3A_219 = tpu.memref_slice %arg9[%dma_start3A_216, %dma_start3A_217, %dma_start3A_218] : memref<5x40x128xf32, #tpu.memory_space<vmem>> -> memref<1x40x128xf32, #tpu.memory_space<vmem>>
        %dma_start3A_220 = tpu.memref_squeeze %dma_start3A_219 : memref<1x40x128xf32, #tpu.memory_space<vmem>> -> memref<40x128xf32, #tpu.memory_space<vmem>>
        %dma_start3A_221 = tpu.memref_slice %arg8[%mul3A_215] : memref<10000xi32, #tpu.memory_space<vmem>> -> memref<40xi32, #tpu.memory_space<vmem>>
        %dma_start3A_222 = arith.constant 0 : i32
        %dma_start3A_223 = arith.constant 0 : i32
        %dma_start3A_224 = tpu.memref_slice %arg11[%dma_start3A_222, %dma_start3A_223] : memref<10000x128xf32, #tpu.memory_space<vmem_shared>> -> memref<10000x128xf32, #tpu.memory_space<vmem_shared>>
        tpu.enqueue_indirect_dma source(%dma_start3A_220 : memref<40x128xf32, #tpu.memory_space<vmem>>) target(%dma_start3A_224 : memref<10000x128xf32, #tpu.memory_space<vmem_shared>>) offsets(%dma_start3A_221 : memref<40xi32, #tpu.memory_space<vmem>>) semaphore(%arg21 : memref<!tpu.dma_semaphore, #tpu.memory_space<semaphore_mem>>) {add = true}
      } else {
      }
      %add3A_158 = arith.constant 5 : i32
      %add3A_159 = arith.addi %add3A_125, %add3A_158 : i32
      %add3A_160 = arith.constant 0 : i32
      %add3A_161 = arith.addi %add3A_159, %add3A_160 : i32
      %lt3A_162 = arith.constant 250 : i32
      %lt3A_163 = arith.cmpi slt, %add3A_161, %lt3A_162 : i32
      %convert_element_type3A_164 = arith.extui %lt3A_163 : i1 to i32
      %cond3A_165 = arith.constant 0 : i32
      %cond3A_166 = arith.cmpi ne, %convert_element_type3A_164, %cond3A_165 : i32
      scf.if %cond3A_166 {
        %dma_wait3A_203 = arith.constant 0 : i32
        %dma_wait3A_204 = arith.constant 0 : i32
        %dma_wait3A_205 = arith.constant 0 : i32
        %dma_wait3A_206 = tpu.memref_slice %arg9[%dma_wait3A_203, %dma_wait3A_204, %dma_wait3A_205] : memref<5x40x128xf32, #tpu.memory_space<vmem>> -> memref<1x40x128xf32, #tpu.memory_space<vmem>>
        %dma_wait3A_207 = tpu.memref_squeeze %dma_wait3A_206 : memref<1x40x128xf32, #tpu.memory_space<vmem>> -> memref<40x128xf32, #tpu.memory_space<vmem>>
        %dma_wait3A_208 = arith.constant 0 : i32
        %dma_wait3A_209 = tpu.memref_slice %arg8[%dma_wait3A_208] : memref<10000xi32, #tpu.memory_space<vmem>> -> memref<40xi32, #tpu.memory_space<vmem>>
        %dma_wait3A_210 = arith.constant 0 : i32
        %dma_wait3A_211 = arith.constant 0 : i32
        %dma_wait3A_212 = tpu.memref_slice %arg11[%dma_wait3A_210, %dma_wait3A_211] : memref<10000x128xf32, #tpu.memory_space<vmem_shared>> -> memref<10000x128xf32, #tpu.memory_space<vmem_shared>>
        tpu.wait_indirect_dma semaphore(%arg17 : memref<!tpu.dma_semaphore, #tpu.memory_space<semaphore_mem>>) src(%dma_wait3A_207 : memref<40x128xf32, #tpu.memory_space<vmem>>) dst(%dma_wait3A_212 : memref<10000x128xf32, #tpu.memory_space<vmem_shared>>)
        %mul3A_213 = arith.constant 40 : i32
        %mul3A_214 = arith.muli %add3A_161, %mul3A_213 : i32
        %dma_start3A_215 = arith.constant 0 : i32
        %dma_start3A_216 = arith.constant 0 : i32
        %dma_start3A_217 = arith.constant 0 : i32
        %dma_start3A_218 = tpu.memref_slice %arg9[%dma_start3A_215, %dma_start3A_216, %dma_start3A_217] : memref<5x40x128xf32, #tpu.memory_space<vmem>> -> memref<1x40x128xf32, #tpu.memory_space<vmem>>
        %dma_start3A_219 = tpu.memref_squeeze %dma_start3A_218 : memref<1x40x128xf32, #tpu.memory_space<vmem>> -> memref<40x128xf32, #tpu.memory_space<vmem>>
        %dma_start3A_220 = tpu.memref_slice %arg7[%mul3A_214] : memref<10000xi32, #tpu.memory_space<vmem>> -> memref<40xi32, #tpu.memory_space<vmem>>
        %dma_start3A_221 = arith.constant 0 : i32
        %dma_start3A_222 = arith.constant 0 : i32
        %dma_start3A_223 = tpu.memref_slice %arg2[%dma_start3A_221, %dma_start3A_222] : memref<10000x128xf32, #tpu.memory_space<hbm>> -> memref<10000x128xf32, #tpu.memory_space<hbm>>
        tpu.enqueue_indirect_dma source(%dma_start3A_223 : memref<10000x128xf32, #tpu.memory_space<hbm>>) target(%dma_start3A_219 : memref<40x128xf32, #tpu.memory_space<vmem>>) offsets(%dma_start3A_220 : memref<40xi32, #tpu.memory_space<vmem>>) semaphore(%arg12 : memref<!tpu.dma_semaphore, #tpu.memory_space<semaphore_mem>>)
      } else {
      }
      %add3A_167 = arith.constant 5 : i32
      %add3A_168 = arith.addi %add3A_125, %add3A_167 : i32
      %add3A_169 = arith.constant 1 : i32
      %add3A_170 = arith.addi %add3A_168, %add3A_169 : i32
      %lt3A_171 = arith.constant 250 : i32
      %lt3A_172 = arith.cmpi slt, %add3A_170, %lt3A_171 : i32
      %convert_element_type3A_173 = arith.extui %lt3A_172 : i1 to i32
      %cond3A_174 = arith.constant 0 : i32
      %cond3A_175 = arith.cmpi ne, %convert_element_type3A_173, %cond3A_174 : i32
      scf.if %cond3A_175 {
        %dma_wait3A_203 = arith.constant 1 : i32
        %dma_wait3A_204 = arith.constant 0 : i32
        %dma_wait3A_205 = arith.constant 0 : i32
        %dma_wait3A_206 = tpu.memref_slice %arg9[%dma_wait3A_203, %dma_wait3A_204, %dma_wait3A_205] : memref<5x40x128xf32, #tpu.memory_space<vmem>> -> memref<1x40x128xf32, #tpu.memory_space<vmem>>
        %dma_wait3A_207 = tpu.memref_squeeze %dma_wait3A_206 : memref<1x40x128xf32, #tpu.memory_space<vmem>> -> memref<40x128xf32, #tpu.memory_space<vmem>>
        %dma_wait3A_208 = arith.constant 0 : i32
        %dma_wait3A_209 = tpu.memref_slice %arg8[%dma_wait3A_208] : memref<10000xi32, #tpu.memory_space<vmem>> -> memref<40xi32, #tpu.memory_space<vmem>>
        %dma_wait3A_210 = arith.constant 0 : i32
        %dma_wait3A_211 = arith.constant 0 : i32
        %dma_wait3A_212 = tpu.memref_slice %arg11[%dma_wait3A_210, %dma_wait3A_211] : memref<10000x128xf32, #tpu.memory_space<vmem_shared>> -> memref<10000x128xf32, #tpu.memory_space<vmem_shared>>
        tpu.wait_indirect_dma semaphore(%arg18 : memref<!tpu.dma_semaphore, #tpu.memory_space<semaphore_mem>>) src(%dma_wait3A_207 : memref<40x128xf32, #tpu.memory_space<vmem>>) dst(%dma_wait3A_212 : memref<10000x128xf32, #tpu.memory_space<vmem_shared>>)
        %mul3A_213 = arith.constant 40 : i32
        %mul3A_214 = arith.muli %add3A_170, %mul3A_213 : i32
        %dma_start3A_215 = arith.constant 1 : i32
        %dma_start3A_216 = arith.constant 0 : i32
        %dma_start3A_217 = arith.constant 0 : i32
        %dma_start3A_218 = tpu.memref_slice %arg9[%dma_start3A_215, %dma_start3A_216, %dma_start3A_217] : memref<5x40x128xf32, #tpu.memory_space<vmem>> -> memref<1x40x128xf32, #tpu.memory_space<vmem>>
        %dma_start3A_219 = tpu.memref_squeeze %dma_start3A_218 : memref<1x40x128xf32, #tpu.memory_space<vmem>> -> memref<40x128xf32, #tpu.memory_space<vmem>>
        %dma_start3A_220 = tpu.memref_slice %arg7[%mul3A_214] : memref<10000xi32, #tpu.memory_space<vmem>> -> memref<40xi32, #tpu.memory_space<vmem>>
        %dma_start3A_221 = arith.constant 0 : i32
        %dma_start3A_222 = arith.constant 0 : i32
        %dma_start3A_223 = tpu.memref_slice %arg2[%dma_start3A_221, %dma_start3A_222] : memref<10000x128xf32, #tpu.memory_space<hbm>> -> memref<10000x128xf32, #tpu.memory_space<hbm>>
        tpu.enqueue_indirect_dma source(%dma_start3A_223 : memref<10000x128xf32, #tpu.memory_space<hbm>>) target(%dma_start3A_219 : memref<40x128xf32, #tpu.memory_space<vmem>>) offsets(%dma_start3A_220 : memref<40xi32, #tpu.memory_space<vmem>>) semaphore(%arg13 : memref<!tpu.dma_semaphore, #tpu.memory_space<semaphore_mem>>)
      } else {
      }
      %add3A_176 = arith.constant 5 : i32
      %add3A_177 = arith.addi %add3A_125, %add3A_176 : i32
      %add3A_178 = arith.constant 2 : i32
      %add3A_179 = arith.addi %add3A_177, %add3A_178 : i32
      %lt3A_180 = arith.constant 250 : i32
      %lt3A_181 = arith.cmpi slt, %add3A_179, %lt3A_180 : i32
      %convert_element_type3A_182 = arith.extui %lt3A_181 : i1 to i32
      %cond3A_183 = arith.constant 0 : i32
      %cond3A_184 = arith.cmpi ne, %convert_element_type3A_182, %cond3A_183 : i32
      scf.if %cond3A_184 {
        %dma_wait3A_203 = arith.constant 2 : i32
        %dma_wait3A_204 = arith.constant 0 : i32
        %dma_wait3A_205 = arith.constant 0 : i32
        %dma_wait3A_206 = tpu.memref_slice %arg9[%dma_wait3A_203, %dma_wait3A_204, %dma_wait3A_205] : memref<5x40x128xf32, #tpu.memory_space<vmem>> -> memref<1x40x128xf32, #tpu.memory_space<vmem>>
        %dma_wait3A_207 = tpu.memref_squeeze %dma_wait3A_206 : memref<1x40x128xf32, #tpu.memory_space<vmem>> -> memref<40x128xf32, #tpu.memory_space<vmem>>
        %dma_wait3A_208 = arith.constant 0 : i32
        %dma_wait3A_209 = tpu.memref_slice %arg8[%dma_wait3A_208] : memref<10000xi32, #tpu.memory_space<vmem>> -> memref<40xi32, #tpu.memory_space<vmem>>
        %dma_wait3A_210 = arith.constant 0 : i32
        %dma_wait3A_211 = arith.constant 0 : i32
        %dma_wait3A_212 = tpu.memref_slice %arg11[%dma_wait3A_210, %dma_wait3A_211] : memref<10000x128xf32, #tpu.memory_space<vmem_shared>> -> memref<10000x128xf32, #tpu.memory_space<vmem_shared>>
        tpu.wait_indirect_dma semaphore(%arg19 : memref<!tpu.dma_semaphore, #tpu.memory_space<semaphore_mem>>) src(%dma_wait3A_207 : memref<40x128xf32, #tpu.memory_space<vmem>>) dst(%dma_wait3A_212 : memref<10000x128xf32, #tpu.memory_space<vmem_shared>>)
        %mul3A_213 = arith.constant 40 : i32
        %mul3A_214 = arith.muli %add3A_179, %mul3A_213 : i32
        %dma_start3A_215 = arith.constant 2 : i32
        %dma_start3A_216 = arith.constant 0 : i32
        %dma_start3A_217 = arith.constant 0 : i32
        %dma_start3A_218 = tpu.memref_slice %arg9[%dma_start3A_215, %dma_start3A_216, %dma_start3A_217] : memref<5x40x128xf32, #tpu.memory_space<vmem>> -> memref<1x40x128xf32, #tpu.memory_space<vmem>>
        %dma_start3A_219 = tpu.memref_squeeze %dma_start3A_218 : memref<1x40x128xf32, #tpu.memory_space<vmem>> -> memref<40x128xf32, #tpu.memory_space<vmem>>
        %dma_start3A_220 = tpu.memref_slice %arg7[%mul3A_214] : memref<10000xi32, #tpu.memory_space<vmem>> -> memref<40xi32, #tpu.memory_space<vmem>>
        %dma_start3A_221 = arith.constant 0 : i32
        %dma_start3A_222 = arith.constant 0 : i32
        %dma_start3A_223 = tpu.memref_slice %arg2[%dma_start3A_221, %dma_start3A_222] : memref<10000x128xf32, #tpu.memory_space<hbm>> -> memref<10000x128xf32, #tpu.memory_space<hbm>>
        tpu.enqueue_indirect_dma source(%dma_start3A_223 : memref<10000x128xf32, #tpu.memory_space<hbm>>) target(%dma_start3A_219 : memref<40x128xf32, #tpu.memory_space<vmem>>) offsets(%dma_start3A_220 : memref<40xi32, #tpu.memory_space<vmem>>) semaphore(%arg14 : memref<!tpu.dma_semaphore, #tpu.memory_space<semaphore_mem>>)
      } else {
      }
      %add3A_185 = arith.constant 5 : i32
      %add3A_186 = arith.addi %add3A_125, %add3A_185 : i32
      %add3A_187 = arith.constant 3 : i32
      %add3A_188 = arith.addi %add3A_186, %add3A_187 : i32
      %lt3A_189 = arith.constant 250 : i32
      %lt3A_190 = arith.cmpi slt, %add3A_188, %lt3A_189 : i32
      %convert_element_type3A_191 = arith.extui %lt3A_190 : i1 to i32
      %cond3A_192 = arith.constant 0 : i32
      %cond3A_193 = arith.cmpi ne, %convert_element_type3A_191, %cond3A_192 : i32
      scf.if %cond3A_193 {
        %dma_wait3A_203 = arith.constant 3 : i32
        %dma_wait3A_204 = arith.constant 0 : i32
        %dma_wait3A_205 = arith.constant 0 : i32
        %dma_wait3A_206 = tpu.memref_slice %arg9[%dma_wait3A_203, %dma_wait3A_204, %dma_wait3A_205] : memref<5x40x128xf32, #tpu.memory_space<vmem>> -> memref<1x40x128xf32, #tpu.memory_space<vmem>>
        %dma_wait3A_207 = tpu.memref_squeeze %dma_wait3A_206 : memref<1x40x128xf32, #tpu.memory_space<vmem>> -> memref<40x128xf32, #tpu.memory_space<vmem>>
        %dma_wait3A_208 = arith.constant 0 : i32
        %dma_wait3A_209 = tpu.memref_slice %arg8[%dma_wait3A_208] : memref<10000xi32, #tpu.memory_space<vmem>> -> memref<40xi32, #tpu.memory_space<vmem>>
        %dma_wait3A_210 = arith.constant 0 : i32
        %dma_wait3A_211 = arith.constant 0 : i32
        %dma_wait3A_212 = tpu.memref_slice %arg11[%dma_wait3A_210, %dma_wait3A_211] : memref<10000x128xf32, #tpu.memory_space<vmem_shared>> -> memref<10000x128xf32, #tpu.memory_space<vmem_shared>>
        tpu.wait_indirect_dma semaphore(%arg20 : memref<!tpu.dma_semaphore, #tpu.memory_space<semaphore_mem>>) src(%dma_wait3A_207 : memref<40x128xf32, #tpu.memory_space<vmem>>) dst(%dma_wait3A_212 : memref<10000x128xf32, #tpu.memory_space<vmem_shared>>)
        %mul3A_213 = arith.constant 40 : i32
        %mul3A_214 = arith.muli %add3A_188, %mul3A_213 : i32
        %dma_start3A_215 = arith.constant 3 : i32
        %dma_start3A_216 = arith.constant 0 : i32
        %dma_start3A_217 = arith.constant 0 : i32
        %dma_start3A_218 = tpu.memref_slice %arg9[%dma_start3A_215, %dma_start3A_216, %dma_start3A_217] : memref<5x40x128xf32, #tpu.memory_space<vmem>> -> memref<1x40x128xf32, #tpu.memory_space<vmem>>
        %dma_start3A_219 = tpu.memref_squeeze %dma_start3A_218 : memref<1x40x128xf32, #tpu.memory_space<vmem>> -> memref<40x128xf32, #tpu.memory_space<vmem>>
        %dma_start3A_220 = tpu.memref_slice %arg7[%mul3A_214] : memref<10000xi32, #tpu.memory_space<vmem>> -> memref<40xi32, #tpu.memory_space<vmem>>
        %dma_start3A_221 = arith.constant 0 : i32
        %dma_start3A_222 = arith.constant 0 : i32
        %dma_start3A_223 = tpu.memref_slice %arg2[%dma_start3A_221, %dma_start3A_222] : memref<10000x128xf32, #tpu.memory_space<hbm>> -> memref<10000x128xf32, #tpu.memory_space<hbm>>
        tpu.enqueue_indirect_dma source(%dma_start3A_223 : memref<10000x128xf32, #tpu.memory_space<hbm>>) target(%dma_start3A_219 : memref<40x128xf32, #tpu.memory_space<vmem>>) offsets(%dma_start3A_220 : memref<40xi32, #tpu.memory_space<vmem>>) semaphore(%arg15 : memref<!tpu.dma_semaphore, #tpu.memory_space<semaphore_mem>>)
      } else {
      }
      %add3A_194 = arith.constant 5 : i32
      %add3A_195 = arith.addi %add3A_125, %add3A_194 : i32
      %add3A_196 = arith.constant 4 : i32
      %add3A_197 = arith.addi %add3A_195, %add3A_196 : i32
      %lt3A_198 = arith.constant 250 : i32
      %lt3A_199 = arith.cmpi slt, %add3A_197, %lt3A_198 : i32
      %convert_element_type3A_200 = arith.extui %lt3A_199 : i1 to i32
      %cond3A_201 = arith.constant 0 : i32
      %cond3A_202 = arith.cmpi ne, %convert_element_type3A_200, %cond3A_201 : i32
      scf.if %cond3A_202 {
        %dma_wait3A_203 = arith.constant 4 : i32
        %dma_wait3A_204 = arith.constant 0 : i32
        %dma_wait3A_205 = arith.constant 0 : i32
        %dma_wait3A_206 = tpu.memref_slice %arg9[%dma_wait3A_203, %dma_wait3A_204, %dma_wait3A_205] : memref<5x40x128xf32, #tpu.memory_space<vmem>> -> memref<1x40x128xf32, #tpu.memory_space<vmem>>
        %dma_wait3A_207 = tpu.memref_squeeze %dma_wait3A_206 : memref<1x40x128xf32, #tpu.memory_space<vmem>> -> memref<40x128xf32, #tpu.memory_space<vmem>>
        %dma_wait3A_208 = arith.constant 0 : i32
        %dma_wait3A_209 = tpu.memref_slice %arg8[%dma_wait3A_208] : memref<10000xi32, #tpu.memory_space<vmem>> -> memref<40xi32, #tpu.memory_space<vmem>>
        %dma_wait3A_210 = arith.constant 0 : i32
        %dma_wait3A_211 = arith.constant 0 : i32
        %dma_wait3A_212 = tpu.memref_slice %arg11[%dma_wait3A_210, %dma_wait3A_211] : memref<10000x128xf32, #tpu.memory_space<vmem_shared>> -> memref<10000x128xf32, #tpu.memory_space<vmem_shared>>
        tpu.wait_indirect_dma semaphore(%arg21 : memref<!tpu.dma_semaphore, #tpu.memory_space<semaphore_mem>>) src(%dma_wait3A_207 : memref<40x128xf32, #tpu.memory_space<vmem>>) dst(%dma_wait3A_212 : memref<10000x128xf32, #tpu.memory_space<vmem_shared>>)
        %mul3A_213 = arith.constant 40 : i32
        %mul3A_214 = arith.muli %add3A_197, %mul3A_213 : i32
        %dma_start3A_215 = arith.constant 4 : i32
        %dma_start3A_216 = arith.constant 0 : i32
        %dma_start3A_217 = arith.constant 0 : i32
        %dma_start3A_218 = tpu.memref_slice %arg9[%dma_start3A_215, %dma_start3A_216, %dma_start3A_217] : memref<5x40x128xf32, #tpu.memory_space<vmem>> -> memref<1x40x128xf32, #tpu.memory_space<vmem>>
        %dma_start3A_219 = tpu.memref_squeeze %dma_start3A_218 : memref<1x40x128xf32, #tpu.memory_space<vmem>> -> memref<40x128xf32, #tpu.memory_space<vmem>>
        %dma_start3A_220 = tpu.memref_slice %arg7[%mul3A_214] : memref<10000xi32, #tpu.memory_space<vmem>> -> memref<40xi32, #tpu.memory_space<vmem>>
        %dma_start3A_221 = arith.constant 0 : i32
        %dma_start3A_222 = arith.constant 0 : i32
        %dma_start3A_223 = tpu.memref_slice %arg2[%dma_start3A_221, %dma_start3A_222] : memref<10000x128xf32, #tpu.memory_space<hbm>> -> memref<10000x128xf32, #tpu.memory_space<hbm>>
        tpu.enqueue_indirect_dma source(%dma_start3A_223 : memref<10000x128xf32, #tpu.memory_space<hbm>>) target(%dma_start3A_219 : memref<40x128xf32, #tpu.memory_space<vmem>>) offsets(%dma_start3A_220 : memref<40xi32, #tpu.memory_space<vmem>>) semaphore(%arg16 : memref<!tpu.dma_semaphore, #tpu.memory_space<semaphore_mem>>)
      } else {
      }
    }
    %scan3A_70 = arith.constant 50 : i32
    %dma_wait3A = arith.constant 0 : i32
    %dma_wait3A_71 = arith.constant 0 : i32
    %dma_wait3A_72 = arith.constant 0 : i32
    %dma_wait3A_73 = tpu.memref_slice %arg9[%dma_wait3A, %dma_wait3A_71, %dma_wait3A_72] : memref<5x40x128xf32, #tpu.memory_space<vmem>> -> memref<1x40x128xf32, #tpu.memory_space<vmem>>
    %dma_wait3A_74 = tpu.memref_squeeze %dma_wait3A_73 : memref<1x40x128xf32, #tpu.memory_space<vmem>> -> memref<40x128xf32, #tpu.memory_space<vmem>>
    %dma_wait3A_75 = arith.constant 0 : i32
    %dma_wait3A_76 = tpu.memref_slice %arg8[%dma_wait3A_75] : memref<10000xi32, #tpu.memory_space<vmem>> -> memref<40xi32, #tpu.memory_space<vmem>>
    %dma_wait3A_77 = arith.constant 0 : i32
    %dma_wait3A_78 = arith.constant 0 : i32
    %dma_wait3A_79 = tpu.memref_slice %arg11[%dma_wait3A_77, %dma_wait3A_78] : memref<10000x128xf32, #tpu.memory_space<vmem_shared>> -> memref<10000x128xf32, #tpu.memory_space<vmem_shared>>
    tpu.wait_indirect_dma semaphore(%arg17 : memref<!tpu.dma_semaphore, #tpu.memory_space<semaphore_mem>>) src(%dma_wait3A_74 : memref<40x128xf32, #tpu.memory_space<vmem>>) dst(%dma_wait3A_79 : memref<10000x128xf32, #tpu.memory_space<vmem_shared>>)
    %dma_wait3A_80 = arith.constant 1 : i32
    %dma_wait3A_81 = arith.constant 0 : i32
    %dma_wait3A_82 = arith.constant 0 : i32
    %dma_wait3A_83 = tpu.memref_slice %arg9[%dma_wait3A_80, %dma_wait3A_81, %dma_wait3A_82] : memref<5x40x128xf32, #tpu.memory_space<vmem>> -> memref<1x40x128xf32, #tpu.memory_space<vmem>>
    %dma_wait3A_84 = tpu.memref_squeeze %dma_wait3A_83 : memref<1x40x128xf32, #tpu.memory_space<vmem>> -> memref<40x128xf32, #tpu.memory_space<vmem>>
    %dma_wait3A_85 = arith.constant 0 : i32
    %dma_wait3A_86 = tpu.memref_slice %arg8[%dma_wait3A_85] : memref<10000xi32, #tpu.memory_space<vmem>> -> memref<40xi32, #tpu.memory_space<vmem>>
    %dma_wait3A_87 = arith.constant 0 : i32
    %dma_wait3A_88 = arith.constant 0 : i32
    %dma_wait3A_89 = tpu.memref_slice %arg11[%dma_wait3A_87, %dma_wait3A_88] : memref<10000x128xf32, #tpu.memory_space<vmem_shared>> -> memref<10000x128xf32, #tpu.memory_space<vmem_shared>>
    tpu.wait_indirect_dma semaphore(%arg18 : memref<!tpu.dma_semaphore, #tpu.memory_space<semaphore_mem>>) src(%dma_wait3A_84 : memref<40x128xf32, #tpu.memory_space<vmem>>) dst(%dma_wait3A_89 : memref<10000x128xf32, #tpu.memory_space<vmem_shared>>)
    %dma_wait3A_90 = arith.constant 2 : i32
    %dma_wait3A_91 = arith.constant 0 : i32
    %dma_wait3A_92 = arith.constant 0 : i32
    %dma_wait3A_93 = tpu.memref_slice %arg9[%dma_wait3A_90, %dma_wait3A_91, %dma_wait3A_92] : memref<5x40x128xf32, #tpu.memory_space<vmem>> -> memref<1x40x128xf32, #tpu.memory_space<vmem>>
    %dma_wait3A_94 = tpu.memref_squeeze %dma_wait3A_93 : memref<1x40x128xf32, #tpu.memory_space<vmem>> -> memref<40x128xf32, #tpu.memory_space<vmem>>
    %dma_wait3A_95 = arith.constant 0 : i32
    %dma_wait3A_96 = tpu.memref_slice %arg8[%dma_wait3A_95] : memref<10000xi32, #tpu.memory_space<vmem>> -> memref<40xi32, #tpu.memory_space<vmem>>
    %dma_wait3A_97 = arith.constant 0 : i32
    %dma_wait3A_98 = arith.constant 0 : i32
    %dma_wait3A_99 = tpu.memref_slice %arg11[%dma_wait3A_97, %dma_wait3A_98] : memref<10000x128xf32, #tpu.memory_space<vmem_shared>> -> memref<10000x128xf32, #tpu.memory_space<vmem_shared>>
    tpu.wait_indirect_dma semaphore(%arg19 : memref<!tpu.dma_semaphore, #tpu.memory_space<semaphore_mem>>) src(%dma_wait3A_94 : memref<40x128xf32, #tpu.memory_space<vmem>>) dst(%dma_wait3A_99 : memref<10000x128xf32, #tpu.memory_space<vmem_shared>>)
    %dma_wait3A_100 = arith.constant 3 : i32
    %dma_wait3A_101 = arith.constant 0 : i32
    %dma_wait3A_102 = arith.constant 0 : i32
    %dma_wait3A_103 = tpu.memref_slice %arg9[%dma_wait3A_100, %dma_wait3A_101, %dma_wait3A_102] : memref<5x40x128xf32, #tpu.memory_space<vmem>> -> memref<1x40x128xf32, #tpu.memory_space<vmem>>
    %dma_wait3A_104 = tpu.memref_squeeze %dma_wait3A_103 : memref<1x40x128xf32, #tpu.memory_space<vmem>> -> memref<40x128xf32, #tpu.memory_space<vmem>>
    %dma_wait3A_105 = arith.constant 0 : i32
    %dma_wait3A_106 = tpu.memref_slice %arg8[%dma_wait3A_105] : memref<10000xi32, #tpu.memory_space<vmem>> -> memref<40xi32, #tpu.memory_space<vmem>>
    %dma_wait3A_107 = arith.constant 0 : i32
    %dma_wait3A_108 = arith.constant 0 : i32
    %dma_wait3A_109 = tpu.memref_slice %arg11[%dma_wait3A_107, %dma_wait3A_108] : memref<10000x128xf32, #tpu.memory_space<vmem_shared>> -> memref<10000x128xf32, #tpu.memory_space<vmem_shared>>
    tpu.wait_indirect_dma semaphore(%arg20 : memref<!tpu.dma_semaphore, #tpu.memory_space<semaphore_mem>>) src(%dma_wait3A_104 : memref<40x128xf32, #tpu.memory_space<vmem>>) dst(%dma_wait3A_109 : memref<10000x128xf32, #tpu.memory_space<vmem_shared>>)
    %dma_wait3A_110 = arith.constant 4 : i32
    %dma_wait3A_111 = arith.constant 0 : i32
    %dma_wait3A_112 = arith.constant 0 : i32
    %dma_wait3A_113 = tpu.memref_slice %arg9[%dma_wait3A_110, %dma_wait3A_111, %dma_wait3A_112] : memref<5x40x128xf32, #tpu.memory_space<vmem>> -> memref<1x40x128xf32, #tpu.memory_space<vmem>>
    %dma_wait3A_114 = tpu.memref_squeeze %dma_wait3A_113 : memref<1x40x128xf32, #tpu.memory_space<vmem>> -> memref<40x128xf32, #tpu.memory_space<vmem>>
    %dma_wait3A_115 = arith.constant 0 : i32
    %dma_wait3A_116 = tpu.memref_slice %arg8[%dma_wait3A_115] : memref<10000xi32, #tpu.memory_space<vmem>> -> memref<40xi32, #tpu.memory_space<vmem>>
    %dma_wait3A_117 = arith.constant 0 : i32
    %dma_wait3A_118 = arith.constant 0 : i32
    %dma_wait3A_119 = tpu.memref_slice %arg11[%dma_wait3A_117, %dma_wait3A_118] : memref<10000x128xf32, #tpu.memory_space<vmem_shared>> -> memref<10000x128xf32, #tpu.memory_space<vmem_shared>>
    tpu.wait_indirect_dma semaphore(%arg21 : memref<!tpu.dma_semaphore, #tpu.memory_space<semaphore_mem>>) src(%dma_wait3A_114 : memref<40x128xf32, #tpu.memory_space<vmem>>) dst(%dma_wait3A_119 : memref<10000x128xf32, #tpu.memory_space<vmem_shared>>)
    %barrier3A_120 = arith.constant 0 : index
    tpu.barrier barrier_id(%barrier3A_120)
    "tpu.region"() ({
      %run_scoped3A = tpu.sem_alloc : memref<!tpu.dma_semaphore, #tpu.memory_space<semaphore_mem>>
      %dma_start3A_121 = arith.constant 0 : i32
      %dma_start3A_122 = tpu.memref_slice %arg6[%arg0, %min3A_3, %dma_start3A_121] : memref<2x10000x128xf32, #tpu.memory_space<hbm>> -> memref<1x640x128xf32, #tpu.memory_space<hbm>>
      %dma_start3A_123 = tpu.memref_squeeze %dma_start3A_122 : memref<1x640x128xf32, #tpu.memory_space<hbm>> -> memref<640x128xf32, #tpu.memory_space<hbm>>
      %dma_start3A_124 = arith.constant 0 : i32
      %dma_start3A_125 = tpu.memref_slice %arg11[%min3A_3, %dma_start3A_124] : memref<10000x128xf32, #tpu.memory_space<vmem_shared>> -> memref<640x128xf32, #tpu.memory_space<vmem_shared>>
      tpu.enqueue_dma source(%dma_start3A_125 : memref<640x128xf32, #tpu.memory_space<vmem_shared>>) target(%dma_start3A_123 : memref<640x128xf32, #tpu.memory_space<hbm>>) target_semaphore(%run_scoped3A : memref<!tpu.dma_semaphore, #tpu.memory_space<semaphore_mem>>)
      %dma_wait3A_126 = arith.constant 0 : i32
      %dma_wait3A_127 = tpu.memref_slice %arg6[%arg0, %min3A_3, %dma_wait3A_126] : memref<2x10000x128xf32, #tpu.memory_space<hbm>> -> memref<1x640x128xf32, #tpu.memory_space<hbm>>
      %dma_wait3A_128 = tpu.memref_squeeze %dma_wait3A_127 : memref<1x640x128xf32, #tpu.memory_space<hbm>> -> memref<640x128xf32, #tpu.memory_space<hbm>>
      %dma_wait3A_129 = arith.constant 0 : i32
      %dma_wait3A_130 = tpu.memref_slice %arg11[%min3A_3, %dma_wait3A_129] : memref<10000x128xf32, #tpu.memory_space<vmem_shared>> -> memref<640x128xf32, #tpu.memory_space<vmem_shared>>
      tpu.wait_dma2 semaphore(%run_scoped3A : memref<!tpu.dma_semaphore, #tpu.memory_space<semaphore_mem>>) src(%dma_wait3A_130 : memref<640x128xf32, #tpu.memory_space<vmem_shared>>) dst(%dma_wait3A_128 : memref<640x128xf32, #tpu.memory_space<hbm>>)
      tpu.yield
    }) : () -> ()
    return
  }
}

#map = affine_map<(d0, d1) -> (0, 0)>
#map1 = affine_map<(d0, d1) -> (0)>
#map2 = affine_map<(d0, d1) -> (0, 0, 0)>
module attributes {stable_mosaic.version = 14 : i64} {
  func.func @_seg_sum(%arg0: i32, %arg1: i32, %arg2: memref<10000x128xf32, #tpu.memory_space<hbm>>, %arg3: memref<320000xi32, #tpu.memory_space<hbm>>, %arg4: memref<320000xi32, #tpu.memory_space<hbm>>, %arg5: memref<16x128xf32, #tpu.memory_space<hbm>>, %arg6: memref<2x10000x128xf32, #tpu.memory_space<hbm>>, %arg7: memref<10000xi32, #tpu.memory_space<vmem>>, %arg8: memref<10000xi32, #tpu.memory_space<vmem>>, %arg9: memref<5x40x128xf32, #tpu.memory_space<vmem>>, %arg10: memref<16x128xf32, #tpu.memory_space<vmem>>, %arg11: memref<10000x128xf32, #tpu.memory_space<vmem_shared>>, %arg12: memref<!tpu.dma_semaphore, #tpu.memory_space<semaphore_mem>>, %arg13: memref<!tpu.dma_semaphore, #tpu.memory_space<semaphore_mem>>, %arg14: memref<!tpu.dma_semaphore, #tpu.memory_space<semaphore_mem>>, %arg15: memref<!tpu.dma_semaphore, #tpu.memory_space<semaphore_mem>>, %arg16: memref<!tpu.dma_semaphore, #tpu.memory_space<semaphore_mem>>, %arg17: memref<!tpu.dma_semaphore, #tpu.memory_space<semaphore_mem>>, %arg18: memref<!tpu.dma_semaphore, #tpu.memory_space<semaphore_mem>>, %arg19: memref<!tpu.dma_semaphore, #tpu.memory_space<semaphore_mem>>, %arg20: memref<!tpu.dma_semaphore, #tpu.memory_space<semaphore_mem>>, %arg21: memref<!tpu.dma_semaphore, #tpu.memory_space<semaphore_mem>>, %arg22: memref<!tpu.dma_semaphore, #tpu.memory_space<semaphore_mem>>) attributes {dimension_semantics = [#tpu.dimension_semantics<core_parallel>, #tpu.dimension_semantics<subcore_parallel>], iteration_bounds = array<i64: 2, 16>, scalar_prefetch = 0 : i64, scratch_operands = 16 : i64, tpu.core_type = #tpu.core_type<sc_vector_subcore>, window_params = [{transform_indices = #map}, {transform_indices = #map1}, {transform_indices = #map1}, {transform_indices = #map}, {transform_indices = #map2}]} {
    %mul3A = arith.constant 2 : i32
    %mul3A_0 = arith.muli %arg1, %mul3A : i32
    %add3A = arith.addi %mul3A_0, %arg0 : i32
    %mul3A_1 = arith.constant 640 : i32
    %mul3A_2 = arith.muli %arg1, %mul3A_1 : i32
    %min3A = arith.constant 9360 : i32
    %min3A_3 = arith.minsi %mul3A_2, %min3A : i32
    "tpu.region"() ({
      %run_scoped3A = tpu.sem_alloc : memref<!tpu.dma_semaphore, #tpu.memory_space<semaphore_mem>>
      tpu.enqueue_dma source(%arg5 : memref<16x128xf32, #tpu.memory_space<hbm>>) target(%arg10 : memref<16x128xf32, #tpu.memory_space<vmem>>) target_semaphore(%run_scoped3A : memref<!tpu.dma_semaphore, #tpu.memory_space<semaphore_mem>>)
      tpu.wait_dma2 semaphore(%run_scoped3A : memref<!tpu.dma_semaphore, #tpu.memory_space<semaphore_mem>>) src(%arg5 : memref<16x128xf32, #tpu.memory_space<hbm>>) dst(%arg10 : memref<16x128xf32, #tpu.memory_space<vmem>>)
      tpu.yield
    }) : () -> ()
    %scan3A = arith.constant 0 : i32
    %scan3A_4 = arith.constant 40 : i32
    %scan3A_5 = arith.addi %scan3A, %scan3A_4 : i32
    %scan3A_6 = arith.constant 1 : i32
    scf.for %scan3A_121 = %scan3A to %scan3A_5 step %scan3A_6  : i32 {
      %mul3A_122 = arith.constant 1 : i32
      %mul3A_123 = arith.muli %scan3A_121, %mul3A_122 : i32
      %add3A_124 = arith.constant 0 : i32
      %add3A_125 = arith.addi %add3A_124, %mul3A_123 : i32
      %mul3A_126 = arith.constant 16 : i32
      %mul3A_127 = arith.muli %add3A_125, %mul3A_126 : i32
      %add3A_128 = arith.addi %min3A_3, %mul3A_127 : i32
      %dma_start3A_129 = arith.constant 0 : i32
      %dma_start3A_130 = tpu.memref_slice %arg11[%add3A_128, %dma_start3A_129] : memref<10000x128xf32, #tpu.memory_space<vmem_shared>> -> memref<16x128xf32, #tpu.memory_space<vmem_shared>>
      %dma_start3A_131 = arith.constant 0 : i32
      %dma_start3A_132 = tpu.memref_slice %arg11[%add3A_128, %dma_start3A_131] : memref<10000x128xf32, #tpu.memory_space<vmem_shared>> -> memref<16x128xf32, #tpu.memory_space<vmem_shared>>
      tpu.enqueue_dma source(%arg10 : memref<16x128xf32, #tpu.memory_space<vmem>>) target(%dma_start3A_132 : memref<16x128xf32, #tpu.memory_space<vmem_shared>>) target_semaphore(%arg22 : memref<!tpu.dma_semaphore, #tpu.memory_space<semaphore_mem>>)
    }
    %scan3A_7 = arith.constant 40 : i32
    %mul3A_8 = arith.constant 10000 : i32
    %mul3A_9 = arith.muli %add3A, %mul3A_8 : i32
    "tpu.region"() ({
      %run_scoped3A = tpu.sem_alloc : memref<!tpu.dma_semaphore, #tpu.memory_space<semaphore_mem>>
      %dma_start3A_121 = tpu.memref_slice %arg3[%mul3A_9] : memref<320000xi32, #tpu.memory_space<hbm>> -> memref<10000xi32, #tpu.memory_space<hbm>>
      %dma_start3A_122 = tpu.memref_slice %arg3[%mul3A_9] : memref<320000xi32, #tpu.memory_space<hbm>> -> memref<10000xi32, #tpu.memory_space<hbm>>
      tpu.enqueue_dma source(%dma_start3A_122 : memref<10000xi32, #tpu.memory_space<hbm>>) target(%arg7 : memref<10000xi32, #tpu.memory_space<vmem>>) target_semaphore(%run_scoped3A : memref<!tpu.dma_semaphore, #tpu.memory_space<semaphore_mem>>)
      %dma_wait3A_123 = tpu.memref_slice %arg3[%mul3A_9] : memref<320000xi32, #tpu.memory_space<hbm>> -> memref<10000xi32, #tpu.memory_space<hbm>>
      %dma_wait3A_124 = tpu.memref_slice %arg3[%mul3A_9] : memref<320000xi32, #tpu.memory_space<hbm>> -> memref<10000xi32, #tpu.memory_space<hbm>>
      tpu.wait_dma2 semaphore(%run_scoped3A : memref<!tpu.dma_semaphore, #tpu.memory_space<semaphore_mem>>) src(%dma_wait3A_124 : memref<10000xi32, #tpu.memory_space<hbm>>) dst(%arg7 : memref<10000xi32, #tpu.memory_space<vmem>>)
      tpu.yield
    }) : () -> ()
    %mul3A_10 = arith.constant 10000 : i32
    %mul3A_11 = arith.muli %add3A, %mul3A_10 : i32
    "tpu.region"() ({
      %run_scoped3A = tpu.sem_alloc : memref<!tpu.dma_semaphore, #tpu.memory_space<semaphore_mem>>
      %dma_start3A_121 = tpu.memref_slice %arg4[%mul3A_11] : memref<320000xi32, #tpu.memory_space<hbm>> -> memref<10000xi32, #tpu.memory_space<hbm>>
      %dma_start3A_122 = tpu.memref_slice %arg4[%mul3A_11] : memref<320000xi32, #tpu.memory_space<hbm>> -> memref<10000xi32, #tpu.memory_space<hbm>>
      tpu.enqueue_dma source(%dma_start3A_122 : memref<10000xi32, #tpu.memory_space<hbm>>) target(%arg8 : memref<10000xi32, #tpu.memory_space<vmem>>) target_semaphore(%run_scoped3A : memref<!tpu.dma_semaphore, #tpu.memory_space<semaphore_mem>>)
      %dma_wait3A_123 = tpu.memref_slice %arg4[%mul3A_11] : memref<320000xi32, #tpu.memory_space<hbm>> -> memref<10000xi32, #tpu.memory_space<hbm>>
      %dma_wait3A_124 = tpu.memref_slice %arg4[%mul3A_11] : memref<320000xi32, #tpu.memory_space<hbm>> -> memref<10000xi32, #tpu.memory_space<hbm>>
      tpu.wait_dma2 semaphore(%run_scoped3A : memref<!tpu.dma_semaphore, #tpu.memory_space<semaphore_mem>>) src(%dma_wait3A_124 : memref<10000xi32, #tpu.memory_space<hbm>>) dst(%arg8 : memref<10000xi32, #tpu.memory_space<vmem>>)
      tpu.yield
    }) : () -> ()
    %dma_start3A = arith.constant 0 : i32
    %dma_start3A_12 = arith.constant 0 : i32
    %dma_start3A_13 = arith.constant 0 : i32
    %dma_start3A_14 = tpu.memref_slice %arg9[%dma_start3A, %dma_start3A_12, %dma_start3A_13] : memref<5x40x128xf32, #tpu.memory_space<vmem>> -> memref<1x40x128xf32, #tpu.memory_space<vmem>>
    %dma_start3A_15 = tpu.memref_squeeze %dma_start3A_14 : memref<1x40x128xf32, #tpu.memory_space<vmem>> -> memref<40x128xf32, #tpu.memory_space<vmem>>
    %dma_start3A_16 = arith.constant 0 : i32
    %dma_start3A_17 = tpu.memref_slice %arg7[%dma_start3A_16] : memref<10000xi32, #tpu.memory_space<vmem>> -> memref<40xi32, #tpu.memory_space<vmem>>
    %dma_start3A_18 = arith.constant 0 : i32
    %dma_start3A_19 = arith.constant 0 : i32
    %dma_start3A_20 = tpu.memref_slice %arg2[%dma_start3A_18, %dma_start3A_19] : memref<10000x128xf32, #tpu.memory_space<hbm>> -> memref<10000x128xf32, #tpu.memory_space<hbm>>
    tpu.enqueue_indirect_dma source(%dma_start3A_20 : memref<10000x128xf32, #tpu.memory_space<hbm>>) target(%dma_start3A_15 : memref<40x128xf32, #tpu.memory_space<vmem>>) offsets(%dma_start3A_17 : memref<40xi32, #tpu.memory_space<vmem>>) semaphore(%arg12 : memref<!tpu.dma_semaphore, #tpu.memory_space<semaphore_mem>>)
    %dma_start3A_21 = arith.constant 1 : i32
    %dma_start3A_22 = arith.constant 0 : i32
    %dma_start3A_23 = arith.constant 0 : i32
    %dma_start3A_24 = tpu.memref_slice %arg9[%dma_start3A_21, %dma_start3A_22, %dma_start3A_23] : memref<5x40x128xf32, #tpu.memory_space<vmem>> -> memref<1x40x128xf32, #tpu.memory_space<vmem>>
    %dma_start3A_25 = tpu.memref_squeeze %dma_start3A_24 : memref<1x40x128xf32, #tpu.memory_space<vmem>> -> memref<40x128xf32, #tpu.memory_space<vmem>>
    %dma_start3A_26 = arith.constant 40 : i32
    %dma_start3A_27 = tpu.memref_slice %arg7[%dma_start3A_26] : memref<10000xi32, #tpu.memory_space<vmem>> -> memref<40xi32, #tpu.memory_space<vmem>>
    %dma_start3A_28 = arith.constant 0 : i32
    %dma_start3A_29 = arith.constant 0 : i32
    %dma_start3A_30 = tpu.memref_slice %arg2[%dma_start3A_28, %dma_start3A_29] : memref<10000x128xf32, #tpu.memory_space<hbm>> -> memref<10000x128xf32, #tpu.memory_space<hbm>>
    tpu.enqueue_indirect_dma source(%dma_start3A_30 : memref<10000x128xf32, #tpu.memory_space<hbm>>) target(%dma_start3A_25 : memref<40x128xf32, #tpu.memory_space<vmem>>) offsets(%dma_start3A_27 : memref<40xi32, #tpu.memory_space<vmem>>) semaphore(%arg13 : memref<!tpu.dma_semaphore, #tpu.memory_space<semaphore_mem>>)
    %dma_start3A_31 = arith.constant 2 : i32
    %dma_start3A_32 = arith.constant 0 : i32
    %dma_start3A_33 = arith.constant 0 : i32
    %dma_start3A_34 = tpu.memref_slice %arg9[%dma_start3A_31, %dma_start3A_32, %dma_start3A_33] : memref<5x40x128xf32, #tpu.memory_space<vmem>> -> memref<1x40x128xf32, #tpu.memory_space<vmem>>
    %dma_start3A_35 = tpu.memref_squeeze %dma_start3A_34 : memref<1x40x128xf32, #tpu.memory_space<vmem>> -> memref<40x128xf32, #tpu.memory_space<vmem>>
    %dma_start3A_36 = arith.constant 80 : i32
    %dma_start3A_37 = tpu.memref_slice %arg7[%dma_start3A_36] : memref<10000xi32, #tpu.memory_space<vmem>> -> memref<40xi32, #tpu.memory_space<vmem>>
    %dma_start3A_38 = arith.constant 0 : i32
    %dma_start3A_39 = arith.constant 0 : i32
    %dma_start3A_40 = tpu.memref_slice %arg2[%dma_start3A_38, %dma_start3A_39] : memref<10000x128xf32, #tpu.memory_space<hbm>> -> memref<10000x128xf32, #tpu.memory_space<hbm>>
    tpu.enqueue_indirect_dma source(%dma_start3A_40 : memref<10000x128xf32, #tpu.memory_space<hbm>>) target(%dma_start3A_35 : memref<40x128xf32, #tpu.memory_space<vmem>>) offsets(%dma_start3A_37 : memref<40xi32, #tpu.memory_space<vmem>>) semaphore(%arg14 : memref<!tpu.dma_semaphore, #tpu.memory_space<semaphore_mem>>)
    %dma_start3A_41 = arith.constant 3 : i32
    %dma_start3A_42 = arith.constant 0 : i32
    %dma_start3A_43 = arith.constant 0 : i32
    %dma_start3A_44 = tpu.memref_slice %arg9[%dma_start3A_41, %dma_start3A_42, %dma_start3A_43] : memref<5x40x128xf32, #tpu.memory_space<vmem>> -> memref<1x40x128xf32, #tpu.memory_space<vmem>>
    %dma_start3A_45 = tpu.memref_squeeze %dma_start3A_44 : memref<1x40x128xf32, #tpu.memory_space<vmem>> -> memref<40x128xf32, #tpu.memory_space<vmem>>
    %dma_start3A_46 = arith.constant 120 : i32
    %dma_start3A_47 = tpu.memref_slice %arg7[%dma_start3A_46] : memref<10000xi32, #tpu.memory_space<vmem>> -> memref<40xi32, #tpu.memory_space<vmem>>
    %dma_start3A_48 = arith.constant 0 : i32
    %dma_start3A_49 = arith.constant 0 : i32
    %dma_start3A_50 = tpu.memref_slice %arg2[%dma_start3A_48, %dma_start3A_49] : memref<10000x128xf32, #tpu.memory_space<hbm>> -> memref<10000x128xf32, #tpu.memory_space<hbm>>
    tpu.enqueue_indirect_dma source(%dma_start3A_50 : memref<10000x128xf32, #tpu.memory_space<hbm>>) target(%dma_start3A_45 : memref<40x128xf32, #tpu.memory_space<vmem>>) offsets(%dma_start3A_47 : memref<40xi32, #tpu.memory_space<vmem>>) semaphore(%arg15 : memref<!tpu.dma_semaphore, #tpu.memory_space<semaphore_mem>>)
    %dma_start3A_51 = arith.constant 4 : i32
    %dma_start3A_52 = arith.constant 0 : i32
    %dma_start3A_53 = arith.constant 0 : i32
    %dma_start3A_54 = tpu.memref_slice %arg9[%dma_start3A_51, %dma_start3A_52, %dma_start3A_53] : memref<5x40x128xf32, #tpu.memory_space<vmem>> -> memref<1x40x128xf32, #tpu.memory_space<vmem>>
    %dma_start3A_55 = tpu.memref_squeeze %dma_start3A_54 : memref<1x40x128xf32, #tpu.memory_space<vmem>> -> memref<40x128xf32, #tpu.memory_space<vmem>>
    %dma_start3A_56 = arith.constant 160 : i32
    %dma_start3A_57 = tpu.memref_slice %arg7[%dma_start3A_56] : memref<10000xi32, #tpu.memory_space<vmem>> -> memref<40xi32, #tpu.memory_space<vmem>>
    %dma_start3A_58 = arith.constant 0 : i32
    %dma_start3A_59 = arith.constant 0 : i32
    %dma_start3A_60 = tpu.memref_slice %arg2[%dma_start3A_58, %dma_start3A_59] : memref<10000x128xf32, #tpu.memory_space<hbm>> -> memref<10000x128xf32, #tpu.memory_space<hbm>>
    tpu.enqueue_indirect_dma source(%dma_start3A_60 : memref<10000x128xf32, #tpu.memory_space<hbm>>) target(%dma_start3A_55 : memref<40x128xf32, #tpu.memory_space<vmem>>) offsets(%dma_start3A_57 : memref<40xi32, #tpu.memory_space<vmem>>) semaphore(%arg16 : memref<!tpu.dma_semaphore, #tpu.memory_space<semaphore_mem>>)
    %scan3A_61 = arith.constant 0 : i32
    %scan3A_62 = arith.constant 40 : i32
    %scan3A_63 = arith.addi %scan3A_61, %scan3A_62 : i32
    %scan3A_64 = arith.constant 1 : i32
    scf.for %scan3A_121 = %scan3A_61 to %scan3A_63 step %scan3A_64  : i32 {
      %mul3A_122 = arith.constant 1 : i32
      %mul3A_123 = arith.muli %scan3A_121, %mul3A_122 : i32
      %add3A_124 = arith.constant 0 : i32
      %add3A_125 = arith.addi %add3A_124, %mul3A_123 : i32
      %dma_wait3A_126 = arith.constant 0 : i32
      %dma_wait3A_127 = tpu.memref_slice %arg11[%min3A_3, %dma_wait3A_126] : memref<10000x128xf32, #tpu.memory_space<vmem_shared>> -> memref<16x128xf32, #tpu.memory_space<vmem_shared>>
      %dma_wait3A_128 = arith.constant 0 : i32
      %dma_wait3A_129 = tpu.memref_slice %arg11[%min3A_3, %dma_wait3A_128] : memref<10000x128xf32, #tpu.memory_space<vmem_shared>> -> memref<16x128xf32, #tpu.memory_space<vmem_shared>>
      tpu.wait_dma2 semaphore(%arg22 : memref<!tpu.dma_semaphore, #tpu.memory_space<semaphore_mem>>) src(%arg10 : memref<16x128xf32, #tpu.memory_space<vmem>>) dst(%dma_wait3A_129 : memref<16x128xf32, #tpu.memory_space<vmem_shared>>)
    }
    %scan3A_65 = arith.constant 40 : i32
    %barrier3A = arith.constant 0 : index
    tpu.barrier barrier_id(%barrier3A)
    %scan3A_66 = arith.constant 0 : i32
    %scan3A_67 = arith.constant 50 : i32
    %scan3A_68 = arith.addi %scan3A_66, %scan3A_67 : i32
    %scan3A_69 = arith.constant 1 : i32
    scf.for %scan3A_121 = %scan3A_66 to %scan3A_68 step %scan3A_69  : i32 {
      %mul3A_122 = arith.constant 5 : i32
      %mul3A_123 = arith.muli %scan3A_121, %mul3A_122 : i32
      %add3A_124 = arith.constant 0 : i32
      %add3A_125 = arith.addi %add3A_124, %mul3A_123 : i32
      %add3A_126 = arith.constant 0 : i32
      %add3A_127 = arith.addi %add3A_125, %add3A_126 : i32
      %lt3A = arith.constant 250 : i32
      %lt3A_128 = arith.cmpi slt, %add3A_127, %lt3A : i32
      %convert_element_type3A = arith.extui %lt3A_128 : i1 to i32
      %cond3A = arith.constant 0 : i32
      %cond3A_129 = arith.cmpi ne, %convert_element_type3A, %cond3A : i32
      scf.if %cond3A_129 {
        %mul3A_203 = arith.constant 40 : i32
        %mul3A_204 = arith.muli %add3A_127, %mul3A_203 : i32
        %dma_wait3A_205 = arith.constant 0 : i32
        %dma_wait3A_206 = arith.constant 0 : i32
        %dma_wait3A_207 = arith.constant 0 : i32
        %dma_wait3A_208 = tpu.memref_slice %arg9[%dma_wait3A_205, %dma_wait3A_206, %dma_wait3A_207] : memref<5x40x128xf32, #tpu.memory_space<vmem>> -> memref<1x40x128xf32, #tpu.memory_space<vmem>>
        %dma_wait3A_209 = tpu.memref_squeeze %dma_wait3A_208 : memref<1x40x128xf32, #tpu.memory_space<vmem>> -> memref<40x128xf32, #tpu.memory_space<vmem>>
        %dma_wait3A_210 = tpu.memref_slice %arg7[%mul3A_204] : memref<10000xi32, #tpu.memory_space<vmem>> -> memref<40xi32, #tpu.memory_space<vmem>>
        %dma_wait3A_211 = arith.constant 0 : i32
        %dma_wait3A_212 = arith.constant 0 : i32
        %dma_wait3A_213 = tpu.memref_slice %arg2[%dma_wait3A_211, %dma_wait3A_212] : memref<10000x128xf32, #tpu.memory_space<hbm>> -> memref<10000x128xf32, #tpu.memory_space<hbm>>
        tpu.wait_indirect_dma semaphore(%arg12 : memref<!tpu.dma_semaphore, #tpu.memory_space<semaphore_mem>>) src(%dma_wait3A_213 : memref<10000x128xf32, #tpu.memory_space<hbm>>) dst(%dma_wait3A_209 : memref<40x128xf32, #tpu.memory_space<vmem>>)
        %mul3A_214 = arith.constant 40 : i32
        %mul3A_215 = arith.muli %add3A_127, %mul3A_214 : i32
        %dma_start3A_216 = arith.constant 0 : i32
        %dma_start3A_217 = arith.constant 0 : i32
        %dma_start3A_218 = arith.constant 0 : i32
        %dma_start3A_219 = tpu.memref_slice %arg9[%dma_start3A_216, %dma_start3A_217, %dma_start3A_218] : memref<5x40x128xf32, #tpu.memory_space<vmem>> -> memref<1x40x128xf32, #tpu.memory_space<vmem>>
        %dma_start3A_220 = tpu.memref_squeeze %dma_start3A_219 : memref<1x40x128xf32, #tpu.memory_space<vmem>> -> memref<40x128xf32, #tpu.memory_space<vmem>>
        %dma_start3A_221 = tpu.memref_slice %arg8[%mul3A_215] : memref<10000xi32, #tpu.memory_space<vmem>> -> memref<40xi32, #tpu.memory_space<vmem>>
        %dma_start3A_222 = arith.constant 0 : i32
        %dma_start3A_223 = arith.constant 0 : i32
        %dma_start3A_224 = tpu.memref_slice %arg11[%dma_start3A_222, %dma_start3A_223] : memref<10000x128xf32, #tpu.memory_space<vmem_shared>> -> memref<10000x128xf32, #tpu.memory_space<vmem_shared>>
        tpu.enqueue_indirect_dma source(%dma_start3A_220 : memref<40x128xf32, #tpu.memory_space<vmem>>) target(%dma_start3A_224 : memref<10000x128xf32, #tpu.memory_space<vmem_shared>>) offsets(%dma_start3A_221 : memref<40xi32, #tpu.memory_space<vmem>>) semaphore(%arg17 : memref<!tpu.dma_semaphore, #tpu.memory_space<semaphore_mem>>) {add = true}
      } else {
      }
      %add3A_130 = arith.constant 1 : i32
      %add3A_131 = arith.addi %add3A_125, %add3A_130 : i32
      %lt3A_132 = arith.constant 250 : i32
      %lt3A_133 = arith.cmpi slt, %add3A_131, %lt3A_132 : i32
      %convert_element_type3A_134 = arith.extui %lt3A_133 : i1 to i32
      %cond3A_135 = arith.constant 0 : i32
      %cond3A_136 = arith.cmpi ne, %convert_element_type3A_134, %cond3A_135 : i32
      scf.if %cond3A_136 {
        %mul3A_203 = arith.constant 40 : i32
        %mul3A_204 = arith.muli %add3A_131, %mul3A_203 : i32
        %dma_wait3A_205 = arith.constant 1 : i32
        %dma_wait3A_206 = arith.constant 0 : i32
        %dma_wait3A_207 = arith.constant 0 : i32
        %dma_wait3A_208 = tpu.memref_slice %arg9[%dma_wait3A_205, %dma_wait3A_206, %dma_wait3A_207] : memref<5x40x128xf32, #tpu.memory_space<vmem>> -> memref<1x40x128xf32, #tpu.memory_space<vmem>>
        %dma_wait3A_209 = tpu.memref_squeeze %dma_wait3A_208 : memref<1x40x128xf32, #tpu.memory_space<vmem>> -> memref<40x128xf32, #tpu.memory_space<vmem>>
        %dma_wait3A_210 = tpu.memref_slice %arg7[%mul3A_204] : memref<10000xi32, #tpu.memory_space<vmem>> -> memref<40xi32, #tpu.memory_space<vmem>>
        %dma_wait3A_211 = arith.constant 0 : i32
        %dma_wait3A_212 = arith.constant 0 : i32
        %dma_wait3A_213 = tpu.memref_slice %arg2[%dma_wait3A_211, %dma_wait3A_212] : memref<10000x128xf32, #tpu.memory_space<hbm>> -> memref<10000x128xf32, #tpu.memory_space<hbm>>
        tpu.wait_indirect_dma semaphore(%arg13 : memref<!tpu.dma_semaphore, #tpu.memory_space<semaphore_mem>>) src(%dma_wait3A_213 : memref<10000x128xf32, #tpu.memory_space<hbm>>) dst(%dma_wait3A_209 : memref<40x128xf32, #tpu.memory_space<vmem>>)
        %mul3A_214 = arith.constant 40 : i32
        %mul3A_215 = arith.muli %add3A_131, %mul3A_214 : i32
        %dma_start3A_216 = arith.constant 1 : i32
        %dma_start3A_217 = arith.constant 0 : i32
        %dma_start3A_218 = arith.constant 0 : i32
        %dma_start3A_219 = tpu.memref_slice %arg9[%dma_start3A_216, %dma_start3A_217, %dma_start3A_218] : memref<5x40x128xf32, #tpu.memory_space<vmem>> -> memref<1x40x128xf32, #tpu.memory_space<vmem>>
        %dma_start3A_220 = tpu.memref_squeeze %dma_start3A_219 : memref<1x40x128xf32, #tpu.memory_space<vmem>> -> memref<40x128xf32, #tpu.memory_space<vmem>>
        %dma_start3A_221 = tpu.memref_slice %arg8[%mul3A_215] : memref<10000xi32, #tpu.memory_space<vmem>> -> memref<40xi32, #tpu.memory_space<vmem>>
        %dma_start3A_222 = arith.constant 0 : i32
        %dma_start3A_223 = arith.constant 0 : i32
        %dma_start3A_224 = tpu.memref_slice %arg11[%dma_start3A_222, %dma_start3A_223] : memref<10000x128xf32, #tpu.memory_space<vmem_shared>> -> memref<10000x128xf32, #tpu.memory_space<vmem_shared>>
        tpu.enqueue_indirect_dma source(%dma_start3A_220 : memref<40x128xf32, #tpu.memory_space<vmem>>) target(%dma_start3A_224 : memref<10000x128xf32, #tpu.memory_space<vmem_shared>>) offsets(%dma_start3A_221 : memref<40xi32, #tpu.memory_space<vmem>>) semaphore(%arg18 : memref<!tpu.dma_semaphore, #tpu.memory_space<semaphore_mem>>) {add = true}
      } else {
      }
      %add3A_137 = arith.constant 2 : i32
      %add3A_138 = arith.addi %add3A_125, %add3A_137 : i32
      %lt3A_139 = arith.constant 250 : i32
      %lt3A_140 = arith.cmpi slt, %add3A_138, %lt3A_139 : i32
      %convert_element_type3A_141 = arith.extui %lt3A_140 : i1 to i32
      %cond3A_142 = arith.constant 0 : i32
      %cond3A_143 = arith.cmpi ne, %convert_element_type3A_141, %cond3A_142 : i32
      scf.if %cond3A_143 {
        %mul3A_203 = arith.constant 40 : i32
        %mul3A_204 = arith.muli %add3A_138, %mul3A_203 : i32
        %dma_wait3A_205 = arith.constant 2 : i32
        %dma_wait3A_206 = arith.constant 0 : i32
        %dma_wait3A_207 = arith.constant 0 : i32
        %dma_wait3A_208 = tpu.memref_slice %arg9[%dma_wait3A_205, %dma_wait3A_206, %dma_wait3A_207] : memref<5x40x128xf32, #tpu.memory_space<vmem>> -> memref<1x40x128xf32, #tpu.memory_space<vmem>>
        %dma_wait3A_209 = tpu.memref_squeeze %dma_wait3A_208 : memref<1x40x128xf32, #tpu.memory_space<vmem>> -> memref<40x128xf32, #tpu.memory_space<vmem>>
        %dma_wait3A_210 = tpu.memref_slice %arg7[%mul3A_204] : memref<10000xi32, #tpu.memory_space<vmem>> -> memref<40xi32, #tpu.memory_space<vmem>>
        %dma_wait3A_211 = arith.constant 0 : i32
        %dma_wait3A_212 = arith.constant 0 : i32
        %dma_wait3A_213 = tpu.memref_slice %arg2[%dma_wait3A_211, %dma_wait3A_212] : memref<10000x128xf32, #tpu.memory_space<hbm>> -> memref<10000x128xf32, #tpu.memory_space<hbm>>
        tpu.wait_indirect_dma semaphore(%arg14 : memref<!tpu.dma_semaphore, #tpu.memory_space<semaphore_mem>>) src(%dma_wait3A_213 : memref<10000x128xf32, #tpu.memory_space<hbm>>) dst(%dma_wait3A_209 : memref<40x128xf32, #tpu.memory_space<vmem>>)
        %mul3A_214 = arith.constant 40 : i32
        %mul3A_215 = arith.muli %add3A_138, %mul3A_214 : i32
        %dma_start3A_216 = arith.constant 2 : i32
        %dma_start3A_217 = arith.constant 0 : i32
        %dma_start3A_218 = arith.constant 0 : i32
        %dma_start3A_219 = tpu.memref_slice %arg9[%dma_start3A_216, %dma_start3A_217, %dma_start3A_218] : memref<5x40x128xf32, #tpu.memory_space<vmem>> -> memref<1x40x128xf32, #tpu.memory_space<vmem>>
        %dma_start3A_220 = tpu.memref_squeeze %dma_start3A_219 : memref<1x40x128xf32, #tpu.memory_space<vmem>> -> memref<40x128xf32, #tpu.memory_space<vmem>>
        %dma_start3A_221 = tpu.memref_slice %arg8[%mul3A_215] : memref<10000xi32, #tpu.memory_space<vmem>> -> memref<40xi32, #tpu.memory_space<vmem>>
        %dma_start3A_222 = arith.constant 0 : i32
        %dma_start3A_223 = arith.constant 0 : i32
        %dma_start3A_224 = tpu.memref_slice %arg11[%dma_start3A_222, %dma_start3A_223] : memref<10000x128xf32, #tpu.memory_space<vmem_shared>> -> memref<10000x128xf32, #tpu.memory_space<vmem_shared>>
        tpu.enqueue_indirect_dma source(%dma_start3A_220 : memref<40x128xf32, #tpu.memory_space<vmem>>) target(%dma_start3A_224 : memref<10000x128xf32, #tpu.memory_space<vmem_shared>>) offsets(%dma_start3A_221 : memref<40xi32, #tpu.memory_space<vmem>>) semaphore(%arg19 : memref<!tpu.dma_semaphore, #tpu.memory_space<semaphore_mem>>) {add = true}
      } else {
      }
      %add3A_144 = arith.constant 3 : i32
      %add3A_145 = arith.addi %add3A_125, %add3A_144 : i32
      %lt3A_146 = arith.constant 250 : i32
      %lt3A_147 = arith.cmpi slt, %add3A_145, %lt3A_146 : i32
      %convert_element_type3A_148 = arith.extui %lt3A_147 : i1 to i32
      %cond3A_149 = arith.constant 0 : i32
      %cond3A_150 = arith.cmpi ne, %convert_element_type3A_148, %cond3A_149 : i32
      scf.if %cond3A_150 {
        %mul3A_203 = arith.constant 40 : i32
        %mul3A_204 = arith.muli %add3A_145, %mul3A_203 : i32
        %dma_wait3A_205 = arith.constant 3 : i32
        %dma_wait3A_206 = arith.constant 0 : i32
        %dma_wait3A_207 = arith.constant 0 : i32
        %dma_wait3A_208 = tpu.memref_slice %arg9[%dma_wait3A_205, %dma_wait3A_206, %dma_wait3A_207] : memref<5x40x128xf32, #tpu.memory_space<vmem>> -> memref<1x40x128xf32, #tpu.memory_space<vmem>>
        %dma_wait3A_209 = tpu.memref_squeeze %dma_wait3A_208 : memref<1x40x128xf32, #tpu.memory_space<vmem>> -> memref<40x128xf32, #tpu.memory_space<vmem>>
        %dma_wait3A_210 = tpu.memref_slice %arg7[%mul3A_204] : memref<10000xi32, #tpu.memory_space<vmem>> -> memref<40xi32, #tpu.memory_space<vmem>>
        %dma_wait3A_211 = arith.constant 0 : i32
        %dma_wait3A_212 = arith.constant 0 : i32
        %dma_wait3A_213 = tpu.memref_slice %arg2[%dma_wait3A_211, %dma_wait3A_212] : memref<10000x128xf32, #tpu.memory_space<hbm>> -> memref<10000x128xf32, #tpu.memory_space<hbm>>
        tpu.wait_indirect_dma semaphore(%arg15 : memref<!tpu.dma_semaphore, #tpu.memory_space<semaphore_mem>>) src(%dma_wait3A_213 : memref<10000x128xf32, #tpu.memory_space<hbm>>) dst(%dma_wait3A_209 : memref<40x128xf32, #tpu.memory_space<vmem>>)
        %mul3A_214 = arith.constant 40 : i32
        %mul3A_215 = arith.muli %add3A_145, %mul3A_214 : i32
        %dma_start3A_216 = arith.constant 3 : i32
        %dma_start3A_217 = arith.constant 0 : i32
        %dma_start3A_218 = arith.constant 0 : i32
        %dma_start3A_219 = tpu.memref_slice %arg9[%dma_start3A_216, %dma_start3A_217, %dma_start3A_218] : memref<5x40x128xf32, #tpu.memory_space<vmem>> -> memref<1x40x128xf32, #tpu.memory_space<vmem>>
        %dma_start3A_220 = tpu.memref_squeeze %dma_start3A_219 : memref<1x40x128xf32, #tpu.memory_space<vmem>> -> memref<40x128xf32, #tpu.memory_space<vmem>>
        %dma_start3A_221 = tpu.memref_slice %arg8[%mul3A_215] : memref<10000xi32, #tpu.memory_space<vmem>> -> memref<40xi32, #tpu.memory_space<vmem>>
        %dma_start3A_222 = arith.constant 0 : i32
        %dma_start3A_223 = arith.constant 0 : i32
        %dma_start3A_224 = tpu.memref_slice %arg11[%dma_start3A_222, %dma_start3A_223] : memref<10000x128xf32, #tpu.memory_space<vmem_shared>> -> memref<10000x128xf32, #tpu.memory_space<vmem_shared>>
        tpu.enqueue_indirect_dma source(%dma_start3A_220 : memref<40x128xf32, #tpu.memory_space<vmem>>) target(%dma_start3A_224 : memref<10000x128xf32, #tpu.memory_space<vmem_shared>>) offsets(%dma_start3A_221 : memref<40xi32, #tpu.memory_space<vmem>>) semaphore(%arg20 : memref<!tpu.dma_semaphore, #tpu.memory_space<semaphore_mem>>) {add = true}
      } else {
      }
      %add3A_151 = arith.constant 4 : i32
      %add3A_152 = arith.addi %add3A_125, %add3A_151 : i32
      %lt3A_153 = arith.constant 250 : i32
      %lt3A_154 = arith.cmpi slt, %add3A_152, %lt3A_153 : i32
      %convert_element_type3A_155 = arith.extui %lt3A_154 : i1 to i32
      %cond3A_156 = arith.constant 0 : i32
      %cond3A_157 = arith.cmpi ne, %convert_element_type3A_155, %cond3A_156 : i32
      scf.if %cond3A_157 {
        %mul3A_203 = arith.constant 40 : i32
        %mul3A_204 = arith.muli %add3A_152, %mul3A_203 : i32
        %dma_wait3A_205 = arith.constant 4 : i32
        %dma_wait3A_206 = arith.constant 0 : i32
        %dma_wait3A_207 = arith.constant 0 : i32
        %dma_wait3A_208 = tpu.memref_slice %arg9[%dma_wait3A_205, %dma_wait3A_206, %dma_wait3A_207] : memref<5x40x128xf32, #tpu.memory_space<vmem>> -> memref<1x40x128xf32, #tpu.memory_space<vmem>>
        %dma_wait3A_209 = tpu.memref_squeeze %dma_wait3A_208 : memref<1x40x128xf32, #tpu.memory_space<vmem>> -> memref<40x128xf32, #tpu.memory_space<vmem>>
        %dma_wait3A_210 = tpu.memref_slice %arg7[%mul3A_204] : memref<10000xi32, #tpu.memory_space<vmem>> -> memref<40xi32, #tpu.memory_space<vmem>>
        %dma_wait3A_211 = arith.constant 0 : i32
        %dma_wait3A_212 = arith.constant 0 : i32
        %dma_wait3A_213 = tpu.memref_slice %arg2[%dma_wait3A_211, %dma_wait3A_212] : memref<10000x128xf32, #tpu.memory_space<hbm>> -> memref<10000x128xf32, #tpu.memory_space<hbm>>
        tpu.wait_indirect_dma semaphore(%arg16 : memref<!tpu.dma_semaphore, #tpu.memory_space<semaphore_mem>>) src(%dma_wait3A_213 : memref<10000x128xf32, #tpu.memory_space<hbm>>) dst(%dma_wait3A_209 : memref<40x128xf32, #tpu.memory_space<vmem>>)
        %mul3A_214 = arith.constant 40 : i32
        %mul3A_215 = arith.muli %add3A_152, %mul3A_214 : i32
        %dma_start3A_216 = arith.constant 4 : i32
        %dma_start3A_217 = arith.constant 0 : i32
        %dma_start3A_218 = arith.constant 0 : i32
        %dma_start3A_219 = tpu.memref_slice %arg9[%dma_start3A_216, %dma_start3A_217, %dma_start3A_218] : memref<5x40x128xf32, #tpu.memory_space<vmem>> -> memref<1x40x128xf32, #tpu.memory_space<vmem>>
        %dma_start3A_220 = tpu.memref_squeeze %dma_start3A_219 : memref<1x40x128xf32, #tpu.memory_space<vmem>> -> memref<40x128xf32, #tpu.memory_space<vmem>>
        %dma_start3A_221 = tpu.memref_slice %arg8[%mul3A_215] : memref<10000xi32, #tpu.memory_space<vmem>> -> memref<40xi32, #tpu.memory_space<vmem>>
        %dma_start3A_222 = arith.constant 0 : i32
        %dma_start3A_223 = arith.constant 0 : i32
        %dma_start3A_224 = tpu.memref_slice %arg11[%dma_start3A_222, %dma_start3A_223] : memref<10000x128xf32, #tpu.memory_space<vmem_shared>> -> memref<10000x128xf32, #tpu.memory_space<vmem_shared>>
        tpu.enqueue_indirect_dma source(%dma_start3A_220 : memref<40x128xf32, #tpu.memory_space<vmem>>) target(%dma_start3A_224 : memref<10000x128xf32, #tpu.memory_space<vmem_shared>>) offsets(%dma_start3A_221 : memref<40xi32, #tpu.memory_space<vmem>>) semaphore(%arg21 : memref<!tpu.dma_semaphore, #tpu.memory_space<semaphore_mem>>) {add = true}
      } else {
      }
      %add3A_158 = arith.constant 5 : i32
      %add3A_159 = arith.addi %add3A_125, %add3A_158 : i32
      %add3A_160 = arith.constant 0 : i32
      %add3A_161 = arith.addi %add3A_159, %add3A_160 : i32
      %lt3A_162 = arith.constant 250 : i32
      %lt3A_163 = arith.cmpi slt, %add3A_161, %lt3A_162 : i32
      %convert_element_type3A_164 = arith.extui %lt3A_163 : i1 to i32
      %cond3A_165 = arith.constant 0 : i32
      %cond3A_166 = arith.cmpi ne, %convert_element_type3A_164, %cond3A_165 : i32
      scf.if %cond3A_166 {
        %dma_wait3A_203 = arith.constant 0 : i32
        %dma_wait3A_204 = arith.constant 0 : i32
        %dma_wait3A_205 = arith.constant 0 : i32
        %dma_wait3A_206 = tpu.memref_slice %arg9[%dma_wait3A_203, %dma_wait3A_204, %dma_wait3A_205] : memref<5x40x128xf32, #tpu.memory_space<vmem>> -> memref<1x40x128xf32, #tpu.memory_space<vmem>>
        %dma_wait3A_207 = tpu.memref_squeeze %dma_wait3A_206 : memref<1x40x128xf32, #tpu.memory_space<vmem>> -> memref<40x128xf32, #tpu.memory_space<vmem>>
        %dma_wait3A_208 = arith.constant 0 : i32
        %dma_wait3A_209 = tpu.memref_slice %arg8[%dma_wait3A_208] : memref<10000xi32, #tpu.memory_space<vmem>> -> memref<40xi32, #tpu.memory_space<vmem>>
        %dma_wait3A_210 = arith.constant 0 : i32
        %dma_wait3A_211 = arith.constant 0 : i32
        %dma_wait3A_212 = tpu.memref_slice %arg11[%dma_wait3A_210, %dma_wait3A_211] : memref<10000x128xf32, #tpu.memory_space<vmem_shared>> -> memref<10000x128xf32, #tpu.memory_space<vmem_shared>>
        tpu.wait_indirect_dma semaphore(%arg17 : memref<!tpu.dma_semaphore, #tpu.memory_space<semaphore_mem>>) src(%dma_wait3A_207 : memref<40x128xf32, #tpu.memory_space<vmem>>) dst(%dma_wait3A_212 : memref<10000x128xf32, #tpu.memory_space<vmem_shared>>)
        %mul3A_213 = arith.constant 40 : i32
        %mul3A_214 = arith.muli %add3A_161, %mul3A_213 : i32
        %dma_start3A_215 = arith.constant 0 : i32
        %dma_start3A_216 = arith.constant 0 : i32
        %dma_start3A_217 = arith.constant 0 : i32
        %dma_start3A_218 = tpu.memref_slice %arg9[%dma_start3A_215, %dma_start3A_216, %dma_start3A_217] : memref<5x40x128xf32, #tpu.memory_space<vmem>> -> memref<1x40x128xf32, #tpu.memory_space<vmem>>
        %dma_start3A_219 = tpu.memref_squeeze %dma_start3A_218 : memref<1x40x128xf32, #tpu.memory_space<vmem>> -> memref<40x128xf32, #tpu.memory_space<vmem>>
        %dma_start3A_220 = tpu.memref_slice %arg7[%mul3A_214] : memref<10000xi32, #tpu.memory_space<vmem>> -> memref<40xi32, #tpu.memory_space<vmem>>
        %dma_start3A_221 = arith.constant 0 : i32
        %dma_start3A_222 = arith.constant 0 : i32
        %dma_start3A_223 = tpu.memref_slice %arg2[%dma_start3A_221, %dma_start3A_222] : memref<10000x128xf32, #tpu.memory_space<hbm>> -> memref<10000x128xf32, #tpu.memory_space<hbm>>
        tpu.enqueue_indirect_dma source(%dma_start3A_223 : memref<10000x128xf32, #tpu.memory_space<hbm>>) target(%dma_start3A_219 : memref<40x128xf32, #tpu.memory_space<vmem>>) offsets(%dma_start3A_220 : memref<40xi32, #tpu.memory_space<vmem>>) semaphore(%arg12 : memref<!tpu.dma_semaphore, #tpu.memory_space<semaphore_mem>>)
      } else {
      }
      %add3A_167 = arith.constant 5 : i32
      %add3A_168 = arith.addi %add3A_125, %add3A_167 : i32
      %add3A_169 = arith.constant 1 : i32
      %add3A_170 = arith.addi %add3A_168, %add3A_169 : i32
      %lt3A_171 = arith.constant 250 : i32
      %lt3A_172 = arith.cmpi slt, %add3A_170, %lt3A_171 : i32
      %convert_element_type3A_173 = arith.extui %lt3A_172 : i1 to i32
      %cond3A_174 = arith.constant 0 : i32
      %cond3A_175 = arith.cmpi ne, %convert_element_type3A_173, %cond3A_174 : i32
      scf.if %cond3A_175 {
        %dma_wait3A_203 = arith.constant 1 : i32
        %dma_wait3A_204 = arith.constant 0 : i32
        %dma_wait3A_205 = arith.constant 0 : i32
        %dma_wait3A_206 = tpu.memref_slice %arg9[%dma_wait3A_203, %dma_wait3A_204, %dma_wait3A_205] : memref<5x40x128xf32, #tpu.memory_space<vmem>> -> memref<1x40x128xf32, #tpu.memory_space<vmem>>
        %dma_wait3A_207 = tpu.memref_squeeze %dma_wait3A_206 : memref<1x40x128xf32, #tpu.memory_space<vmem>> -> memref<40x128xf32, #tpu.memory_space<vmem>>
        %dma_wait3A_208 = arith.constant 0 : i32
        %dma_wait3A_209 = tpu.memref_slice %arg8[%dma_wait3A_208] : memref<10000xi32, #tpu.memory_space<vmem>> -> memref<40xi32, #tpu.memory_space<vmem>>
        %dma_wait3A_210 = arith.constant 0 : i32
        %dma_wait3A_211 = arith.constant 0 : i32
        %dma_wait3A_212 = tpu.memref_slice %arg11[%dma_wait3A_210, %dma_wait3A_211] : memref<10000x128xf32, #tpu.memory_space<vmem_shared>> -> memref<10000x128xf32, #tpu.memory_space<vmem_shared>>
        tpu.wait_indirect_dma semaphore(%arg18 : memref<!tpu.dma_semaphore, #tpu.memory_space<semaphore_mem>>) src(%dma_wait3A_207 : memref<40x128xf32, #tpu.memory_space<vmem>>) dst(%dma_wait3A_212 : memref<10000x128xf32, #tpu.memory_space<vmem_shared>>)
        %mul3A_213 = arith.constant 40 : i32
        %mul3A_214 = arith.muli %add3A_170, %mul3A_213 : i32
        %dma_start3A_215 = arith.constant 1 : i32
        %dma_start3A_216 = arith.constant 0 : i32
        %dma_start3A_217 = arith.constant 0 : i32
        %dma_start3A_218 = tpu.memref_slice %arg9[%dma_start3A_215, %dma_start3A_216, %dma_start3A_217] : memref<5x40x128xf32, #tpu.memory_space<vmem>> -> memref<1x40x128xf32, #tpu.memory_space<vmem>>
        %dma_start3A_219 = tpu.memref_squeeze %dma_start3A_218 : memref<1x40x128xf32, #tpu.memory_space<vmem>> -> memref<40x128xf32, #tpu.memory_space<vmem>>
        %dma_start3A_220 = tpu.memref_slice %arg7[%mul3A_214] : memref<10000xi32, #tpu.memory_space<vmem>> -> memref<40xi32, #tpu.memory_space<vmem>>
        %dma_start3A_221 = arith.constant 0 : i32
        %dma_start3A_222 = arith.constant 0 : i32
        %dma_start3A_223 = tpu.memref_slice %arg2[%dma_start3A_221, %dma_start3A_222] : memref<10000x128xf32, #tpu.memory_space<hbm>> -> memref<10000x128xf32, #tpu.memory_space<hbm>>
        tpu.enqueue_indirect_dma source(%dma_start3A_223 : memref<10000x128xf32, #tpu.memory_space<hbm>>) target(%dma_start3A_219 : memref<40x128xf32, #tpu.memory_space<vmem>>) offsets(%dma_start3A_220 : memref<40xi32, #tpu.memory_space<vmem>>) semaphore(%arg13 : memref<!tpu.dma_semaphore, #tpu.memory_space<semaphore_mem>>)
      } else {
      }
      %add3A_176 = arith.constant 5 : i32
      %add3A_177 = arith.addi %add3A_125, %add3A_176 : i32
      %add3A_178 = arith.constant 2 : i32
      %add3A_179 = arith.addi %add3A_177, %add3A_178 : i32
      %lt3A_180 = arith.constant 250 : i32
      %lt3A_181 = arith.cmpi slt, %add3A_179, %lt3A_180 : i32
      %convert_element_type3A_182 = arith.extui %lt3A_181 : i1 to i32
      %cond3A_183 = arith.constant 0 : i32
      %cond3A_184 = arith.cmpi ne, %convert_element_type3A_182, %cond3A_183 : i32
      scf.if %cond3A_184 {
        %dma_wait3A_203 = arith.constant 2 : i32
        %dma_wait3A_204 = arith.constant 0 : i32
        %dma_wait3A_205 = arith.constant 0 : i32
        %dma_wait3A_206 = tpu.memref_slice %arg9[%dma_wait3A_203, %dma_wait3A_204, %dma_wait3A_205] : memref<5x40x128xf32, #tpu.memory_space<vmem>> -> memref<1x40x128xf32, #tpu.memory_space<vmem>>
        %dma_wait3A_207 = tpu.memref_squeeze %dma_wait3A_206 : memref<1x40x128xf32, #tpu.memory_space<vmem>> -> memref<40x128xf32, #tpu.memory_space<vmem>>
        %dma_wait3A_208 = arith.constant 0 : i32
        %dma_wait3A_209 = tpu.memref_slice %arg8[%dma_wait3A_208] : memref<10000xi32, #tpu.memory_space<vmem>> -> memref<40xi32, #tpu.memory_space<vmem>>
        %dma_wait3A_210 = arith.constant 0 : i32
        %dma_wait3A_211 = arith.constant 0 : i32
        %dma_wait3A_212 = tpu.memref_slice %arg11[%dma_wait3A_210, %dma_wait3A_211] : memref<10000x128xf32, #tpu.memory_space<vmem_shared>> -> memref<10000x128xf32, #tpu.memory_space<vmem_shared>>
        tpu.wait_indirect_dma semaphore(%arg19 : memref<!tpu.dma_semaphore, #tpu.memory_space<semaphore_mem>>) src(%dma_wait3A_207 : memref<40x128xf32, #tpu.memory_space<vmem>>) dst(%dma_wait3A_212 : memref<10000x128xf32, #tpu.memory_space<vmem_shared>>)
        %mul3A_213 = arith.constant 40 : i32
        %mul3A_214 = arith.muli %add3A_179, %mul3A_213 : i32
        %dma_start3A_215 = arith.constant 2 : i32
        %dma_start3A_216 = arith.constant 0 : i32
        %dma_start3A_217 = arith.constant 0 : i32
        %dma_start3A_218 = tpu.memref_slice %arg9[%dma_start3A_215, %dma_start3A_216, %dma_start3A_217] : memref<5x40x128xf32, #tpu.memory_space<vmem>> -> memref<1x40x128xf32, #tpu.memory_space<vmem>>
        %dma_start3A_219 = tpu.memref_squeeze %dma_start3A_218 : memref<1x40x128xf32, #tpu.memory_space<vmem>> -> memref<40x128xf32, #tpu.memory_space<vmem>>
        %dma_start3A_220 = tpu.memref_slice %arg7[%mul3A_214] : memref<10000xi32, #tpu.memory_space<vmem>> -> memref<40xi32, #tpu.memory_space<vmem>>
        %dma_start3A_221 = arith.constant 0 : i32
        %dma_start3A_222 = arith.constant 0 : i32
        %dma_start3A_223 = tpu.memref_slice %arg2[%dma_start3A_221, %dma_start3A_222] : memref<10000x128xf32, #tpu.memory_space<hbm>> -> memref<10000x128xf32, #tpu.memory_space<hbm>>
        tpu.enqueue_indirect_dma source(%dma_start3A_223 : memref<10000x128xf32, #tpu.memory_space<hbm>>) target(%dma_start3A_219 : memref<40x128xf32, #tpu.memory_space<vmem>>) offsets(%dma_start3A_220 : memref<40xi32, #tpu.memory_space<vmem>>) semaphore(%arg14 : memref<!tpu.dma_semaphore, #tpu.memory_space<semaphore_mem>>)
      } else {
      }
      %add3A_185 = arith.constant 5 : i32
      %add3A_186 = arith.addi %add3A_125, %add3A_185 : i32
      %add3A_187 = arith.constant 3 : i32
      %add3A_188 = arith.addi %add3A_186, %add3A_187 : i32
      %lt3A_189 = arith.constant 250 : i32
      %lt3A_190 = arith.cmpi slt, %add3A_188, %lt3A_189 : i32
      %convert_element_type3A_191 = arith.extui %lt3A_190 : i1 to i32
      %cond3A_192 = arith.constant 0 : i32
      %cond3A_193 = arith.cmpi ne, %convert_element_type3A_191, %cond3A_192 : i32
      scf.if %cond3A_193 {
        %dma_wait3A_203 = arith.constant 3 : i32
        %dma_wait3A_204 = arith.constant 0 : i32
        %dma_wait3A_205 = arith.constant 0 : i32
        %dma_wait3A_206 = tpu.memref_slice %arg9[%dma_wait3A_203, %dma_wait3A_204, %dma_wait3A_205] : memref<5x40x128xf32, #tpu.memory_space<vmem>> -> memref<1x40x128xf32, #tpu.memory_space<vmem>>
        %dma_wait3A_207 = tpu.memref_squeeze %dma_wait3A_206 : memref<1x40x128xf32, #tpu.memory_space<vmem>> -> memref<40x128xf32, #tpu.memory_space<vmem>>
        %dma_wait3A_208 = arith.constant 0 : i32
        %dma_wait3A_209 = tpu.memref_slice %arg8[%dma_wait3A_208] : memref<10000xi32, #tpu.memory_space<vmem>> -> memref<40xi32, #tpu.memory_space<vmem>>
        %dma_wait3A_210 = arith.constant 0 : i32
        %dma_wait3A_211 = arith.constant 0 : i32
        %dma_wait3A_212 = tpu.memref_slice %arg11[%dma_wait3A_210, %dma_wait3A_211] : memref<10000x128xf32, #tpu.memory_space<vmem_shared>> -> memref<10000x128xf32, #tpu.memory_space<vmem_shared>>
        tpu.wait_indirect_dma semaphore(%arg20 : memref<!tpu.dma_semaphore, #tpu.memory_space<semaphore_mem>>) src(%dma_wait3A_207 : memref<40x128xf32, #tpu.memory_space<vmem>>) dst(%dma_wait3A_212 : memref<10000x128xf32, #tpu.memory_space<vmem_shared>>)
        %mul3A_213 = arith.constant 40 : i32
        %mul3A_214 = arith.muli %add3A_188, %mul3A_213 : i32
        %dma_start3A_215 = arith.constant 3 : i32
        %dma_start3A_216 = arith.constant 0 : i32
        %dma_start3A_217 = arith.constant 0 : i32
        %dma_start3A_218 = tpu.memref_slice %arg9[%dma_start3A_215, %dma_start3A_216, %dma_start3A_217] : memref<5x40x128xf32, #tpu.memory_space<vmem>> -> memref<1x40x128xf32, #tpu.memory_space<vmem>>
        %dma_start3A_219 = tpu.memref_squeeze %dma_start3A_218 : memref<1x40x128xf32, #tpu.memory_space<vmem>> -> memref<40x128xf32, #tpu.memory_space<vmem>>
        %dma_start3A_220 = tpu.memref_slice %arg7[%mul3A_214] : memref<10000xi32, #tpu.memory_space<vmem>> -> memref<40xi32, #tpu.memory_space<vmem>>
        %dma_start3A_221 = arith.constant 0 : i32
        %dma_start3A_222 = arith.constant 0 : i32
        %dma_start3A_223 = tpu.memref_slice %arg2[%dma_start3A_221, %dma_start3A_222] : memref<10000x128xf32, #tpu.memory_space<hbm>> -> memref<10000x128xf32, #tpu.memory_space<hbm>>
        tpu.enqueue_indirect_dma source(%dma_start3A_223 : memref<10000x128xf32, #tpu.memory_space<hbm>>) target(%dma_start3A_219 : memref<40x128xf32, #tpu.memory_space<vmem>>) offsets(%dma_start3A_220 : memref<40xi32, #tpu.memory_space<vmem>>) semaphore(%arg15 : memref<!tpu.dma_semaphore, #tpu.memory_space<semaphore_mem>>)
      } else {
      }
      %add3A_194 = arith.constant 5 : i32
      %add3A_195 = arith.addi %add3A_125, %add3A_194 : i32
      %add3A_196 = arith.constant 4 : i32
      %add3A_197 = arith.addi %add3A_195, %add3A_196 : i32
      %lt3A_198 = arith.constant 250 : i32
      %lt3A_199 = arith.cmpi slt, %add3A_197, %lt3A_198 : i32
      %convert_element_type3A_200 = arith.extui %lt3A_199 : i1 to i32
      %cond3A_201 = arith.constant 0 : i32
      %cond3A_202 = arith.cmpi ne, %convert_element_type3A_200, %cond3A_201 : i32
      scf.if %cond3A_202 {
        %dma_wait3A_203 = arith.constant 4 : i32
        %dma_wait3A_204 = arith.constant 0 : i32
        %dma_wait3A_205 = arith.constant 0 : i32
        %dma_wait3A_206 = tpu.memref_slice %arg9[%dma_wait3A_203, %dma_wait3A_204, %dma_wait3A_205] : memref<5x40x128xf32, #tpu.memory_space<vmem>> -> memref<1x40x128xf32, #tpu.memory_space<vmem>>
        %dma_wait3A_207 = tpu.memref_squeeze %dma_wait3A_206 : memref<1x40x128xf32, #tpu.memory_space<vmem>> -> memref<40x128xf32, #tpu.memory_space<vmem>>
        %dma_wait3A_208 = arith.constant 0 : i32
        %dma_wait3A_209 = tpu.memref_slice %arg8[%dma_wait3A_208] : memref<10000xi32, #tpu.memory_space<vmem>> -> memref<40xi32, #tpu.memory_space<vmem>>
        %dma_wait3A_210 = arith.constant 0 : i32
        %dma_wait3A_211 = arith.constant 0 : i32
        %dma_wait3A_212 = tpu.memref_slice %arg11[%dma_wait3A_210, %dma_wait3A_211] : memref<10000x128xf32, #tpu.memory_space<vmem_shared>> -> memref<10000x128xf32, #tpu.memory_space<vmem_shared>>
        tpu.wait_indirect_dma semaphore(%arg21 : memref<!tpu.dma_semaphore, #tpu.memory_space<semaphore_mem>>) src(%dma_wait3A_207 : memref<40x128xf32, #tpu.memory_space<vmem>>) dst(%dma_wait3A_212 : memref<10000x128xf32, #tpu.memory_space<vmem_shared>>)
        %mul3A_213 = arith.constant 40 : i32
        %mul3A_214 = arith.muli %add3A_197, %mul3A_213 : i32
        %dma_start3A_215 = arith.constant 4 : i32
        %dma_start3A_216 = arith.constant 0 : i32
        %dma_start3A_217 = arith.constant 0 : i32
        %dma_start3A_218 = tpu.memref_slice %arg9[%dma_start3A_215, %dma_start3A_216, %dma_start3A_217] : memref<5x40x128xf32, #tpu.memory_space<vmem>> -> memref<1x40x128xf32, #tpu.memory_space<vmem>>
        %dma_start3A_219 = tpu.memref_squeeze %dma_start3A_218 : memref<1x40x128xf32, #tpu.memory_space<vmem>> -> memref<40x128xf32, #tpu.memory_space<vmem>>
        %dma_start3A_220 = tpu.memref_slice %arg7[%mul3A_214] : memref<10000xi32, #tpu.memory_space<vmem>> -> memref<40xi32, #tpu.memory_space<vmem>>
        %dma_start3A_221 = arith.constant 0 : i32
        %dma_start3A_222 = arith.constant 0 : i32
        %dma_start3A_223 = tpu.memref_slice %arg2[%dma_start3A_221, %dma_start3A_222] : memref<10000x128xf32, #tpu.memory_space<hbm>> -> memref<10000x128xf32, #tpu.memory_space<hbm>>
        tpu.enqueue_indirect_dma source(%dma_start3A_223 : memref<10000x128xf32, #tpu.memory_space<hbm>>) target(%dma_start3A_219 : memref<40x128xf32, #tpu.memory_space<vmem>>) offsets(%dma_start3A_220 : memref<40xi32, #tpu.memory_space<vmem>>) semaphore(%arg16 : memref<!tpu.dma_semaphore, #tpu.memory_space<semaphore_mem>>)
      } else {
      }
    }
    %scan3A_70 = arith.constant 50 : i32
    %dma_wait3A = arith.constant 0 : i32
    %dma_wait3A_71 = arith.constant 0 : i32
    %dma_wait3A_72 = arith.constant 0 : i32
    %dma_wait3A_73 = tpu.memref_slice %arg9[%dma_wait3A, %dma_wait3A_71, %dma_wait3A_72] : memref<5x40x128xf32, #tpu.memory_space<vmem>> -> memref<1x40x128xf32, #tpu.memory_space<vmem>>
    %dma_wait3A_74 = tpu.memref_squeeze %dma_wait3A_73 : memref<1x40x128xf32, #tpu.memory_space<vmem>> -> memref<40x128xf32, #tpu.memory_space<vmem>>
    %dma_wait3A_75 = arith.constant 0 : i32
    %dma_wait3A_76 = tpu.memref_slice %arg8[%dma_wait3A_75] : memref<10000xi32, #tpu.memory_space<vmem>> -> memref<40xi32, #tpu.memory_space<vmem>>
    %dma_wait3A_77 = arith.constant 0 : i32
    %dma_wait3A_78 = arith.constant 0 : i32
    %dma_wait3A_79 = tpu.memref_slice %arg11[%dma_wait3A_77, %dma_wait3A_78] : memref<10000x128xf32, #tpu.memory_space<vmem_shared>> -> memref<10000x128xf32, #tpu.memory_space<vmem_shared>>
    tpu.wait_indirect_dma semaphore(%arg17 : memref<!tpu.dma_semaphore, #tpu.memory_space<semaphore_mem>>) src(%dma_wait3A_74 : memref<40x128xf32, #tpu.memory_space<vmem>>) dst(%dma_wait3A_79 : memref<10000x128xf32, #tpu.memory_space<vmem_shared>>)
    %dma_wait3A_80 = arith.constant 1 : i32
    %dma_wait3A_81 = arith.constant 0 : i32
    %dma_wait3A_82 = arith.constant 0 : i32
    %dma_wait3A_83 = tpu.memref_slice %arg9[%dma_wait3A_80, %dma_wait3A_81, %dma_wait3A_82] : memref<5x40x128xf32, #tpu.memory_space<vmem>> -> memref<1x40x128xf32, #tpu.memory_space<vmem>>
    %dma_wait3A_84 = tpu.memref_squeeze %dma_wait3A_83 : memref<1x40x128xf32, #tpu.memory_space<vmem>> -> memref<40x128xf32, #tpu.memory_space<vmem>>
    %dma_wait3A_85 = arith.constant 0 : i32
    %dma_wait3A_86 = tpu.memref_slice %arg8[%dma_wait3A_85] : memref<10000xi32, #tpu.memory_space<vmem>> -> memref<40xi32, #tpu.memory_space<vmem>>
    %dma_wait3A_87 = arith.constant 0 : i32
    %dma_wait3A_88 = arith.constant 0 : i32
    %dma_wait3A_89 = tpu.memref_slice %arg11[%dma_wait3A_87, %dma_wait3A_88] : memref<10000x128xf32, #tpu.memory_space<vmem_shared>> -> memref<10000x128xf32, #tpu.memory_space<vmem_shared>>
    tpu.wait_indirect_dma semaphore(%arg18 : memref<!tpu.dma_semaphore, #tpu.memory_space<semaphore_mem>>) src(%dma_wait3A_84 : memref<40x128xf32, #tpu.memory_space<vmem>>) dst(%dma_wait3A_89 : memref<10000x128xf32, #tpu.memory_space<vmem_shared>>)
    %dma_wait3A_90 = arith.constant 2 : i32
    %dma_wait3A_91 = arith.constant 0 : i32
    %dma_wait3A_92 = arith.constant 0 : i32
    %dma_wait3A_93 = tpu.memref_slice %arg9[%dma_wait3A_90, %dma_wait3A_91, %dma_wait3A_92] : memref<5x40x128xf32, #tpu.memory_space<vmem>> -> memref<1x40x128xf32, #tpu.memory_space<vmem>>
    %dma_wait3A_94 = tpu.memref_squeeze %dma_wait3A_93 : memref<1x40x128xf32, #tpu.memory_space<vmem>> -> memref<40x128xf32, #tpu.memory_space<vmem>>
    %dma_wait3A_95 = arith.constant 0 : i32
    %dma_wait3A_96 = tpu.memref_slice %arg8[%dma_wait3A_95] : memref<10000xi32, #tpu.memory_space<vmem>> -> memref<40xi32, #tpu.memory_space<vmem>>
    %dma_wait3A_97 = arith.constant 0 : i32
    %dma_wait3A_98 = arith.constant 0 : i32
    %dma_wait3A_99 = tpu.memref_slice %arg11[%dma_wait3A_97, %dma_wait3A_98] : memref<10000x128xf32, #tpu.memory_space<vmem_shared>> -> memref<10000x128xf32, #tpu.memory_space<vmem_shared>>
    tpu.wait_indirect_dma semaphore(%arg19 : memref<!tpu.dma_semaphore, #tpu.memory_space<semaphore_mem>>) src(%dma_wait3A_94 : memref<40x128xf32, #tpu.memory_space<vmem>>) dst(%dma_wait3A_99 : memref<10000x128xf32, #tpu.memory_space<vmem_shared>>)
    %dma_wait3A_100 = arith.constant 3 : i32
    %dma_wait3A_101 = arith.constant 0 : i32
    %dma_wait3A_102 = arith.constant 0 : i32
    %dma_wait3A_103 = tpu.memref_slice %arg9[%dma_wait3A_100, %dma_wait3A_101, %dma_wait3A_102] : memref<5x40x128xf32, #tpu.memory_space<vmem>> -> memref<1x40x128xf32, #tpu.memory_space<vmem>>
    %dma_wait3A_104 = tpu.memref_squeeze %dma_wait3A_103 : memref<1x40x128xf32, #tpu.memory_space<vmem>> -> memref<40x128xf32, #tpu.memory_space<vmem>>
    %dma_wait3A_105 = arith.constant 0 : i32
    %dma_wait3A_106 = tpu.memref_slice %arg8[%dma_wait3A_105] : memref<10000xi32, #tpu.memory_space<vmem>> -> memref<40xi32, #tpu.memory_space<vmem>>
    %dma_wait3A_107 = arith.constant 0 : i32
    %dma_wait3A_108 = arith.constant 0 : i32
    %dma_wait3A_109 = tpu.memref_slice %arg11[%dma_wait3A_107, %dma_wait3A_108] : memref<10000x128xf32, #tpu.memory_space<vmem_shared>> -> memref<10000x128xf32, #tpu.memory_space<vmem_shared>>
    tpu.wait_indirect_dma semaphore(%arg20 : memref<!tpu.dma_semaphore, #tpu.memory_space<semaphore_mem>>) src(%dma_wait3A_104 : memref<40x128xf32, #tpu.memory_space<vmem>>) dst(%dma_wait3A_109 : memref<10000x128xf32, #tpu.memory_space<vmem_shared>>)
    %dma_wait3A_110 = arith.constant 4 : i32
    %dma_wait3A_111 = arith.constant 0 : i32
    %dma_wait3A_112 = arith.constant 0 : i32
    %dma_wait3A_113 = tpu.memref_slice %arg9[%dma_wait3A_110, %dma_wait3A_111, %dma_wait3A_112] : memref<5x40x128xf32, #tpu.memory_space<vmem>> -> memref<1x40x128xf32, #tpu.memory_space<vmem>>
    %dma_wait3A_114 = tpu.memref_squeeze %dma_wait3A_113 : memref<1x40x128xf32, #tpu.memory_space<vmem>> -> memref<40x128xf32, #tpu.memory_space<vmem>>
    %dma_wait3A_115 = arith.constant 0 : i32
    %dma_wait3A_116 = tpu.memref_slice %arg8[%dma_wait3A_115] : memref<10000xi32, #tpu.memory_space<vmem>> -> memref<40xi32, #tpu.memory_space<vmem>>
    %dma_wait3A_117 = arith.constant 0 : i32
    %dma_wait3A_118 = arith.constant 0 : i32
    %dma_wait3A_119 = tpu.memref_slice %arg11[%dma_wait3A_117, %dma_wait3A_118] : memref<10000x128xf32, #tpu.memory_space<vmem_shared>> -> memref<10000x128xf32, #tpu.memory_space<vmem_shared>>
    tpu.wait_indirect_dma semaphore(%arg21 : memref<!tpu.dma_semaphore, #tpu.memory_space<semaphore_mem>>) src(%dma_wait3A_114 : memref<40x128xf32, #tpu.memory_space<vmem>>) dst(%dma_wait3A_119 : memref<10000x128xf32, #tpu.memory_space<vmem_shared>>)
    %barrier3A_120 = arith.constant 0 : index
    tpu.barrier barrier_id(%barrier3A_120)
    "tpu.region"() ({
      %run_scoped3A = tpu.sem_alloc : memref<!tpu.dma_semaphore, #tpu.memory_space<semaphore_mem>>
      %dma_start3A_121 = arith.constant 0 : i32
      %dma_start3A_122 = tpu.memref_slice %arg6[%arg0, %min3A_3, %dma_start3A_121] : memref<2x10000x128xf32, #tpu.memory_space<hbm>> -> memref<1x640x128xf32, #tpu.memory_space<hbm>>
      %dma_start3A_123 = tpu.memref_squeeze %dma_start3A_122 : memref<1x640x128xf32, #tpu.memory_space<hbm>> -> memref<640x128xf32, #tpu.memory_space<hbm>>
      %dma_start3A_124 = arith.constant 0 : i32
      %dma_start3A_125 = tpu.memref_slice %arg11[%min3A_3, %dma_start3A_124] : memref<10000x128xf32, #tpu.memory_space<vmem_shared>> -> memref<640x128xf32, #tpu.memory_space<vmem_shared>>
      tpu.enqueue_dma source(%dma_start3A_125 : memref<640x128xf32, #tpu.memory_space<vmem_shared>>) target(%dma_start3A_123 : memref<640x128xf32, #tpu.memory_space<hbm>>) target_semaphore(%run_scoped3A : memref<!tpu.dma_semaphore, #tpu.memory_space<semaphore_mem>>)
      %dma_wait3A_126 = arith.constant 0 : i32
      %dma_wait3A_127 = tpu.memref_slice %arg6[%arg0, %min3A_3, %dma_wait3A_126] : memref<2x10000x128xf32, #tpu.memory_space<hbm>> -> memref<1x640x128xf32, #tpu.memory_space<hbm>>
      %dma_wait3A_128 = tpu.memref_squeeze %dma_wait3A_127 : memref<1x640x128xf32, #tpu.memory_space<hbm>> -> memref<640x128xf32, #tpu.memory_space<hbm>>
      %dma_wait3A_129 = arith.constant 0 : i32
      %dma_wait3A_130 = tpu.memref_slice %arg11[%min3A_3, %dma_wait3A_129] : memref<10000x128xf32, #tpu.memory_space<vmem_shared>> -> memref<640x128xf32, #tpu.memory_space<vmem_shared>>
      tpu.wait_dma2 semaphore(%run_scoped3A : memref<!tpu.dma_semaphore, #tpu.memory_space<semaphore_mem>>) src(%dma_wait3A_130 : memref<640x128xf32, #tpu.memory_space<vmem_shared>>) dst(%dma_wait3A_128 : memref<640x128xf32, #tpu.memory_space<hbm>>)
      tpu.yield
    }) : () -> ()
    return
  }
}

#map = affine_map<(d0, d1) -> (0, 0)>
#map1 = affine_map<(d0, d1) -> (0)>
#map2 = affine_map<(d0, d1) -> (0, 0, 0)>
module attributes {stable_mosaic.version = 14 : i64} {
  func.func @_seg_sum(%arg0: i32, %arg1: i32, %arg2: memref<10000x128xf32, #tpu.memory_space<hbm>>, %arg3: memref<320000xi32, #tpu.memory_space<hbm>>, %arg4: memref<320000xi32, #tpu.memory_space<hbm>>, %arg5: memref<16x128xf32, #tpu.memory_space<hbm>>, %arg6: memref<2x10000x128xf32, #tpu.memory_space<hbm>>, %arg7: memref<10000xi32, #tpu.memory_space<vmem>>, %arg8: memref<10000xi32, #tpu.memory_space<vmem>>, %arg9: memref<5x40x128xf32, #tpu.memory_space<vmem>>, %arg10: memref<16x128xf32, #tpu.memory_space<vmem>>, %arg11: memref<10000x128xf32, #tpu.memory_space<vmem_shared>>, %arg12: memref<!tpu.dma_semaphore, #tpu.memory_space<semaphore_mem>>, %arg13: memref<!tpu.dma_semaphore, #tpu.memory_space<semaphore_mem>>, %arg14: memref<!tpu.dma_semaphore, #tpu.memory_space<semaphore_mem>>, %arg15: memref<!tpu.dma_semaphore, #tpu.memory_space<semaphore_mem>>, %arg16: memref<!tpu.dma_semaphore, #tpu.memory_space<semaphore_mem>>, %arg17: memref<!tpu.dma_semaphore, #tpu.memory_space<semaphore_mem>>, %arg18: memref<!tpu.dma_semaphore, #tpu.memory_space<semaphore_mem>>, %arg19: memref<!tpu.dma_semaphore, #tpu.memory_space<semaphore_mem>>, %arg20: memref<!tpu.dma_semaphore, #tpu.memory_space<semaphore_mem>>, %arg21: memref<!tpu.dma_semaphore, #tpu.memory_space<semaphore_mem>>, %arg22: memref<!tpu.dma_semaphore, #tpu.memory_space<semaphore_mem>>) attributes {dimension_semantics = [#tpu.dimension_semantics<core_parallel>, #tpu.dimension_semantics<subcore_parallel>], iteration_bounds = array<i64: 2, 16>, scalar_prefetch = 0 : i64, scratch_operands = 16 : i64, tpu.core_type = #tpu.core_type<sc_vector_subcore>, window_params = [{transform_indices = #map}, {transform_indices = #map1}, {transform_indices = #map1}, {transform_indices = #map}, {transform_indices = #map2}]} {
    %mul3A = arith.constant 2 : i32
    %mul3A_0 = arith.muli %arg1, %mul3A : i32
    %add3A = arith.addi %mul3A_0, %arg0 : i32
    %mul3A_1 = arith.constant 640 : i32
    %mul3A_2 = arith.muli %arg1, %mul3A_1 : i32
    %min3A = arith.constant 9360 : i32
    %min3A_3 = arith.minsi %mul3A_2, %min3A : i32
    "tpu.region"() ({
      %run_scoped3A = tpu.sem_alloc : memref<!tpu.dma_semaphore, #tpu.memory_space<semaphore_mem>>
      tpu.enqueue_dma source(%arg5 : memref<16x128xf32, #tpu.memory_space<hbm>>) target(%arg10 : memref<16x128xf32, #tpu.memory_space<vmem>>) target_semaphore(%run_scoped3A : memref<!tpu.dma_semaphore, #tpu.memory_space<semaphore_mem>>)
      tpu.wait_dma2 semaphore(%run_scoped3A : memref<!tpu.dma_semaphore, #tpu.memory_space<semaphore_mem>>) src(%arg5 : memref<16x128xf32, #tpu.memory_space<hbm>>) dst(%arg10 : memref<16x128xf32, #tpu.memory_space<vmem>>)
      tpu.yield
    }) : () -> ()
    %scan3A = arith.constant 0 : i32
    %scan3A_4 = arith.constant 40 : i32
    %scan3A_5 = arith.addi %scan3A, %scan3A_4 : i32
    %scan3A_6 = arith.constant 1 : i32
    scf.for %scan3A_121 = %scan3A to %scan3A_5 step %scan3A_6  : i32 {
      %mul3A_122 = arith.constant 1 : i32
      %mul3A_123 = arith.muli %scan3A_121, %mul3A_122 : i32
      %add3A_124 = arith.constant 0 : i32
      %add3A_125 = arith.addi %add3A_124, %mul3A_123 : i32
      %mul3A_126 = arith.constant 16 : i32
      %mul3A_127 = arith.muli %add3A_125, %mul3A_126 : i32
      %add3A_128 = arith.addi %min3A_3, %mul3A_127 : i32
      %dma_start3A_129 = arith.constant 0 : i32
      %dma_start3A_130 = tpu.memref_slice %arg11[%add3A_128, %dma_start3A_129] : memref<10000x128xf32, #tpu.memory_space<vmem_shared>> -> memref<16x128xf32, #tpu.memory_space<vmem_shared>>
      %dma_start3A_131 = arith.constant 0 : i32
      %dma_start3A_132 = tpu.memref_slice %arg11[%add3A_128, %dma_start3A_131] : memref<10000x128xf32, #tpu.memory_space<vmem_shared>> -> memref<16x128xf32, #tpu.memory_space<vmem_shared>>
      tpu.enqueue_dma source(%arg10 : memref<16x128xf32, #tpu.memory_space<vmem>>) target(%dma_start3A_132 : memref<16x128xf32, #tpu.memory_space<vmem_shared>>) target_semaphore(%arg22 : memref<!tpu.dma_semaphore, #tpu.memory_space<semaphore_mem>>)
    }
    %scan3A_7 = arith.constant 40 : i32
    %mul3A_8 = arith.constant 10000 : i32
    %mul3A_9 = arith.muli %add3A, %mul3A_8 : i32
    "tpu.region"() ({
      %run_scoped3A = tpu.sem_alloc : memref<!tpu.dma_semaphore, #tpu.memory_space<semaphore_mem>>
      %dma_start3A_121 = tpu.memref_slice %arg3[%mul3A_9] : memref<320000xi32, #tpu.memory_space<hbm>> -> memref<10000xi32, #tpu.memory_space<hbm>>
      %dma_start3A_122 = tpu.memref_slice %arg3[%mul3A_9] : memref<320000xi32, #tpu.memory_space<hbm>> -> memref<10000xi32, #tpu.memory_space<hbm>>
      tpu.enqueue_dma source(%dma_start3A_122 : memref<10000xi32, #tpu.memory_space<hbm>>) target(%arg7 : memref<10000xi32, #tpu.memory_space<vmem>>) target_semaphore(%run_scoped3A : memref<!tpu.dma_semaphore, #tpu.memory_space<semaphore_mem>>)
      %dma_wait3A_123 = tpu.memref_slice %arg3[%mul3A_9] : memref<320000xi32, #tpu.memory_space<hbm>> -> memref<10000xi32, #tpu.memory_space<hbm>>
      %dma_wait3A_124 = tpu.memref_slice %arg3[%mul3A_9] : memref<320000xi32, #tpu.memory_space<hbm>> -> memref<10000xi32, #tpu.memory_space<hbm>>
      tpu.wait_dma2 semaphore(%run_scoped3A : memref<!tpu.dma_semaphore, #tpu.memory_space<semaphore_mem>>) src(%dma_wait3A_124 : memref<10000xi32, #tpu.memory_space<hbm>>) dst(%arg7 : memref<10000xi32, #tpu.memory_space<vmem>>)
      tpu.yield
    }) : () -> ()
    %mul3A_10 = arith.constant 10000 : i32
    %mul3A_11 = arith.muli %add3A, %mul3A_10 : i32
    "tpu.region"() ({
      %run_scoped3A = tpu.sem_alloc : memref<!tpu.dma_semaphore, #tpu.memory_space<semaphore_mem>>
      %dma_start3A_121 = tpu.memref_slice %arg4[%mul3A_11] : memref<320000xi32, #tpu.memory_space<hbm>> -> memref<10000xi32, #tpu.memory_space<hbm>>
      %dma_start3A_122 = tpu.memref_slice %arg4[%mul3A_11] : memref<320000xi32, #tpu.memory_space<hbm>> -> memref<10000xi32, #tpu.memory_space<hbm>>
      tpu.enqueue_dma source(%dma_start3A_122 : memref<10000xi32, #tpu.memory_space<hbm>>) target(%arg8 : memref<10000xi32, #tpu.memory_space<vmem>>) target_semaphore(%run_scoped3A : memref<!tpu.dma_semaphore, #tpu.memory_space<semaphore_mem>>)
      %dma_wait3A_123 = tpu.memref_slice %arg4[%mul3A_11] : memref<320000xi32, #tpu.memory_space<hbm>> -> memref<10000xi32, #tpu.memory_space<hbm>>
      %dma_wait3A_124 = tpu.memref_slice %arg4[%mul3A_11] : memref<320000xi32, #tpu.memory_space<hbm>> -> memref<10000xi32, #tpu.memory_space<hbm>>
      tpu.wait_dma2 semaphore(%run_scoped3A : memref<!tpu.dma_semaphore, #tpu.memory_space<semaphore_mem>>) src(%dma_wait3A_124 : memref<10000xi32, #tpu.memory_space<hbm>>) dst(%arg8 : memref<10000xi32, #tpu.memory_space<vmem>>)
      tpu.yield
    }) : () -> ()
    %dma_start3A = arith.constant 0 : i32
    %dma_start3A_12 = arith.constant 0 : i32
    %dma_start3A_13 = arith.constant 0 : i32
    %dma_start3A_14 = tpu.memref_slice %arg9[%dma_start3A, %dma_start3A_12, %dma_start3A_13] : memref<5x40x128xf32, #tpu.memory_space<vmem>> -> memref<1x40x128xf32, #tpu.memory_space<vmem>>
    %dma_start3A_15 = tpu.memref_squeeze %dma_start3A_14 : memref<1x40x128xf32, #tpu.memory_space<vmem>> -> memref<40x128xf32, #tpu.memory_space<vmem>>
    %dma_start3A_16 = arith.constant 0 : i32
    %dma_start3A_17 = tpu.memref_slice %arg7[%dma_start3A_16] : memref<10000xi32, #tpu.memory_space<vmem>> -> memref<40xi32, #tpu.memory_space<vmem>>
    %dma_start3A_18 = arith.constant 0 : i32
    %dma_start3A_19 = arith.constant 0 : i32
    %dma_start3A_20 = tpu.memref_slice %arg2[%dma_start3A_18, %dma_start3A_19] : memref<10000x128xf32, #tpu.memory_space<hbm>> -> memref<10000x128xf32, #tpu.memory_space<hbm>>
    tpu.enqueue_indirect_dma source(%dma_start3A_20 : memref<10000x128xf32, #tpu.memory_space<hbm>>) target(%dma_start3A_15 : memref<40x128xf32, #tpu.memory_space<vmem>>) offsets(%dma_start3A_17 : memref<40xi32, #tpu.memory_space<vmem>>) semaphore(%arg12 : memref<!tpu.dma_semaphore, #tpu.memory_space<semaphore_mem>>)
    %dma_start3A_21 = arith.constant 1 : i32
    %dma_start3A_22 = arith.constant 0 : i32
    %dma_start3A_23 = arith.constant 0 : i32
    %dma_start3A_24 = tpu.memref_slice %arg9[%dma_start3A_21, %dma_start3A_22, %dma_start3A_23] : memref<5x40x128xf32, #tpu.memory_space<vmem>> -> memref<1x40x128xf32, #tpu.memory_space<vmem>>
    %dma_start3A_25 = tpu.memref_squeeze %dma_start3A_24 : memref<1x40x128xf32, #tpu.memory_space<vmem>> -> memref<40x128xf32, #tpu.memory_space<vmem>>
    %dma_start3A_26 = arith.constant 40 : i32
    %dma_start3A_27 = tpu.memref_slice %arg7[%dma_start3A_26] : memref<10000xi32, #tpu.memory_space<vmem>> -> memref<40xi32, #tpu.memory_space<vmem>>
    %dma_start3A_28 = arith.constant 0 : i32
    %dma_start3A_29 = arith.constant 0 : i32
    %dma_start3A_30 = tpu.memref_slice %arg2[%dma_start3A_28, %dma_start3A_29] : memref<10000x128xf32, #tpu.memory_space<hbm>> -> memref<10000x128xf32, #tpu.memory_space<hbm>>
    tpu.enqueue_indirect_dma source(%dma_start3A_30 : memref<10000x128xf32, #tpu.memory_space<hbm>>) target(%dma_start3A_25 : memref<40x128xf32, #tpu.memory_space<vmem>>) offsets(%dma_start3A_27 : memref<40xi32, #tpu.memory_space<vmem>>) semaphore(%arg13 : memref<!tpu.dma_semaphore, #tpu.memory_space<semaphore_mem>>)
    %dma_start3A_31 = arith.constant 2 : i32
    %dma_start3A_32 = arith.constant 0 : i32
    %dma_start3A_33 = arith.constant 0 : i32
    %dma_start3A_34 = tpu.memref_slice %arg9[%dma_start3A_31, %dma_start3A_32, %dma_start3A_33] : memref<5x40x128xf32, #tpu.memory_space<vmem>> -> memref<1x40x128xf32, #tpu.memory_space<vmem>>
    %dma_start3A_35 = tpu.memref_squeeze %dma_start3A_34 : memref<1x40x128xf32, #tpu.memory_space<vmem>> -> memref<40x128xf32, #tpu.memory_space<vmem>>
    %dma_start3A_36 = arith.constant 80 : i32
    %dma_start3A_37 = tpu.memref_slice %arg7[%dma_start3A_36] : memref<10000xi32, #tpu.memory_space<vmem>> -> memref<40xi32, #tpu.memory_space<vmem>>
    %dma_start3A_38 = arith.constant 0 : i32
    %dma_start3A_39 = arith.constant 0 : i32
    %dma_start3A_40 = tpu.memref_slice %arg2[%dma_start3A_38, %dma_start3A_39] : memref<10000x128xf32, #tpu.memory_space<hbm>> -> memref<10000x128xf32, #tpu.memory_space<hbm>>
    tpu.enqueue_indirect_dma source(%dma_start3A_40 : memref<10000x128xf32, #tpu.memory_space<hbm>>) target(%dma_start3A_35 : memref<40x128xf32, #tpu.memory_space<vmem>>) offsets(%dma_start3A_37 : memref<40xi32, #tpu.memory_space<vmem>>) semaphore(%arg14 : memref<!tpu.dma_semaphore, #tpu.memory_space<semaphore_mem>>)
    %dma_start3A_41 = arith.constant 3 : i32
    %dma_start3A_42 = arith.constant 0 : i32
    %dma_start3A_43 = arith.constant 0 : i32
    %dma_start3A_44 = tpu.memref_slice %arg9[%dma_start3A_41, %dma_start3A_42, %dma_start3A_43] : memref<5x40x128xf32, #tpu.memory_space<vmem>> -> memref<1x40x128xf32, #tpu.memory_space<vmem>>
    %dma_start3A_45 = tpu.memref_squeeze %dma_start3A_44 : memref<1x40x128xf32, #tpu.memory_space<vmem>> -> memref<40x128xf32, #tpu.memory_space<vmem>>
    %dma_start3A_46 = arith.constant 120 : i32
    %dma_start3A_47 = tpu.memref_slice %arg7[%dma_start3A_46] : memref<10000xi32, #tpu.memory_space<vmem>> -> memref<40xi32, #tpu.memory_space<vmem>>
    %dma_start3A_48 = arith.constant 0 : i32
    %dma_start3A_49 = arith.constant 0 : i32
    %dma_start3A_50 = tpu.memref_slice %arg2[%dma_start3A_48, %dma_start3A_49] : memref<10000x128xf32, #tpu.memory_space<hbm>> -> memref<10000x128xf32, #tpu.memory_space<hbm>>
    tpu.enqueue_indirect_dma source(%dma_start3A_50 : memref<10000x128xf32, #tpu.memory_space<hbm>>) target(%dma_start3A_45 : memref<40x128xf32, #tpu.memory_space<vmem>>) offsets(%dma_start3A_47 : memref<40xi32, #tpu.memory_space<vmem>>) semaphore(%arg15 : memref<!tpu.dma_semaphore, #tpu.memory_space<semaphore_mem>>)
    %dma_start3A_51 = arith.constant 4 : i32
    %dma_start3A_52 = arith.constant 0 : i32
    %dma_start3A_53 = arith.constant 0 : i32
    %dma_start3A_54 = tpu.memref_slice %arg9[%dma_start3A_51, %dma_start3A_52, %dma_start3A_53] : memref<5x40x128xf32, #tpu.memory_space<vmem>> -> memref<1x40x128xf32, #tpu.memory_space<vmem>>
    %dma_start3A_55 = tpu.memref_squeeze %dma_start3A_54 : memref<1x40x128xf32, #tpu.memory_space<vmem>> -> memref<40x128xf32, #tpu.memory_space<vmem>>
    %dma_start3A_56 = arith.constant 160 : i32
    %dma_start3A_57 = tpu.memref_slice %arg7[%dma_start3A_56] : memref<10000xi32, #tpu.memory_space<vmem>> -> memref<40xi32, #tpu.memory_space<vmem>>
    %dma_start3A_58 = arith.constant 0 : i32
    %dma_start3A_59 = arith.constant 0 : i32
    %dma_start3A_60 = tpu.memref_slice %arg2[%dma_start3A_58, %dma_start3A_59] : memref<10000x128xf32, #tpu.memory_space<hbm>> -> memref<10000x128xf32, #tpu.memory_space<hbm>>
    tpu.enqueue_indirect_dma source(%dma_start3A_60 : memref<10000x128xf32, #tpu.memory_space<hbm>>) target(%dma_start3A_55 : memref<40x128xf32, #tpu.memory_space<vmem>>) offsets(%dma_start3A_57 : memref<40xi32, #tpu.memory_space<vmem>>) semaphore(%arg16 : memref<!tpu.dma_semaphore, #tpu.memory_space<semaphore_mem>>)
    %scan3A_61 = arith.constant 0 : i32
    %scan3A_62 = arith.constant 40 : i32
    %scan3A_63 = arith.addi %scan3A_61, %scan3A_62 : i32
    %scan3A_64 = arith.constant 1 : i32
    scf.for %scan3A_121 = %scan3A_61 to %scan3A_63 step %scan3A_64  : i32 {
      %mul3A_122 = arith.constant 1 : i32
      %mul3A_123 = arith.muli %scan3A_121, %mul3A_122 : i32
      %add3A_124 = arith.constant 0 : i32
      %add3A_125 = arith.addi %add3A_124, %mul3A_123 : i32
      %dma_wait3A_126 = arith.constant 0 : i32
      %dma_wait3A_127 = tpu.memref_slice %arg11[%min3A_3, %dma_wait3A_126] : memref<10000x128xf32, #tpu.memory_space<vmem_shared>> -> memref<16x128xf32, #tpu.memory_space<vmem_shared>>
      %dma_wait3A_128 = arith.constant 0 : i32
      %dma_wait3A_129 = tpu.memref_slice %arg11[%min3A_3, %dma_wait3A_128] : memref<10000x128xf32, #tpu.memory_space<vmem_shared>> -> memref<16x128xf32, #tpu.memory_space<vmem_shared>>
      tpu.wait_dma2 semaphore(%arg22 : memref<!tpu.dma_semaphore, #tpu.memory_space<semaphore_mem>>) src(%arg10 : memref<16x128xf32, #tpu.memory_space<vmem>>) dst(%dma_wait3A_129 : memref<16x128xf32, #tpu.memory_space<vmem_shared>>)
    }
    %scan3A_65 = arith.constant 40 : i32
    %barrier3A = arith.constant 0 : index
    tpu.barrier barrier_id(%barrier3A)
    %scan3A_66 = arith.constant 0 : i32
    %scan3A_67 = arith.constant 50 : i32
    %scan3A_68 = arith.addi %scan3A_66, %scan3A_67 : i32
    %scan3A_69 = arith.constant 1 : i32
    scf.for %scan3A_121 = %scan3A_66 to %scan3A_68 step %scan3A_69  : i32 {
      %mul3A_122 = arith.constant 5 : i32
      %mul3A_123 = arith.muli %scan3A_121, %mul3A_122 : i32
      %add3A_124 = arith.constant 0 : i32
      %add3A_125 = arith.addi %add3A_124, %mul3A_123 : i32
      %add3A_126 = arith.constant 0 : i32
      %add3A_127 = arith.addi %add3A_125, %add3A_126 : i32
      %lt3A = arith.constant 250 : i32
      %lt3A_128 = arith.cmpi slt, %add3A_127, %lt3A : i32
      %convert_element_type3A = arith.extui %lt3A_128 : i1 to i32
      %cond3A = arith.constant 0 : i32
      %cond3A_129 = arith.cmpi ne, %convert_element_type3A, %cond3A : i32
      scf.if %cond3A_129 {
        %mul3A_203 = arith.constant 40 : i32
        %mul3A_204 = arith.muli %add3A_127, %mul3A_203 : i32
        %dma_wait3A_205 = arith.constant 0 : i32
        %dma_wait3A_206 = arith.constant 0 : i32
        %dma_wait3A_207 = arith.constant 0 : i32
        %dma_wait3A_208 = tpu.memref_slice %arg9[%dma_wait3A_205, %dma_wait3A_206, %dma_wait3A_207] : memref<5x40x128xf32, #tpu.memory_space<vmem>> -> memref<1x40x128xf32, #tpu.memory_space<vmem>>
        %dma_wait3A_209 = tpu.memref_squeeze %dma_wait3A_208 : memref<1x40x128xf32, #tpu.memory_space<vmem>> -> memref<40x128xf32, #tpu.memory_space<vmem>>
        %dma_wait3A_210 = tpu.memref_slice %arg7[%mul3A_204] : memref<10000xi32, #tpu.memory_space<vmem>> -> memref<40xi32, #tpu.memory_space<vmem>>
        %dma_wait3A_211 = arith.constant 0 : i32
        %dma_wait3A_212 = arith.constant 0 : i32
        %dma_wait3A_213 = tpu.memref_slice %arg2[%dma_wait3A_211, %dma_wait3A_212] : memref<10000x128xf32, #tpu.memory_space<hbm>> -> memref<10000x128xf32, #tpu.memory_space<hbm>>
        tpu.wait_indirect_dma semaphore(%arg12 : memref<!tpu.dma_semaphore, #tpu.memory_space<semaphore_mem>>) src(%dma_wait3A_213 : memref<10000x128xf32, #tpu.memory_space<hbm>>) dst(%dma_wait3A_209 : memref<40x128xf32, #tpu.memory_space<vmem>>)
        %mul3A_214 = arith.constant 40 : i32
        %mul3A_215 = arith.muli %add3A_127, %mul3A_214 : i32
        %dma_start3A_216 = arith.constant 0 : i32
        %dma_start3A_217 = arith.constant 0 : i32
        %dma_start3A_218 = arith.constant 0 : i32
        %dma_start3A_219 = tpu.memref_slice %arg9[%dma_start3A_216, %dma_start3A_217, %dma_start3A_218] : memref<5x40x128xf32, #tpu.memory_space<vmem>> -> memref<1x40x128xf32, #tpu.memory_space<vmem>>
        %dma_start3A_220 = tpu.memref_squeeze %dma_start3A_219 : memref<1x40x128xf32, #tpu.memory_space<vmem>> -> memref<40x128xf32, #tpu.memory_space<vmem>>
        %dma_start3A_221 = tpu.memref_slice %arg8[%mul3A_215] : memref<10000xi32, #tpu.memory_space<vmem>> -> memref<40xi32, #tpu.memory_space<vmem>>
        %dma_start3A_222 = arith.constant 0 : i32
        %dma_start3A_223 = arith.constant 0 : i32
        %dma_start3A_224 = tpu.memref_slice %arg11[%dma_start3A_222, %dma_start3A_223] : memref<10000x128xf32, #tpu.memory_space<vmem_shared>> -> memref<10000x128xf32, #tpu.memory_space<vmem_shared>>
        tpu.enqueue_indirect_dma source(%dma_start3A_220 : memref<40x128xf32, #tpu.memory_space<vmem>>) target(%dma_start3A_224 : memref<10000x128xf32, #tpu.memory_space<vmem_shared>>) offsets(%dma_start3A_221 : memref<40xi32, #tpu.memory_space<vmem>>) semaphore(%arg17 : memref<!tpu.dma_semaphore, #tpu.memory_space<semaphore_mem>>) {add = true}
      } else {
      }
      %add3A_130 = arith.constant 1 : i32
      %add3A_131 = arith.addi %add3A_125, %add3A_130 : i32
      %lt3A_132 = arith.constant 250 : i32
      %lt3A_133 = arith.cmpi slt, %add3A_131, %lt3A_132 : i32
      %convert_element_type3A_134 = arith.extui %lt3A_133 : i1 to i32
      %cond3A_135 = arith.constant 0 : i32
      %cond3A_136 = arith.cmpi ne, %convert_element_type3A_134, %cond3A_135 : i32
      scf.if %cond3A_136 {
        %mul3A_203 = arith.constant 40 : i32
        %mul3A_204 = arith.muli %add3A_131, %mul3A_203 : i32
        %dma_wait3A_205 = arith.constant 1 : i32
        %dma_wait3A_206 = arith.constant 0 : i32
        %dma_wait3A_207 = arith.constant 0 : i32
        %dma_wait3A_208 = tpu.memref_slice %arg9[%dma_wait3A_205, %dma_wait3A_206, %dma_wait3A_207] : memref<5x40x128xf32, #tpu.memory_space<vmem>> -> memref<1x40x128xf32, #tpu.memory_space<vmem>>
        %dma_wait3A_209 = tpu.memref_squeeze %dma_wait3A_208 : memref<1x40x128xf32, #tpu.memory_space<vmem>> -> memref<40x128xf32, #tpu.memory_space<vmem>>
        %dma_wait3A_210 = tpu.memref_slice %arg7[%mul3A_204] : memref<10000xi32, #tpu.memory_space<vmem>> -> memref<40xi32, #tpu.memory_space<vmem>>
        %dma_wait3A_211 = arith.constant 0 : i32
        %dma_wait3A_212 = arith.constant 0 : i32
        %dma_wait3A_213 = tpu.memref_slice %arg2[%dma_wait3A_211, %dma_wait3A_212] : memref<10000x128xf32, #tpu.memory_space<hbm>> -> memref<10000x128xf32, #tpu.memory_space<hbm>>
        tpu.wait_indirect_dma semaphore(%arg13 : memref<!tpu.dma_semaphore, #tpu.memory_space<semaphore_mem>>) src(%dma_wait3A_213 : memref<10000x128xf32, #tpu.memory_space<hbm>>) dst(%dma_wait3A_209 : memref<40x128xf32, #tpu.memory_space<vmem>>)
        %mul3A_214 = arith.constant 40 : i32
        %mul3A_215 = arith.muli %add3A_131, %mul3A_214 : i32
        %dma_start3A_216 = arith.constant 1 : i32
        %dma_start3A_217 = arith.constant 0 : i32
        %dma_start3A_218 = arith.constant 0 : i32
        %dma_start3A_219 = tpu.memref_slice %arg9[%dma_start3A_216, %dma_start3A_217, %dma_start3A_218] : memref<5x40x128xf32, #tpu.memory_space<vmem>> -> memref<1x40x128xf32, #tpu.memory_space<vmem>>
        %dma_start3A_220 = tpu.memref_squeeze %dma_start3A_219 : memref<1x40x128xf32, #tpu.memory_space<vmem>> -> memref<40x128xf32, #tpu.memory_space<vmem>>
        %dma_start3A_221 = tpu.memref_slice %arg8[%mul3A_215] : memref<10000xi32, #tpu.memory_space<vmem>> -> memref<40xi32, #tpu.memory_space<vmem>>
        %dma_start3A_222 = arith.constant 0 : i32
        %dma_start3A_223 = arith.constant 0 : i32
        %dma_start3A_224 = tpu.memref_slice %arg11[%dma_start3A_222, %dma_start3A_223] : memref<10000x128xf32, #tpu.memory_space<vmem_shared>> -> memref<10000x128xf32, #tpu.memory_space<vmem_shared>>
        tpu.enqueue_indirect_dma source(%dma_start3A_220 : memref<40x128xf32, #tpu.memory_space<vmem>>) target(%dma_start3A_224 : memref<10000x128xf32, #tpu.memory_space<vmem_shared>>) offsets(%dma_start3A_221 : memref<40xi32, #tpu.memory_space<vmem>>) semaphore(%arg18 : memref<!tpu.dma_semaphore, #tpu.memory_space<semaphore_mem>>) {add = true}
      } else {
      }
      %add3A_137 = arith.constant 2 : i32
      %add3A_138 = arith.addi %add3A_125, %add3A_137 : i32
      %lt3A_139 = arith.constant 250 : i32
      %lt3A_140 = arith.cmpi slt, %add3A_138, %lt3A_139 : i32
      %convert_element_type3A_141 = arith.extui %lt3A_140 : i1 to i32
      %cond3A_142 = arith.constant 0 : i32
      %cond3A_143 = arith.cmpi ne, %convert_element_type3A_141, %cond3A_142 : i32
      scf.if %cond3A_143 {
        %mul3A_203 = arith.constant 40 : i32
        %mul3A_204 = arith.muli %add3A_138, %mul3A_203 : i32
        %dma_wait3A_205 = arith.constant 2 : i32
        %dma_wait3A_206 = arith.constant 0 : i32
        %dma_wait3A_207 = arith.constant 0 : i32
        %dma_wait3A_208 = tpu.memref_slice %arg9[%dma_wait3A_205, %dma_wait3A_206, %dma_wait3A_207] : memref<5x40x128xf32, #tpu.memory_space<vmem>> -> memref<1x40x128xf32, #tpu.memory_space<vmem>>
        %dma_wait3A_209 = tpu.memref_squeeze %dma_wait3A_208 : memref<1x40x128xf32, #tpu.memory_space<vmem>> -> memref<40x128xf32, #tpu.memory_space<vmem>>
        %dma_wait3A_210 = tpu.memref_slice %arg7[%mul3A_204] : memref<10000xi32, #tpu.memory_space<vmem>> -> memref<40xi32, #tpu.memory_space<vmem>>
        %dma_wait3A_211 = arith.constant 0 : i32
        %dma_wait3A_212 = arith.constant 0 : i32
        %dma_wait3A_213 = tpu.memref_slice %arg2[%dma_wait3A_211, %dma_wait3A_212] : memref<10000x128xf32, #tpu.memory_space<hbm>> -> memref<10000x128xf32, #tpu.memory_space<hbm>>
        tpu.wait_indirect_dma semaphore(%arg14 : memref<!tpu.dma_semaphore, #tpu.memory_space<semaphore_mem>>) src(%dma_wait3A_213 : memref<10000x128xf32, #tpu.memory_space<hbm>>) dst(%dma_wait3A_209 : memref<40x128xf32, #tpu.memory_space<vmem>>)
        %mul3A_214 = arith.constant 40 : i32
        %mul3A_215 = arith.muli %add3A_138, %mul3A_214 : i32
        %dma_start3A_216 = arith.constant 2 : i32
        %dma_start3A_217 = arith.constant 0 : i32
        %dma_start3A_218 = arith.constant 0 : i32
        %dma_start3A_219 = tpu.memref_slice %arg9[%dma_start3A_216, %dma_start3A_217, %dma_start3A_218] : memref<5x40x128xf32, #tpu.memory_space<vmem>> -> memref<1x40x128xf32, #tpu.memory_space<vmem>>
        %dma_start3A_220 = tpu.memref_squeeze %dma_start3A_219 : memref<1x40x128xf32, #tpu.memory_space<vmem>> -> memref<40x128xf32, #tpu.memory_space<vmem>>
        %dma_start3A_221 = tpu.memref_slice %arg8[%mul3A_215] : memref<10000xi32, #tpu.memory_space<vmem>> -> memref<40xi32, #tpu.memory_space<vmem>>
        %dma_start3A_222 = arith.constant 0 : i32
        %dma_start3A_223 = arith.constant 0 : i32
        %dma_start3A_224 = tpu.memref_slice %arg11[%dma_start3A_222, %dma_start3A_223] : memref<10000x128xf32, #tpu.memory_space<vmem_shared>> -> memref<10000x128xf32, #tpu.memory_space<vmem_shared>>
        tpu.enqueue_indirect_dma source(%dma_start3A_220 : memref<40x128xf32, #tpu.memory_space<vmem>>) target(%dma_start3A_224 : memref<10000x128xf32, #tpu.memory_space<vmem_shared>>) offsets(%dma_start3A_221 : memref<40xi32, #tpu.memory_space<vmem>>) semaphore(%arg19 : memref<!tpu.dma_semaphore, #tpu.memory_space<semaphore_mem>>) {add = true}
      } else {
      }
      %add3A_144 = arith.constant 3 : i32
      %add3A_145 = arith.addi %add3A_125, %add3A_144 : i32
      %lt3A_146 = arith.constant 250 : i32
      %lt3A_147 = arith.cmpi slt, %add3A_145, %lt3A_146 : i32
      %convert_element_type3A_148 = arith.extui %lt3A_147 : i1 to i32
      %cond3A_149 = arith.constant 0 : i32
      %cond3A_150 = arith.cmpi ne, %convert_element_type3A_148, %cond3A_149 : i32
      scf.if %cond3A_150 {
        %mul3A_203 = arith.constant 40 : i32
        %mul3A_204 = arith.muli %add3A_145, %mul3A_203 : i32
        %dma_wait3A_205 = arith.constant 3 : i32
        %dma_wait3A_206 = arith.constant 0 : i32
        %dma_wait3A_207 = arith.constant 0 : i32
        %dma_wait3A_208 = tpu.memref_slice %arg9[%dma_wait3A_205, %dma_wait3A_206, %dma_wait3A_207] : memref<5x40x128xf32, #tpu.memory_space<vmem>> -> memref<1x40x128xf32, #tpu.memory_space<vmem>>
        %dma_wait3A_209 = tpu.memref_squeeze %dma_wait3A_208 : memref<1x40x128xf32, #tpu.memory_space<vmem>> -> memref<40x128xf32, #tpu.memory_space<vmem>>
        %dma_wait3A_210 = tpu.memref_slice %arg7[%mul3A_204] : memref<10000xi32, #tpu.memory_space<vmem>> -> memref<40xi32, #tpu.memory_space<vmem>>
        %dma_wait3A_211 = arith.constant 0 : i32
        %dma_wait3A_212 = arith.constant 0 : i32
        %dma_wait3A_213 = tpu.memref_slice %arg2[%dma_wait3A_211, %dma_wait3A_212] : memref<10000x128xf32, #tpu.memory_space<hbm>> -> memref<10000x128xf32, #tpu.memory_space<hbm>>
        tpu.wait_indirect_dma semaphore(%arg15 : memref<!tpu.dma_semaphore, #tpu.memory_space<semaphore_mem>>) src(%dma_wait3A_213 : memref<10000x128xf32, #tpu.memory_space<hbm>>) dst(%dma_wait3A_209 : memref<40x128xf32, #tpu.memory_space<vmem>>)
        %mul3A_214 = arith.constant 40 : i32
        %mul3A_215 = arith.muli %add3A_145, %mul3A_214 : i32
        %dma_start3A_216 = arith.constant 3 : i32
        %dma_start3A_217 = arith.constant 0 : i32
        %dma_start3A_218 = arith.constant 0 : i32
        %dma_start3A_219 = tpu.memref_slice %arg9[%dma_start3A_216, %dma_start3A_217, %dma_start3A_218] : memref<5x40x128xf32, #tpu.memory_space<vmem>> -> memref<1x40x128xf32, #tpu.memory_space<vmem>>
        %dma_start3A_220 = tpu.memref_squeeze %dma_start3A_219 : memref<1x40x128xf32, #tpu.memory_space<vmem>> -> memref<40x128xf32, #tpu.memory_space<vmem>>
        %dma_start3A_221 = tpu.memref_slice %arg8[%mul3A_215] : memref<10000xi32, #tpu.memory_space<vmem>> -> memref<40xi32, #tpu.memory_space<vmem>>
        %dma_start3A_222 = arith.constant 0 : i32
        %dma_start3A_223 = arith.constant 0 : i32
        %dma_start3A_224 = tpu.memref_slice %arg11[%dma_start3A_222, %dma_start3A_223] : memref<10000x128xf32, #tpu.memory_space<vmem_shared>> -> memref<10000x128xf32, #tpu.memory_space<vmem_shared>>
        tpu.enqueue_indirect_dma source(%dma_start3A_220 : memref<40x128xf32, #tpu.memory_space<vmem>>) target(%dma_start3A_224 : memref<10000x128xf32, #tpu.memory_space<vmem_shared>>) offsets(%dma_start3A_221 : memref<40xi32, #tpu.memory_space<vmem>>) semaphore(%arg20 : memref<!tpu.dma_semaphore, #tpu.memory_space<semaphore_mem>>) {add = true}
      } else {
      }
      %add3A_151 = arith.constant 4 : i32
      %add3A_152 = arith.addi %add3A_125, %add3A_151 : i32
      %lt3A_153 = arith.constant 250 : i32
      %lt3A_154 = arith.cmpi slt, %add3A_152, %lt3A_153 : i32
      %convert_element_type3A_155 = arith.extui %lt3A_154 : i1 to i32
      %cond3A_156 = arith.constant 0 : i32
      %cond3A_157 = arith.cmpi ne, %convert_element_type3A_155, %cond3A_156 : i32
      scf.if %cond3A_157 {
        %mul3A_203 = arith.constant 40 : i32
        %mul3A_204 = arith.muli %add3A_152, %mul3A_203 : i32
        %dma_wait3A_205 = arith.constant 4 : i32
        %dma_wait3A_206 = arith.constant 0 : i32
        %dma_wait3A_207 = arith.constant 0 : i32
        %dma_wait3A_208 = tpu.memref_slice %arg9[%dma_wait3A_205, %dma_wait3A_206, %dma_wait3A_207] : memref<5x40x128xf32, #tpu.memory_space<vmem>> -> memref<1x40x128xf32, #tpu.memory_space<vmem>>
        %dma_wait3A_209 = tpu.memref_squeeze %dma_wait3A_208 : memref<1x40x128xf32, #tpu.memory_space<vmem>> -> memref<40x128xf32, #tpu.memory_space<vmem>>
        %dma_wait3A_210 = tpu.memref_slice %arg7[%mul3A_204] : memref<10000xi32, #tpu.memory_space<vmem>> -> memref<40xi32, #tpu.memory_space<vmem>>
        %dma_wait3A_211 = arith.constant 0 : i32
        %dma_wait3A_212 = arith.constant 0 : i32
        %dma_wait3A_213 = tpu.memref_slice %arg2[%dma_wait3A_211, %dma_wait3A_212] : memref<10000x128xf32, #tpu.memory_space<hbm>> -> memref<10000x128xf32, #tpu.memory_space<hbm>>
        tpu.wait_indirect_dma semaphore(%arg16 : memref<!tpu.dma_semaphore, #tpu.memory_space<semaphore_mem>>) src(%dma_wait3A_213 : memref<10000x128xf32, #tpu.memory_space<hbm>>) dst(%dma_wait3A_209 : memref<40x128xf32, #tpu.memory_space<vmem>>)
        %mul3A_214 = arith.constant 40 : i32
        %mul3A_215 = arith.muli %add3A_152, %mul3A_214 : i32
        %dma_start3A_216 = arith.constant 4 : i32
        %dma_start3A_217 = arith.constant 0 : i32
        %dma_start3A_218 = arith.constant 0 : i32
        %dma_start3A_219 = tpu.memref_slice %arg9[%dma_start3A_216, %dma_start3A_217, %dma_start3A_218] : memref<5x40x128xf32, #tpu.memory_space<vmem>> -> memref<1x40x128xf32, #tpu.memory_space<vmem>>
        %dma_start3A_220 = tpu.memref_squeeze %dma_start3A_219 : memref<1x40x128xf32, #tpu.memory_space<vmem>> -> memref<40x128xf32, #tpu.memory_space<vmem>>
        %dma_start3A_221 = tpu.memref_slice %arg8[%mul3A_215] : memref<10000xi32, #tpu.memory_space<vmem>> -> memref<40xi32, #tpu.memory_space<vmem>>
        %dma_start3A_222 = arith.constant 0 : i32
        %dma_start3A_223 = arith.constant 0 : i32
        %dma_start3A_224 = tpu.memref_slice %arg11[%dma_start3A_222, %dma_start3A_223] : memref<10000x128xf32, #tpu.memory_space<vmem_shared>> -> memref<10000x128xf32, #tpu.memory_space<vmem_shared>>
        tpu.enqueue_indirect_dma source(%dma_start3A_220 : memref<40x128xf32, #tpu.memory_space<vmem>>) target(%dma_start3A_224 : memref<10000x128xf32, #tpu.memory_space<vmem_shared>>) offsets(%dma_start3A_221 : memref<40xi32, #tpu.memory_space<vmem>>) semaphore(%arg21 : memref<!tpu.dma_semaphore, #tpu.memory_space<semaphore_mem>>) {add = true}
      } else {
      }
      %add3A_158 = arith.constant 5 : i32
      %add3A_159 = arith.addi %add3A_125, %add3A_158 : i32
      %add3A_160 = arith.constant 0 : i32
      %add3A_161 = arith.addi %add3A_159, %add3A_160 : i32
      %lt3A_162 = arith.constant 250 : i32
      %lt3A_163 = arith.cmpi slt, %add3A_161, %lt3A_162 : i32
      %convert_element_type3A_164 = arith.extui %lt3A_163 : i1 to i32
      %cond3A_165 = arith.constant 0 : i32
      %cond3A_166 = arith.cmpi ne, %convert_element_type3A_164, %cond3A_165 : i32
      scf.if %cond3A_166 {
        %dma_wait3A_203 = arith.constant 0 : i32
        %dma_wait3A_204 = arith.constant 0 : i32
        %dma_wait3A_205 = arith.constant 0 : i32
        %dma_wait3A_206 = tpu.memref_slice %arg9[%dma_wait3A_203, %dma_wait3A_204, %dma_wait3A_205] : memref<5x40x128xf32, #tpu.memory_space<vmem>> -> memref<1x40x128xf32, #tpu.memory_space<vmem>>
        %dma_wait3A_207 = tpu.memref_squeeze %dma_wait3A_206 : memref<1x40x128xf32, #tpu.memory_space<vmem>> -> memref<40x128xf32, #tpu.memory_space<vmem>>
        %dma_wait3A_208 = arith.constant 0 : i32
        %dma_wait3A_209 = tpu.memref_slice %arg8[%dma_wait3A_208] : memref<10000xi32, #tpu.memory_space<vmem>> -> memref<40xi32, #tpu.memory_space<vmem>>
        %dma_wait3A_210 = arith.constant 0 : i32
        %dma_wait3A_211 = arith.constant 0 : i32
        %dma_wait3A_212 = tpu.memref_slice %arg11[%dma_wait3A_210, %dma_wait3A_211] : memref<10000x128xf32, #tpu.memory_space<vmem_shared>> -> memref<10000x128xf32, #tpu.memory_space<vmem_shared>>
        tpu.wait_indirect_dma semaphore(%arg17 : memref<!tpu.dma_semaphore, #tpu.memory_space<semaphore_mem>>) src(%dma_wait3A_207 : memref<40x128xf32, #tpu.memory_space<vmem>>) dst(%dma_wait3A_212 : memref<10000x128xf32, #tpu.memory_space<vmem_shared>>)
        %mul3A_213 = arith.constant 40 : i32
        %mul3A_214 = arith.muli %add3A_161, %mul3A_213 : i32
        %dma_start3A_215 = arith.constant 0 : i32
        %dma_start3A_216 = arith.constant 0 : i32
        %dma_start3A_217 = arith.constant 0 : i32
        %dma_start3A_218 = tpu.memref_slice %arg9[%dma_start3A_215, %dma_start3A_216, %dma_start3A_217] : memref<5x40x128xf32, #tpu.memory_space<vmem>> -> memref<1x40x128xf32, #tpu.memory_space<vmem>>
        %dma_start3A_219 = tpu.memref_squeeze %dma_start3A_218 : memref<1x40x128xf32, #tpu.memory_space<vmem>> -> memref<40x128xf32, #tpu.memory_space<vmem>>
        %dma_start3A_220 = tpu.memref_slice %arg7[%mul3A_214] : memref<10000xi32, #tpu.memory_space<vmem>> -> memref<40xi32, #tpu.memory_space<vmem>>
        %dma_start3A_221 = arith.constant 0 : i32
        %dma_start3A_222 = arith.constant 0 : i32
        %dma_start3A_223 = tpu.memref_slice %arg2[%dma_start3A_221, %dma_start3A_222] : memref<10000x128xf32, #tpu.memory_space<hbm>> -> memref<10000x128xf32, #tpu.memory_space<hbm>>
        tpu.enqueue_indirect_dma source(%dma_start3A_223 : memref<10000x128xf32, #tpu.memory_space<hbm>>) target(%dma_start3A_219 : memref<40x128xf32, #tpu.memory_space<vmem>>) offsets(%dma_start3A_220 : memref<40xi32, #tpu.memory_space<vmem>>) semaphore(%arg12 : memref<!tpu.dma_semaphore, #tpu.memory_space<semaphore_mem>>)
      } else {
      }
      %add3A_167 = arith.constant 5 : i32
      %add3A_168 = arith.addi %add3A_125, %add3A_167 : i32
      %add3A_169 = arith.constant 1 : i32
      %add3A_170 = arith.addi %add3A_168, %add3A_169 : i32
      %lt3A_171 = arith.constant 250 : i32
      %lt3A_172 = arith.cmpi slt, %add3A_170, %lt3A_171 : i32
      %convert_element_type3A_173 = arith.extui %lt3A_172 : i1 to i32
      %cond3A_174 = arith.constant 0 : i32
      %cond3A_175 = arith.cmpi ne, %convert_element_type3A_173, %cond3A_174 : i32
      scf.if %cond3A_175 {
        %dma_wait3A_203 = arith.constant 1 : i32
        %dma_wait3A_204 = arith.constant 0 : i32
        %dma_wait3A_205 = arith.constant 0 : i32
        %dma_wait3A_206 = tpu.memref_slice %arg9[%dma_wait3A_203, %dma_wait3A_204, %dma_wait3A_205] : memref<5x40x128xf32, #tpu.memory_space<vmem>> -> memref<1x40x128xf32, #tpu.memory_space<vmem>>
        %dma_wait3A_207 = tpu.memref_squeeze %dma_wait3A_206 : memref<1x40x128xf32, #tpu.memory_space<vmem>> -> memref<40x128xf32, #tpu.memory_space<vmem>>
        %dma_wait3A_208 = arith.constant 0 : i32
        %dma_wait3A_209 = tpu.memref_slice %arg8[%dma_wait3A_208] : memref<10000xi32, #tpu.memory_space<vmem>> -> memref<40xi32, #tpu.memory_space<vmem>>
        %dma_wait3A_210 = arith.constant 0 : i32
        %dma_wait3A_211 = arith.constant 0 : i32
        %dma_wait3A_212 = tpu.memref_slice %arg11[%dma_wait3A_210, %dma_wait3A_211] : memref<10000x128xf32, #tpu.memory_space<vmem_shared>> -> memref<10000x128xf32, #tpu.memory_space<vmem_shared>>
        tpu.wait_indirect_dma semaphore(%arg18 : memref<!tpu.dma_semaphore, #tpu.memory_space<semaphore_mem>>) src(%dma_wait3A_207 : memref<40x128xf32, #tpu.memory_space<vmem>>) dst(%dma_wait3A_212 : memref<10000x128xf32, #tpu.memory_space<vmem_shared>>)
        %mul3A_213 = arith.constant 40 : i32
        %mul3A_214 = arith.muli %add3A_170, %mul3A_213 : i32
        %dma_start3A_215 = arith.constant 1 : i32
        %dma_start3A_216 = arith.constant 0 : i32
        %dma_start3A_217 = arith.constant 0 : i32
        %dma_start3A_218 = tpu.memref_slice %arg9[%dma_start3A_215, %dma_start3A_216, %dma_start3A_217] : memref<5x40x128xf32, #tpu.memory_space<vmem>> -> memref<1x40x128xf32, #tpu.memory_space<vmem>>
        %dma_start3A_219 = tpu.memref_squeeze %dma_start3A_218 : memref<1x40x128xf32, #tpu.memory_space<vmem>> -> memref<40x128xf32, #tpu.memory_space<vmem>>
        %dma_start3A_220 = tpu.memref_slice %arg7[%mul3A_214] : memref<10000xi32, #tpu.memory_space<vmem>> -> memref<40xi32, #tpu.memory_space<vmem>>
        %dma_start3A_221 = arith.constant 0 : i32
        %dma_start3A_222 = arith.constant 0 : i32
        %dma_start3A_223 = tpu.memref_slice %arg2[%dma_start3A_221, %dma_start3A_222] : memref<10000x128xf32, #tpu.memory_space<hbm>> -> memref<10000x128xf32, #tpu.memory_space<hbm>>
        tpu.enqueue_indirect_dma source(%dma_start3A_223 : memref<10000x128xf32, #tpu.memory_space<hbm>>) target(%dma_start3A_219 : memref<40x128xf32, #tpu.memory_space<vmem>>) offsets(%dma_start3A_220 : memref<40xi32, #tpu.memory_space<vmem>>) semaphore(%arg13 : memref<!tpu.dma_semaphore, #tpu.memory_space<semaphore_mem>>)
      } else {
      }
      %add3A_176 = arith.constant 5 : i32
      %add3A_177 = arith.addi %add3A_125, %add3A_176 : i32
      %add3A_178 = arith.constant 2 : i32
      %add3A_179 = arith.addi %add3A_177, %add3A_178 : i32
      %lt3A_180 = arith.constant 250 : i32
      %lt3A_181 = arith.cmpi slt, %add3A_179, %lt3A_180 : i32
      %convert_element_type3A_182 = arith.extui %lt3A_181 : i1 to i32
      %cond3A_183 = arith.constant 0 : i32
      %cond3A_184 = arith.cmpi ne, %convert_element_type3A_182, %cond3A_183 : i32
      scf.if %cond3A_184 {
        %dma_wait3A_203 = arith.constant 2 : i32
        %dma_wait3A_204 = arith.constant 0 : i32
        %dma_wait3A_205 = arith.constant 0 : i32
        %dma_wait3A_206 = tpu.memref_slice %arg9[%dma_wait3A_203, %dma_wait3A_204, %dma_wait3A_205] : memref<5x40x128xf32, #tpu.memory_space<vmem>> -> memref<1x40x128xf32, #tpu.memory_space<vmem>>
        %dma_wait3A_207 = tpu.memref_squeeze %dma_wait3A_206 : memref<1x40x128xf32, #tpu.memory_space<vmem>> -> memref<40x128xf32, #tpu.memory_space<vmem>>
        %dma_wait3A_208 = arith.constant 0 : i32
        %dma_wait3A_209 = tpu.memref_slice %arg8[%dma_wait3A_208] : memref<10000xi32, #tpu.memory_space<vmem>> -> memref<40xi32, #tpu.memory_space<vmem>>
        %dma_wait3A_210 = arith.constant 0 : i32
        %dma_wait3A_211 = arith.constant 0 : i32
        %dma_wait3A_212 = tpu.memref_slice %arg11[%dma_wait3A_210, %dma_wait3A_211] : memref<10000x128xf32, #tpu.memory_space<vmem_shared>> -> memref<10000x128xf32, #tpu.memory_space<vmem_shared>>
        tpu.wait_indirect_dma semaphore(%arg19 : memref<!tpu.dma_semaphore, #tpu.memory_space<semaphore_mem>>) src(%dma_wait3A_207 : memref<40x128xf32, #tpu.memory_space<vmem>>) dst(%dma_wait3A_212 : memref<10000x128xf32, #tpu.memory_space<vmem_shared>>)
        %mul3A_213 = arith.constant 40 : i32
        %mul3A_214 = arith.muli %add3A_179, %mul3A_213 : i32
        %dma_start3A_215 = arith.constant 2 : i32
        %dma_start3A_216 = arith.constant 0 : i32
        %dma_start3A_217 = arith.constant 0 : i32
        %dma_start3A_218 = tpu.memref_slice %arg9[%dma_start3A_215, %dma_start3A_216, %dma_start3A_217] : memref<5x40x128xf32, #tpu.memory_space<vmem>> -> memref<1x40x128xf32, #tpu.memory_space<vmem>>
        %dma_start3A_219 = tpu.memref_squeeze %dma_start3A_218 : memref<1x40x128xf32, #tpu.memory_space<vmem>> -> memref<40x128xf32, #tpu.memory_space<vmem>>
        %dma_start3A_220 = tpu.memref_slice %arg7[%mul3A_214] : memref<10000xi32, #tpu.memory_space<vmem>> -> memref<40xi32, #tpu.memory_space<vmem>>
        %dma_start3A_221 = arith.constant 0 : i32
        %dma_start3A_222 = arith.constant 0 : i32
        %dma_start3A_223 = tpu.memref_slice %arg2[%dma_start3A_221, %dma_start3A_222] : memref<10000x128xf32, #tpu.memory_space<hbm>> -> memref<10000x128xf32, #tpu.memory_space<hbm>>
        tpu.enqueue_indirect_dma source(%dma_start3A_223 : memref<10000x128xf32, #tpu.memory_space<hbm>>) target(%dma_start3A_219 : memref<40x128xf32, #tpu.memory_space<vmem>>) offsets(%dma_start3A_220 : memref<40xi32, #tpu.memory_space<vmem>>) semaphore(%arg14 : memref<!tpu.dma_semaphore, #tpu.memory_space<semaphore_mem>>)
      } else {
      }
      %add3A_185 = arith.constant 5 : i32
      %add3A_186 = arith.addi %add3A_125, %add3A_185 : i32
      %add3A_187 = arith.constant 3 : i32
      %add3A_188 = arith.addi %add3A_186, %add3A_187 : i32
      %lt3A_189 = arith.constant 250 : i32
      %lt3A_190 = arith.cmpi slt, %add3A_188, %lt3A_189 : i32
      %convert_element_type3A_191 = arith.extui %lt3A_190 : i1 to i32
      %cond3A_192 = arith.constant 0 : i32
      %cond3A_193 = arith.cmpi ne, %convert_element_type3A_191, %cond3A_192 : i32
      scf.if %cond3A_193 {
        %dma_wait3A_203 = arith.constant 3 : i32
        %dma_wait3A_204 = arith.constant 0 : i32
        %dma_wait3A_205 = arith.constant 0 : i32
        %dma_wait3A_206 = tpu.memref_slice %arg9[%dma_wait3A_203, %dma_wait3A_204, %dma_wait3A_205] : memref<5x40x128xf32, #tpu.memory_space<vmem>> -> memref<1x40x128xf32, #tpu.memory_space<vmem>>
        %dma_wait3A_207 = tpu.memref_squeeze %dma_wait3A_206 : memref<1x40x128xf32, #tpu.memory_space<vmem>> -> memref<40x128xf32, #tpu.memory_space<vmem>>
        %dma_wait3A_208 = arith.constant 0 : i32
        %dma_wait3A_209 = tpu.memref_slice %arg8[%dma_wait3A_208] : memref<10000xi32, #tpu.memory_space<vmem>> -> memref<40xi32, #tpu.memory_space<vmem>>
        %dma_wait3A_210 = arith.constant 0 : i32
        %dma_wait3A_211 = arith.constant 0 : i32
        %dma_wait3A_212 = tpu.memref_slice %arg11[%dma_wait3A_210, %dma_wait3A_211] : memref<10000x128xf32, #tpu.memory_space<vmem_shared>> -> memref<10000x128xf32, #tpu.memory_space<vmem_shared>>
        tpu.wait_indirect_dma semaphore(%arg20 : memref<!tpu.dma_semaphore, #tpu.memory_space<semaphore_mem>>) src(%dma_wait3A_207 : memref<40x128xf32, #tpu.memory_space<vmem>>) dst(%dma_wait3A_212 : memref<10000x128xf32, #tpu.memory_space<vmem_shared>>)
        %mul3A_213 = arith.constant 40 : i32
        %mul3A_214 = arith.muli %add3A_188, %mul3A_213 : i32
        %dma_start3A_215 = arith.constant 3 : i32
        %dma_start3A_216 = arith.constant 0 : i32
        %dma_start3A_217 = arith.constant 0 : i32
        %dma_start3A_218 = tpu.memref_slice %arg9[%dma_start3A_215, %dma_start3A_216, %dma_start3A_217] : memref<5x40x128xf32, #tpu.memory_space<vmem>> -> memref<1x40x128xf32, #tpu.memory_space<vmem>>
        %dma_start3A_219 = tpu.memref_squeeze %dma_start3A_218 : memref<1x40x128xf32, #tpu.memory_space<vmem>> -> memref<40x128xf32, #tpu.memory_space<vmem>>
        %dma_start3A_220 = tpu.memref_slice %arg7[%mul3A_214] : memref<10000xi32, #tpu.memory_space<vmem>> -> memref<40xi32, #tpu.memory_space<vmem>>
        %dma_start3A_221 = arith.constant 0 : i32
        %dma_start3A_222 = arith.constant 0 : i32
        %dma_start3A_223 = tpu.memref_slice %arg2[%dma_start3A_221, %dma_start3A_222] : memref<10000x128xf32, #tpu.memory_space<hbm>> -> memref<10000x128xf32, #tpu.memory_space<hbm>>
        tpu.enqueue_indirect_dma source(%dma_start3A_223 : memref<10000x128xf32, #tpu.memory_space<hbm>>) target(%dma_start3A_219 : memref<40x128xf32, #tpu.memory_space<vmem>>) offsets(%dma_start3A_220 : memref<40xi32, #tpu.memory_space<vmem>>) semaphore(%arg15 : memref<!tpu.dma_semaphore, #tpu.memory_space<semaphore_mem>>)
      } else {
      }
      %add3A_194 = arith.constant 5 : i32
      %add3A_195 = arith.addi %add3A_125, %add3A_194 : i32
      %add3A_196 = arith.constant 4 : i32
      %add3A_197 = arith.addi %add3A_195, %add3A_196 : i32
      %lt3A_198 = arith.constant 250 : i32
      %lt3A_199 = arith.cmpi slt, %add3A_197, %lt3A_198 : i32
      %convert_element_type3A_200 = arith.extui %lt3A_199 : i1 to i32
      %cond3A_201 = arith.constant 0 : i32
      %cond3A_202 = arith.cmpi ne, %convert_element_type3A_200, %cond3A_201 : i32
      scf.if %cond3A_202 {
        %dma_wait3A_203 = arith.constant 4 : i32
        %dma_wait3A_204 = arith.constant 0 : i32
        %dma_wait3A_205 = arith.constant 0 : i32
        %dma_wait3A_206 = tpu.memref_slice %arg9[%dma_wait3A_203, %dma_wait3A_204, %dma_wait3A_205] : memref<5x40x128xf32, #tpu.memory_space<vmem>> -> memref<1x40x128xf32, #tpu.memory_space<vmem>>
        %dma_wait3A_207 = tpu.memref_squeeze %dma_wait3A_206 : memref<1x40x128xf32, #tpu.memory_space<vmem>> -> memref<40x128xf32, #tpu.memory_space<vmem>>
        %dma_wait3A_208 = arith.constant 0 : i32
        %dma_wait3A_209 = tpu.memref_slice %arg8[%dma_wait3A_208] : memref<10000xi32, #tpu.memory_space<vmem>> -> memref<40xi32, #tpu.memory_space<vmem>>
        %dma_wait3A_210 = arith.constant 0 : i32
        %dma_wait3A_211 = arith.constant 0 : i32
        %dma_wait3A_212 = tpu.memref_slice %arg11[%dma_wait3A_210, %dma_wait3A_211] : memref<10000x128xf32, #tpu.memory_space<vmem_shared>> -> memref<10000x128xf32, #tpu.memory_space<vmem_shared>>
        tpu.wait_indirect_dma semaphore(%arg21 : memref<!tpu.dma_semaphore, #tpu.memory_space<semaphore_mem>>) src(%dma_wait3A_207 : memref<40x128xf32, #tpu.memory_space<vmem>>) dst(%dma_wait3A_212 : memref<10000x128xf32, #tpu.memory_space<vmem_shared>>)
        %mul3A_213 = arith.constant 40 : i32
        %mul3A_214 = arith.muli %add3A_197, %mul3A_213 : i32
        %dma_start3A_215 = arith.constant 4 : i32
        %dma_start3A_216 = arith.constant 0 : i32
        %dma_start3A_217 = arith.constant 0 : i32
        %dma_start3A_218 = tpu.memref_slice %arg9[%dma_start3A_215, %dma_start3A_216, %dma_start3A_217] : memref<5x40x128xf32, #tpu.memory_space<vmem>> -> memref<1x40x128xf32, #tpu.memory_space<vmem>>
        %dma_start3A_219 = tpu.memref_squeeze %dma_start3A_218 : memref<1x40x128xf32, #tpu.memory_space<vmem>> -> memref<40x128xf32, #tpu.memory_space<vmem>>
        %dma_start3A_220 = tpu.memref_slice %arg7[%mul3A_214] : memref<10000xi32, #tpu.memory_space<vmem>> -> memref<40xi32, #tpu.memory_space<vmem>>
        %dma_start3A_221 = arith.constant 0 : i32
        %dma_start3A_222 = arith.constant 0 : i32
        %dma_start3A_223 = tpu.memref_slice %arg2[%dma_start3A_221, %dma_start3A_222] : memref<10000x128xf32, #tpu.memory_space<hbm>> -> memref<10000x128xf32, #tpu.memory_space<hbm>>
        tpu.enqueue_indirect_dma source(%dma_start3A_223 : memref<10000x128xf32, #tpu.memory_space<hbm>>) target(%dma_start3A_219 : memref<40x128xf32, #tpu.memory_space<vmem>>) offsets(%dma_start3A_220 : memref<40xi32, #tpu.memory_space<vmem>>) semaphore(%arg16 : memref<!tpu.dma_semaphore, #tpu.memory_space<semaphore_mem>>)
      } else {
      }
    }
    %scan3A_70 = arith.constant 50 : i32
    %dma_wait3A = arith.constant 0 : i32
    %dma_wait3A_71 = arith.constant 0 : i32
    %dma_wait3A_72 = arith.constant 0 : i32
    %dma_wait3A_73 = tpu.memref_slice %arg9[%dma_wait3A, %dma_wait3A_71, %dma_wait3A_72] : memref<5x40x128xf32, #tpu.memory_space<vmem>> -> memref<1x40x128xf32, #tpu.memory_space<vmem>>
    %dma_wait3A_74 = tpu.memref_squeeze %dma_wait3A_73 : memref<1x40x128xf32, #tpu.memory_space<vmem>> -> memref<40x128xf32, #tpu.memory_space<vmem>>
    %dma_wait3A_75 = arith.constant 0 : i32
    %dma_wait3A_76 = tpu.memref_slice %arg8[%dma_wait3A_75] : memref<10000xi32, #tpu.memory_space<vmem>> -> memref<40xi32, #tpu.memory_space<vmem>>
    %dma_wait3A_77 = arith.constant 0 : i32
    %dma_wait3A_78 = arith.constant 0 : i32
    %dma_wait3A_79 = tpu.memref_slice %arg11[%dma_wait3A_77, %dma_wait3A_78] : memref<10000x128xf32, #tpu.memory_space<vmem_shared>> -> memref<10000x128xf32, #tpu.memory_space<vmem_shared>>
    tpu.wait_indirect_dma semaphore(%arg17 : memref<!tpu.dma_semaphore, #tpu.memory_space<semaphore_mem>>) src(%dma_wait3A_74 : memref<40x128xf32, #tpu.memory_space<vmem>>) dst(%dma_wait3A_79 : memref<10000x128xf32, #tpu.memory_space<vmem_shared>>)
    %dma_wait3A_80 = arith.constant 1 : i32
    %dma_wait3A_81 = arith.constant 0 : i32
    %dma_wait3A_82 = arith.constant 0 : i32
    %dma_wait3A_83 = tpu.memref_slice %arg9[%dma_wait3A_80, %dma_wait3A_81, %dma_wait3A_82] : memref<5x40x128xf32, #tpu.memory_space<vmem>> -> memref<1x40x128xf32, #tpu.memory_space<vmem>>
    %dma_wait3A_84 = tpu.memref_squeeze %dma_wait3A_83 : memref<1x40x128xf32, #tpu.memory_space<vmem>> -> memref<40x128xf32, #tpu.memory_space<vmem>>
    %dma_wait3A_85 = arith.constant 0 : i32
    %dma_wait3A_86 = tpu.memref_slice %arg8[%dma_wait3A_85] : memref<10000xi32, #tpu.memory_space<vmem>> -> memref<40xi32, #tpu.memory_space<vmem>>
    %dma_wait3A_87 = arith.constant 0 : i32
    %dma_wait3A_88 = arith.constant 0 : i32
    %dma_wait3A_89 = tpu.memref_slice %arg11[%dma_wait3A_87, %dma_wait3A_88] : memref<10000x128xf32, #tpu.memory_space<vmem_shared>> -> memref<10000x128xf32, #tpu.memory_space<vmem_shared>>
    tpu.wait_indirect_dma semaphore(%arg18 : memref<!tpu.dma_semaphore, #tpu.memory_space<semaphore_mem>>) src(%dma_wait3A_84 : memref<40x128xf32, #tpu.memory_space<vmem>>) dst(%dma_wait3A_89 : memref<10000x128xf32, #tpu.memory_space<vmem_shared>>)
    %dma_wait3A_90 = arith.constant 2 : i32
    %dma_wait3A_91 = arith.constant 0 : i32
    %dma_wait3A_92 = arith.constant 0 : i32
    %dma_wait3A_93 = tpu.memref_slice %arg9[%dma_wait3A_90, %dma_wait3A_91, %dma_wait3A_92] : memref<5x40x128xf32, #tpu.memory_space<vmem>> -> memref<1x40x128xf32, #tpu.memory_space<vmem>>
    %dma_wait3A_94 = tpu.memref_squeeze %dma_wait3A_93 : memref<1x40x128xf32, #tpu.memory_space<vmem>> -> memref<40x128xf32, #tpu.memory_space<vmem>>
    %dma_wait3A_95 = arith.constant 0 : i32
    %dma_wait3A_96 = tpu.memref_slice %arg8[%dma_wait3A_95] : memref<10000xi32, #tpu.memory_space<vmem>> -> memref<40xi32, #tpu.memory_space<vmem>>
    %dma_wait3A_97 = arith.constant 0 : i32
    %dma_wait3A_98 = arith.constant 0 : i32
    %dma_wait3A_99 = tpu.memref_slice %arg11[%dma_wait3A_97, %dma_wait3A_98] : memref<10000x128xf32, #tpu.memory_space<vmem_shared>> -> memref<10000x128xf32, #tpu.memory_space<vmem_shared>>
    tpu.wait_indirect_dma semaphore(%arg19 : memref<!tpu.dma_semaphore, #tpu.memory_space<semaphore_mem>>) src(%dma_wait3A_94 : memref<40x128xf32, #tpu.memory_space<vmem>>) dst(%dma_wait3A_99 : memref<10000x128xf32, #tpu.memory_space<vmem_shared>>)
    %dma_wait3A_100 = arith.constant 3 : i32
    %dma_wait3A_101 = arith.constant 0 : i32
    %dma_wait3A_102 = arith.constant 0 : i32
    %dma_wait3A_103 = tpu.memref_slice %arg9[%dma_wait3A_100, %dma_wait3A_101, %dma_wait3A_102] : memref<5x40x128xf32, #tpu.memory_space<vmem>> -> memref<1x40x128xf32, #tpu.memory_space<vmem>>
    %dma_wait3A_104 = tpu.memref_squeeze %dma_wait3A_103 : memref<1x40x128xf32, #tpu.memory_space<vmem>> -> memref<40x128xf32, #tpu.memory_space<vmem>>
    %dma_wait3A_105 = arith.constant 0 : i32
    %dma_wait3A_106 = tpu.memref_slice %arg8[%dma_wait3A_105] : memref<10000xi32, #tpu.memory_space<vmem>> -> memref<40xi32, #tpu.memory_space<vmem>>
    %dma_wait3A_107 = arith.constant 0 : i32
    %dma_wait3A_108 = arith.constant 0 : i32
    %dma_wait3A_109 = tpu.memref_slice %arg11[%dma_wait3A_107, %dma_wait3A_108] : memref<10000x128xf32, #tpu.memory_space<vmem_shared>> -> memref<10000x128xf32, #tpu.memory_space<vmem_shared>>
    tpu.wait_indirect_dma semaphore(%arg20 : memref<!tpu.dma_semaphore, #tpu.memory_space<semaphore_mem>>) src(%dma_wait3A_104 : memref<40x128xf32, #tpu.memory_space<vmem>>) dst(%dma_wait3A_109 : memref<10000x128xf32, #tpu.memory_space<vmem_shared>>)
    %dma_wait3A_110 = arith.constant 4 : i32
    %dma_wait3A_111 = arith.constant 0 : i32
    %dma_wait3A_112 = arith.constant 0 : i32
    %dma_wait3A_113 = tpu.memref_slice %arg9[%dma_wait3A_110, %dma_wait3A_111, %dma_wait3A_112] : memref<5x40x128xf32, #tpu.memory_space<vmem>> -> memref<1x40x128xf32, #tpu.memory_space<vmem>>
    %dma_wait3A_114 = tpu.memref_squeeze %dma_wait3A_113 : memref<1x40x128xf32, #tpu.memory_space<vmem>> -> memref<40x128xf32, #tpu.memory_space<vmem>>
    %dma_wait3A_115 = arith.constant 0 : i32
    %dma_wait3A_116 = tpu.memref_slice %arg8[%dma_wait3A_115] : memref<10000xi32, #tpu.memory_space<vmem>> -> memref<40xi32, #tpu.memory_space<vmem>>
    %dma_wait3A_117 = arith.constant 0 : i32
    %dma_wait3A_118 = arith.constant 0 : i32
    %dma_wait3A_119 = tpu.memref_slice %arg11[%dma_wait3A_117, %dma_wait3A_118] : memref<10000x128xf32, #tpu.memory_space<vmem_shared>> -> memref<10000x128xf32, #tpu.memory_space<vmem_shared>>
    tpu.wait_indirect_dma semaphore(%arg21 : memref<!tpu.dma_semaphore, #tpu.memory_space<semaphore_mem>>) src(%dma_wait3A_114 : memref<40x128xf32, #tpu.memory_space<vmem>>) dst(%dma_wait3A_119 : memref<10000x128xf32, #tpu.memory_space<vmem_shared>>)
    %barrier3A_120 = arith.constant 0 : index
    tpu.barrier barrier_id(%barrier3A_120)
    "tpu.region"() ({
      %run_scoped3A = tpu.sem_alloc : memref<!tpu.dma_semaphore, #tpu.memory_space<semaphore_mem>>
      %dma_start3A_121 = arith.constant 0 : i32
      %dma_start3A_122 = tpu.memref_slice %arg6[%arg0, %min3A_3, %dma_start3A_121] : memref<2x10000x128xf32, #tpu.memory_space<hbm>> -> memref<1x640x128xf32, #tpu.memory_space<hbm>>
      %dma_start3A_123 = tpu.memref_squeeze %dma_start3A_122 : memref<1x640x128xf32, #tpu.memory_space<hbm>> -> memref<640x128xf32, #tpu.memory_space<hbm>>
      %dma_start3A_124 = arith.constant 0 : i32
      %dma_start3A_125 = tpu.memref_slice %arg11[%min3A_3, %dma_start3A_124] : memref<10000x128xf32, #tpu.memory_space<vmem_shared>> -> memref<640x128xf32, #tpu.memory_space<vmem_shared>>
      tpu.enqueue_dma source(%dma_start3A_125 : memref<640x128xf32, #tpu.memory_space<vmem_shared>>) target(%dma_start3A_123 : memref<640x128xf32, #tpu.memory_space<hbm>>) target_semaphore(%run_scoped3A : memref<!tpu.dma_semaphore, #tpu.memory_space<semaphore_mem>>)
      %dma_wait3A_126 = arith.constant 0 : i32
      %dma_wait3A_127 = tpu.memref_slice %arg6[%arg0, %min3A_3, %dma_wait3A_126] : memref<2x10000x128xf32, #tpu.memory_space<hbm>> -> memref<1x640x128xf32, #tpu.memory_space<hbm>>
      %dma_wait3A_128 = tpu.memref_squeeze %dma_wait3A_127 : memref<1x640x128xf32, #tpu.memory_space<hbm>> -> memref<640x128xf32, #tpu.memory_space<hbm>>
      %dma_wait3A_129 = arith.constant 0 : i32
      %dma_wait3A_130 = tpu.memref_slice %arg11[%min3A_3, %dma_wait3A_129] : memref<10000x128xf32, #tpu.memory_space<vmem_shared>> -> memref<640x128xf32, #tpu.memory_space<vmem_shared>>
      tpu.wait_dma2 semaphore(%run_scoped3A : memref<!tpu.dma_semaphore, #tpu.memory_space<semaphore_mem>>) src(%dma_wait3A_130 : memref<640x128xf32, #tpu.memory_space<vmem_shared>>) dst(%dma_wait3A_128 : memref<640x128xf32, #tpu.memory_space<hbm>>)
      tpu.yield
    }) : () -> ()
    return
  }
}

module attributes {stable_mosaic.version = 14 : i64} {
  func.func @body(%arg0: i32, %arg1: memref<2000x8xf32, #tpu.memory_space<vmem>>, %arg2: memref<8x128xf32, #tpu.memory_space<vmem>>, %arg3: memref<8x128xf32, #tpu.memory_space<vmem>>, %arg4: memref<1x128xf32, #tpu.memory_space<vmem>>, %arg5: memref<2000x128xf32, #tpu.memory_space<vmem>>, %arg6: memref<2000x128xf32, #tpu.memory_space<vmem>>) attributes {dimension_semantics = [#tpu.dimension_semantics<arbitrary>], iteration_bounds = array<i64: 5>, scalar_prefetch = 0 : i64, scratch_operands = 0 : i64, tpu.core_type = #tpu.core_type<tc>, window_params = [{transform_indices = @transform_0, window_bounds = array<i64: 2000, 8>}, {pipeline_mode = #tpu.pipeline_mode<synchronous>, transform_indices = @transform_1, window_bounds = array<i64: 8, 128>}, {pipeline_mode = #tpu.pipeline_mode<synchronous>, transform_indices = @transform_2, window_bounds = array<i64: 8, 128>}, {pipeline_mode = #tpu.pipeline_mode<synchronous>, transform_indices = @transform_3, window_bounds = array<i64: 1, 128>}, {transform_indices = @transform_4, window_bounds = array<i64: 2000, 128>}, {transform_indices = @transform_5, window_bounds = array<i64: 2000, 128>}]} {
    %get3A = arith.constant 0 : index
    %get3A_0 = arith.constant 0 : index
    %get3A_1 = vector.load %arg1[%get3A, %get3A_0] : memref<2000x8xf32, #tpu.memory_space<vmem>>, vector<2000x8xf32>
    %get3A_2 = arith.constant 0 : index
    %get3A_3 = arith.constant 0 : index
    %get3A_4 = vector.load %arg2[%get3A_2, %get3A_3] : memref<8x128xf32, #tpu.memory_space<vmem>>, vector<8x128xf32>
    %dot_general3A = arith.constant dense<0.000000e+00> : vector<2000x128xf32>
    %dot_general3A_5 = tpu.matmul %get3A_1, %get3A_4, %dot_general3A {dimension_numbers = #tpu.dot_dimension_numbers<[1], [0], [0], [1], [0, 0, 1, 1], [], []>, transpose_lhs_hint = false} : vector<2000x8xf32>, vector<8x128xf32>, vector<2000x128xf32> -> vector<2000x128xf32>
    %swap3A = arith.constant 0 : index
    %swap3A_6 = arith.constant 0 : index
    %swap3A_7 = vector.load %arg5[%swap3A, %swap3A_6] : memref<2000x128xf32, #tpu.memory_space<vmem>>, vector<2000x128xf32>
    tpu.vector_store %arg5[%swap3A, %swap3A_6], %dot_general3A_5 {strides = array<i32>} : memref<2000x128xf32, #tpu.memory_space<vmem>>, vector<2000x128xf32>,
    %get3A_8 = arith.constant 0 : index
    %get3A_9 = arith.constant 0 : index
    %get3A_10 = vector.load %arg3[%get3A_8, %get3A_9] : memref<8x128xf32, #tpu.memory_space<vmem>>, vector<8x128xf32>
    %dot_general3A_11 = arith.constant dense<0.000000e+00> : vector<2000x128xf32>
    %dot_general3A_12 = tpu.matmul %get3A_1, %get3A_10, %dot_general3A_11 {dimension_numbers = #tpu.dot_dimension_numbers<[1], [0], [0], [1], [0, 0, 1, 1], [], []>, transpose_lhs_hint = false} : vector<2000x8xf32>, vector<8x128xf32>, vector<2000x128xf32> -> vector<2000x128xf32>
    %get3A_13 = arith.constant 0 : index
    %get3A_14 = arith.constant 0 : index
    %get3A_15 = vector.load %arg4[%get3A_13, %get3A_14] : memref<1x128xf32, #tpu.memory_space<vmem>>, vector<1x128xf32>
    %add3A = vector.broadcast %get3A_15 : vector<1x128xf32> to vector<2000x128xf32>
    %add3A_16 = arith.addf %dot_general3A_12, %add3A : vector<2000x128xf32>
    %swap3A_17 = arith.constant 0 : index
    %swap3A_18 = arith.constant 0 : index
    %swap3A_19 = vector.load %arg6[%swap3A_17, %swap3A_18] : memref<2000x128xf32, #tpu.memory_space<vmem>>, vector<2000x128xf32>
    tpu.vector_store %arg6[%swap3A_17, %swap3A_18], %add3A_16 {strides = array<i32>} : memref<2000x128xf32, #tpu.memory_space<vmem>>, vector<2000x128xf32>,
    return
  }
  func.func @transform_0(%arg0: i32) -> (i32, i32) {
    %c0_i32 = arith.constant 0 : i32
    %c0_i32_0 = arith.constant 0 : i32
    return %arg0, %c0_i32 : i32, i32
  }
  func.func @transform_1(%arg0: i32) -> (i32, i32) {
    %c0_i32 = arith.constant 0 : i32
    %c0_i32_0 = arith.constant 0 : i32
    %c0_i32_1 = arith.constant 0 : i32
    return %c0_i32, %c0_i32_0 : i32, i32
  }
  func.func @transform_2(%arg0: i32) -> (i32, i32) {
    %c0_i32 = arith.constant 0 : i32
    %c0_i32_0 = arith.constant 0 : i32
    %c0_i32_1 = arith.constant 0 : i32
    return %c0_i32, %c0_i32_0 : i32, i32
  }
  func.func @transform_3(%arg0: i32) -> (i32, i32) {
    %c0_i32 = arith.constant 0 : i32
    %c0_i32_0 = arith.constant 0 : i32
    %c0_i32_1 = arith.constant 0 : i32
    return %c0_i32, %c0_i32_0 : i32, i32
  }
  func.func @transform_4(%arg0: i32) -> (i32, i32) {
    %c0_i32 = arith.constant 0 : i32
    %c0_i32_0 = arith.constant 0 : i32
    return %arg0, %c0_i32 : i32, i32
  }
  func.func @transform_5(%arg0: i32) -> (i32, i32) {
    %c0_i32 = arith.constant 0 : i32
    %c0_i32_0 = arith.constant 0 : i32
    return %arg0, %c0_i32 : i32, i32
  }
}

module attributes {stable_mosaic.version = 14 : i64} {
  func.func @body(%arg0: i32, %arg1: memref<2x2000x128xf32, #tpu.memory_space<vmem>>, %arg2: memref<2000x128xf32, #tpu.memory_space<vmem>>, %arg3: memref<128x128xf32, #tpu.memory_space<vmem>>, %arg4: memref<128x128xf32, #tpu.memory_space<vmem>>, %arg5: memref<1x128xf32, #tpu.memory_space<vmem>>, %arg6: memref<2000x128xf32, #tpu.memory_space<vmem>>, %arg7: memref<2000x128xf32, #tpu.memory_space<vmem>>) attributes {dimension_semantics = [#tpu.dimension_semantics<arbitrary>], iteration_bounds = array<i64: 5>, scalar_prefetch = 0 : i64, scratch_operands = 0 : i64, tpu.core_type = #tpu.core_type<tc>, window_params = [{transform_indices = @transform_0, window_bounds = array<i64: 2, 2000, 128>}, {transform_indices = @transform_1, window_bounds = array<i64: 2000, 128>}, {pipeline_mode = #tpu.pipeline_mode<synchronous>, transform_indices = @transform_2, window_bounds = array<i64: 128, 128>}, {pipeline_mode = #tpu.pipeline_mode<synchronous>, transform_indices = @transform_3, window_bounds = array<i64: 128, 128>}, {pipeline_mode = #tpu.pipeline_mode<synchronous>, transform_indices = @transform_4, window_bounds = array<i64: 1, 128>}, {transform_indices = @transform_5, window_bounds = array<i64: 2000, 128>}, {transform_indices = @transform_6, window_bounds = array<i64: 2000, 128>}]} {
    %get3A = arith.constant 0 : index
    %get3A_0 = arith.constant 0 : index
    %get3A_1 = arith.constant 0 : index
    %get3A_2 = vector.load %arg1[%get3A, %get3A_0, %get3A_1] : memref<2x2000x128xf32, #tpu.memory_space<vmem>>, vector<1x2000x128xf32>
    %get3A_3 = vector.shape_cast %get3A_2 : vector<1x2000x128xf32> to vector<2000x128xf32>
    %get3A_4 = arith.constant 1 : index
    %get3A_5 = arith.constant 0 : index
    %get3A_6 = arith.constant 0 : index
    %get3A_7 = vector.load %arg1[%get3A_4, %get3A_5, %get3A_6] : memref<2x2000x128xf32, #tpu.memory_space<vmem>>, vector<1x2000x128xf32>
    %get3A_8 = vector.shape_cast %get3A_7 : vector<1x2000x128xf32> to vector<2000x128xf32>
    %add3A = arith.addf %get3A_3, %get3A_8 : vector<2000x128xf32>
    %get3A_9 = arith.constant 0 : index
    %get3A_10 = arith.constant 0 : index
    %get3A_11 = vector.load %arg2[%get3A_9, %get3A_10] : memref<2000x128xf32, #tpu.memory_space<vmem>>, vector<2000x128xf32>
    %add3A_12 = arith.addf %add3A, %get3A_11 : vector<2000x128xf32>
    %max3A = arith.constant 0.000000e+00 : f32
    %max3A_13 = vector.broadcast %max3A : f32 to vector<2000x128xf32>
    %max3A_14 = arith.maximumf %add3A_12, %max3A_13 : vector<2000x128xf32>
    %get3A_15 = arith.constant 0 : index
    %get3A_16 = arith.constant 0 : index
    %get3A_17 = vector.load %arg3[%get3A_15, %get3A_16] : memref<128x128xf32, #tpu.memory_space<vmem>>, vector<128x128xf32>
    %dot_general3A = arith.constant dense<0.000000e+00> : vector<2000x128xf32>
    %dot_general3A_18 = tpu.matmul %max3A_14, %get3A_17, %dot_general3A {dimension_numbers = #tpu.dot_dimension_numbers<[1], [0], [0], [1], [0, 0, 1, 1], [], []>, transpose_lhs_hint = false} : vector<2000x128xf32>, vector<128x128xf32>, vector<2000x128xf32> -> vector<2000x128xf32>
    %swap3A = arith.constant 0 : index
    %swap3A_19 = arith.constant 0 : index
    %swap3A_20 = vector.load %arg6[%swap3A, %swap3A_19] : memref<2000x128xf32, #tpu.memory_space<vmem>>, vector<2000x128xf32>
    tpu.vector_store %arg6[%swap3A, %swap3A_19], %dot_general3A_18 {strides = array<i32>} : memref<2000x128xf32, #tpu.memory_space<vmem>>, vector<2000x128xf32>,
    %get3A_21 = arith.constant 0 : index
    %get3A_22 = arith.constant 0 : index
    %get3A_23 = vector.load %arg4[%get3A_21, %get3A_22] : memref<128x128xf32, #tpu.memory_space<vmem>>, vector<128x128xf32>
    %dot_general3A_24 = arith.constant dense<0.000000e+00> : vector<2000x128xf32>
    %dot_general3A_25 = tpu.matmul %max3A_14, %get3A_23, %dot_general3A_24 {dimension_numbers = #tpu.dot_dimension_numbers<[1], [0], [0], [1], [0, 0, 1, 1], [], []>, transpose_lhs_hint = false} : vector<2000x128xf32>, vector<128x128xf32>, vector<2000x128xf32> -> vector<2000x128xf32>
    %get3A_26 = arith.constant 0 : index
    %get3A_27 = arith.constant 0 : index
    %get3A_28 = vector.load %arg5[%get3A_26, %get3A_27] : memref<1x128xf32, #tpu.memory_space<vmem>>, vector<1x128xf32>
    %add3A_29 = vector.broadcast %get3A_28 : vector<1x128xf32> to vector<2000x128xf32>
    %add3A_30 = arith.addf %dot_general3A_25, %add3A_29 : vector<2000x128xf32>
    %swap3A_31 = arith.constant 0 : index
    %swap3A_32 = arith.constant 0 : index
    %swap3A_33 = vector.load %arg7[%swap3A_31, %swap3A_32] : memref<2000x128xf32, #tpu.memory_space<vmem>>, vector<2000x128xf32>
    tpu.vector_store %arg7[%swap3A_31, %swap3A_32], %add3A_30 {strides = array<i32>} : memref<2000x128xf32, #tpu.memory_space<vmem>>, vector<2000x128xf32>,
    return
  }
  func.func @transform_0(%arg0: i32) -> (i32, i32, i32) {
    %c0_i32 = arith.constant 0 : i32
    %c0_i32_0 = arith.constant 0 : i32
    %c0_i32_1 = arith.constant 0 : i32
    return %c0_i32, %arg0, %c0_i32_0 : i32, i32, i32
  }
  func.func @transform_1(%arg0: i32) -> (i32, i32) {
    %c0_i32 = arith.constant 0 : i32
    %c0_i32_0 = arith.constant 0 : i32
    return %arg0, %c0_i32 : i32, i32
  }
  func.func @transform_2(%arg0: i32) -> (i32, i32) {
    %c0_i32 = arith.constant 0 : i32
    %c0_i32_0 = arith.constant 0 : i32
    %c0_i32_1 = arith.constant 0 : i32
    return %c0_i32, %c0_i32_0 : i32, i32
  }
  func.func @transform_3(%arg0: i32) -> (i32, i32) {
    %c0_i32 = arith.constant 0 : i32
    %c0_i32_0 = arith.constant 0 : i32
    %c0_i32_1 = arith.constant 0 : i32
    return %c0_i32, %c0_i32_0 : i32, i32
  }
  func.func @transform_4(%arg0: i32) -> (i32, i32) {
    %c0_i32 = arith.constant 0 : i32
    %c0_i32_0 = arith.constant 0 : i32
    %c0_i32_1 = arith.constant 0 : i32
    return %c0_i32, %c0_i32_0 : i32, i32
  }
  func.func @transform_5(%arg0: i32) -> (i32, i32) {
    %c0_i32 = arith.constant 0 : i32
    %c0_i32_0 = arith.constant 0 : i32
    return %arg0, %c0_i32 : i32, i32
  }
  func.func @transform_6(%arg0: i32) -> (i32, i32) {
    %c0_i32 = arith.constant 0 : i32
    %c0_i32_0 = arith.constant 0 : i32
    return %arg0, %c0_i32 : i32, i32
  }
}

module attributes {stable_mosaic.version = 14 : i64} {
  func.func @body(%arg0: i32, %arg1: memref<2x2000x128xf32, #tpu.memory_space<vmem>>, %arg2: memref<2000x128xf32, #tpu.memory_space<vmem>>, %arg3: memref<1x1x2000xi32, #tpu.memory_space<vmem>>, %arg4: memref<128x3xf32, #tpu.memory_space<vmem>>, %arg5: memref<1x3xf32, #tpu.memory_space<vmem>>, %arg6: memref<128x3xf32, #tpu.memory_space<vmem>>, %arg7: memref<3x3xf32, #tpu.memory_space<vmem>>, %arg8: memref<1x3xf32, #tpu.memory_space<vmem>>, %arg9: memref<64x3xf32, #tpu.memory_space<vmem>>, %arg10: memref<64x3xf32, #tpu.memory_space<vmem>>, %arg11: memref<64x128xf32, #tpu.memory_space<vmem>>, %arg12: memref<64x1xf32, #tpu.memory_space<vmem>>) attributes {dimension_semantics = [#tpu.dimension_semantics<arbitrary>], iteration_bounds = array<i64: 5>, scalar_prefetch = 0 : i64, scratch_operands = 2 : i64, tpu.core_type = #tpu.core_type<tc>, window_params = [{transform_indices = @transform_0, window_bounds = array<i64: 2, 2000, 128>}, {transform_indices = @transform_1, window_bounds = array<i64: 2000, 128>}, {transform_indices = @transform_2, window_bounds = array<i64: 1, 1, 2000>}, {pipeline_mode = #tpu.pipeline_mode<synchronous>, transform_indices = @transform_3, window_bounds = array<i64: 128, 3>}, {pipeline_mode = #tpu.pipeline_mode<synchronous>, transform_indices = @transform_4, window_bounds = array<i64: 1, 3>}, {pipeline_mode = #tpu.pipeline_mode<synchronous>, transform_indices = @transform_5, window_bounds = array<i64: 128, 3>}, {pipeline_mode = #tpu.pipeline_mode<synchronous>, transform_indices = @transform_6, window_bounds = array<i64: 3, 3>}, {pipeline_mode = #tpu.pipeline_mode<synchronous>, transform_indices = @transform_7, window_bounds = array<i64: 1, 3>}, {pipeline_mode = #tpu.pipeline_mode<synchronous>, transform_indices = @transform_8, window_bounds = array<i64: 64, 3>}, {pipeline_mode = #tpu.pipeline_mode<synchronous>, transform_indices = @transform_9, window_bounds = array<i64: 64, 3>}]} {
    %eq3A = arith.constant 0 : i32
    %eq3A_0 = arith.cmpi eq, %arg0, %eq3A : i32
    %convert_element_type3A = arith.extui %eq3A_0 : i1 to i32
    %cond3A = arith.constant 0 : i32
    %cond3A_1 = arith.cmpi ne, %convert_element_type3A, %cond3A : i32
    scf.if %cond3A_1 {
      %broadcast_in_dim3A_44 = arith.constant 0.000000e+00 : f32
      %broadcast_in_dim3A_45 = vector.broadcast %broadcast_in_dim3A_44 : f32 to vector<64x128xf32>
      %swap3A_46 = arith.constant 0 : index
      %swap3A_47 = arith.constant 0 : index
      %swap3A_48 = vector.load %arg11[%swap3A_46, %swap3A_47] : memref<64x128xf32, #tpu.memory_space<vmem>>, vector<64x128xf32>
      tpu.vector_store %arg11[%swap3A_46, %swap3A_47], %broadcast_in_dim3A_45 {strides = array<i32>} : memref<64x128xf32, #tpu.memory_space<vmem>>, vector<64x128xf32>,
      %broadcast_in_dim3A_49 = arith.constant 0.000000e+00 : f32
      %broadcast_in_dim3A_50 = vector.broadcast %broadcast_in_dim3A_49 : f32 to vector<64x1xf32>
      %swap3A_51 = arith.constant 0 : index
      %swap3A_52 = arith.constant 0 : index
      %swap3A_53 = vector.load %arg12[%swap3A_51, %swap3A_52] : memref<64x1xf32, #tpu.memory_space<vmem>>, vector<64x1xf32>
      tpu.vector_store %arg12[%swap3A_51, %swap3A_52], %broadcast_in_dim3A_50 {strides = array<i32>} : memref<64x1xf32, #tpu.memory_space<vmem>>, vector<64x1xf32>,
    } else {
    }
    %get3A = arith.constant 0 : index
    %get3A_2 = arith.constant 0 : index
    %get3A_3 = arith.constant 0 : index
    %get3A_4 = vector.load %arg1[%get3A, %get3A_2, %get3A_3] : memref<2x2000x128xf32, #tpu.memory_space<vmem>>, vector<1x2000x128xf32>
    %get3A_5 = vector.shape_cast %get3A_4 : vector<1x2000x128xf32> to vector<2000x128xf32>
    %get3A_6 = arith.constant 1 : index
    %get3A_7 = arith.constant 0 : index
    %get3A_8 = arith.constant 0 : index
    %get3A_9 = vector.load %arg1[%get3A_6, %get3A_7, %get3A_8] : memref<2x2000x128xf32, #tpu.memory_space<vmem>>, vector<1x2000x128xf32>
    %get3A_10 = vector.shape_cast %get3A_9 : vector<1x2000x128xf32> to vector<2000x128xf32>
    %add3A = arith.addf %get3A_5, %get3A_10 : vector<2000x128xf32>
    %get3A_11 = arith.constant 0 : index
    %get3A_12 = arith.constant 0 : index
    %get3A_13 = vector.load %arg2[%get3A_11, %get3A_12] : memref<2000x128xf32, #tpu.memory_space<vmem>>, vector<2000x128xf32>
    %add3A_14 = arith.addf %add3A, %get3A_13 : vector<2000x128xf32>
    %get3A_15 = arith.constant 0 : index
    %get3A_16 = arith.constant 0 : index
    %get3A_17 = arith.constant 0 : index
    %get3A_18 = vector.load %arg3[%get3A_15, %get3A_16, %get3A_17] : memref<1x1x2000xi32, #tpu.memory_space<vmem>>, vector<1x1x2000xi32>
    %get3A_19 = vector.shape_cast %get3A_18 : vector<1x1x2000xi32> to vector<1x2000xi32>
    %iota3A = tpu.iota {dimensions = array<i32: 0>} : vector<64x2000xi32>
    %eq3A_20 = vector.broadcast %get3A_19 : vector<1x2000xi32> to vector<64x2000xi32>
    %eq3A_21 = arith.cmpi eq, %iota3A, %eq3A_20 : vector<64x2000xi32>
    %convert_element_type3A_22 = arith.extui %eq3A_21 : vector<64x2000xi1> to vector<64x2000xi32>
    %convert_element_type3A_23 = arith.sitofp %convert_element_type3A_22 : vector<64x2000xi32> to vector<64x2000xf32>
    %get3A_24 = arith.constant 0 : index
    %get3A_25 = arith.constant 0 : index
    %get3A_26 = vector.load %arg11[%get3A_24, %get3A_25] : memref<64x128xf32, #tpu.memory_space<vmem>>, vector<64x128xf32>
    %dot_general3A = arith.constant dense<0.000000e+00> : vector<64x128xf32>
    %dot_general3A_27 = tpu.matmul %convert_element_type3A_23, %add3A_14, %dot_general3A {dimension_numbers = #tpu.dot_dimension_numbers<[1], [0], [0], [1], [0, 0, 1, 1], [], []>, transpose_lhs_hint = false} : vector<64x2000xf32>, vector<2000x128xf32>, vector<64x128xf32> -> vector<64x128xf32>
    %add3A_28 = arith.addf %get3A_26, %dot_general3A_27 : vector<64x128xf32>
    %swap3A = arith.constant 0 : index
    %swap3A_29 = arith.constant 0 : index
    %swap3A_30 = vector.load %arg11[%swap3A, %swap3A_29] : memref<64x128xf32, #tpu.memory_space<vmem>>, vector<64x128xf32>
    tpu.vector_store %arg11[%swap3A, %swap3A_29], %add3A_28 {strides = array<i32>} : memref<64x128xf32, #tpu.memory_space<vmem>>, vector<64x128xf32>,
    %get3A_31 = arith.constant 0 : index
    %get3A_32 = arith.constant 0 : index
    %get3A_33 = vector.load %arg12[%get3A_31, %get3A_32] : memref<64x1xf32, #tpu.memory_space<vmem>>, vector<64x1xf32>
    %reduce_sum3A = arith.constant dense<0.000000e+00> : vector<64xf32>
    %reduce_sum3A_34 = vector.multi_reduction <add>, %convert_element_type3A_23, %reduce_sum3A [1] : vector<64x2000xf32> to vector<64xf32>
    %broadcast_in_dim3A = vector.shape_cast %reduce_sum3A_34 : vector<64xf32> to vector<64x1xf32>
    %add3A_35 = arith.addf %get3A_33, %broadcast_in_dim3A : vector<64x1xf32>
    %swap3A_36 = arith.constant 0 : index
    %swap3A_37 = arith.constant 0 : index
    %swap3A_38 = vector.load %arg12[%swap3A_36, %swap3A_37] : memref<64x1xf32, #tpu.memory_space<vmem>>, vector<64x1xf32>
    tpu.vector_store %arg12[%swap3A_36, %swap3A_37], %add3A_35 {strides = array<i32>} : memref<64x1xf32, #tpu.memory_space<vmem>>, vector<64x1xf32>,
    %eq3A_39 = arith.constant 4 : i32
    %eq3A_40 = arith.cmpi eq, %arg0, %eq3A_39 : i32
    %convert_element_type3A_41 = arith.extui %eq3A_40 : i1 to i32
    %cond3A_42 = arith.constant 0 : i32
    %cond3A_43 = arith.cmpi ne, %convert_element_type3A_41, %cond3A_42 : i32
    scf.if %cond3A_43 {
      %get3A_44 = arith.constant 0 : index
      %get3A_45 = arith.constant 0 : index
      %get3A_46 = vector.load %arg11[%get3A_44, %get3A_45] : memref<64x128xf32, #tpu.memory_space<vmem>>, vector<64x128xf32>
      %get3A_47 = arith.constant 0 : index
      %get3A_48 = arith.constant 0 : index
      %get3A_49 = vector.load %arg12[%get3A_47, %get3A_48] : memref<64x1xf32, #tpu.memory_space<vmem>>, vector<64x1xf32>
      %max3A = arith.constant 1.000000e+00 : f32
      %max3A_50 = vector.broadcast %max3A : f32 to vector<64x1xf32>
      %max3A_51 = arith.maximumf %get3A_49, %max3A_50 : vector<64x1xf32>
      %div3A = vector.broadcast %max3A_51 : vector<64x1xf32> to vector<64x128xf32>
      %div3A_52 = arith.divf %get3A_46, %div3A : vector<64x128xf32>
      %get3A_53 = arith.constant 0 : index
      %get3A_54 = arith.constant 0 : index
      %get3A_55 = vector.load %arg4[%get3A_53, %get3A_54] : memref<128x3xf32, #tpu.memory_space<vmem>>, vector<128x3xf32>
      %dot_general3A_56 = arith.constant dense<0.000000e+00> : vector<64x3xf32>
      %dot_general3A_57 = tpu.matmul %div3A_52, %get3A_55, %dot_general3A_56 {dimension_numbers = #tpu.dot_dimension_numbers<[1], [0], [0], [1], [0, 0, 1, 1], [], []>, transpose_lhs_hint = false} : vector<64x128xf32>, vector<128x3xf32>, vector<64x3xf32> -> vector<64x3xf32>
      %get3A_58 = arith.constant 0 : index
      %get3A_59 = arith.constant 0 : index
      %get3A_60 = vector.load %arg5[%get3A_58, %get3A_59] : memref<1x3xf32, #tpu.memory_space<vmem>>, vector<1x3xf32>
      %add3A_61 = vector.broadcast %get3A_60 : vector<1x3xf32> to vector<64x3xf32>
      %add3A_62 = arith.addf %dot_general3A_57, %add3A_61 : vector<64x3xf32>
      %get3A_63 = arith.constant 0 : index
      %get3A_64 = arith.constant 0 : index
      %get3A_65 = vector.load %arg6[%get3A_63, %get3A_64] : memref<128x3xf32, #tpu.memory_space<vmem>>, vector<128x3xf32>
      %dot_general3A_66 = arith.constant dense<0.000000e+00> : vector<64x3xf32>
      %dot_general3A_67 = tpu.matmul %div3A_52, %get3A_65, %dot_general3A_66 {dimension_numbers = #tpu.dot_dimension_numbers<[1], [0], [0], [1], [0, 0, 1, 1], [], []>, transpose_lhs_hint = false} : vector<64x128xf32>, vector<128x3xf32>, vector<64x3xf32> -> vector<64x3xf32>
      %get3A_68 = arith.constant 0 : index
      %get3A_69 = arith.constant 0 : index
      %get3A_70 = vector.load %arg7[%get3A_68, %get3A_69] : memref<3x3xf32, #tpu.memory_space<vmem>>, vector<3x3xf32>
      %dot_general3A_71 = arith.constant dense<0.000000e+00> : vector<64x3xf32>
      %dot_general3A_72 = tpu.matmul %add3A_62, %get3A_70, %dot_general3A_71 {dimension_numbers = #tpu.dot_dimension_numbers<[1], [0], [0], [1], [0, 0, 1, 1], [], []>, transpose_lhs_hint = false} : vector<64x3xf32>, vector<3x3xf32>, vector<64x3xf32> -> vector<64x3xf32>
      %add3A_73 = arith.addf %dot_general3A_67, %dot_general3A_72 : vector<64x3xf32>
      %get3A_74 = arith.constant 0 : index
      %get3A_75 = arith.constant 0 : index
      %get3A_76 = vector.load %arg8[%get3A_74, %get3A_75] : memref<1x3xf32, #tpu.memory_space<vmem>>, vector<1x3xf32>
      %add3A_77 = vector.broadcast %get3A_76 : vector<1x3xf32> to vector<64x3xf32>
      %add3A_78 = arith.addf %add3A_73, %add3A_77 : vector<64x3xf32>
      %swap3A_79 = arith.constant 0 : index
      %swap3A_80 = arith.constant 0 : index
      %swap3A_81 = vector.load %arg9[%swap3A_79, %swap3A_80] : memref<64x3xf32, #tpu.memory_space<vmem>>, vector<64x3xf32>
      tpu.vector_store %arg9[%swap3A_79, %swap3A_80], %add3A_62 {strides = array<i32>} : memref<64x3xf32, #tpu.memory_space<vmem>>, vector<64x3xf32>,
      %swap3A_82 = arith.constant 0 : index
      %swap3A_83 = arith.constant 0 : index
      %swap3A_84 = vector.load %arg10[%swap3A_82, %swap3A_83] : memref<64x3xf32, #tpu.memory_space<vmem>>, vector<64x3xf32>
      tpu.vector_store %arg10[%swap3A_82, %swap3A_83], %add3A_78 {strides = array<i32>} : memref<64x3xf32, #tpu.memory_space<vmem>>, vector<64x3xf32>,
    } else {
    }
    return
  }
  func.func @transform_0(%arg0: i32) -> (i32, i32, i32) {
    %c0_i32 = arith.constant 0 : i32
    %c0_i32_0 = arith.constant 0 : i32
    %c0_i32_1 = arith.constant 0 : i32
    return %c0_i32, %arg0, %c0_i32_0 : i32, i32, i32
  }
  func.func @transform_1(%arg0: i32) -> (i32, i32) {
    %c0_i32 = arith.constant 0 : i32
    %c0_i32_0 = arith.constant 0 : i32
    return %arg0, %c0_i32 : i32, i32
  }
  func.func @transform_2(%arg0: i32) -> (i32, i32, i32) {
    %c0_i32 = arith.constant 0 : i32
    %c0_i32_0 = arith.constant 0 : i32
    %c0_i32_1 = arith.constant 0 : i32
    return %arg0, %c0_i32, %c0_i32_0 : i32, i32, i32
  }
  func.func @transform_3(%arg0: i32) -> (i32, i32) {
    %c0_i32 = arith.constant 0 : i32
    %c0_i32_0 = arith.constant 0 : i32
    %c0_i32_1 = arith.constant 0 : i32
    return %c0_i32, %c0_i32_0 : i32, i32
  }
  func.func @transform_4(%arg0: i32) -> (i32, i32) {
    %c0_i32 = arith.constant 0 : i32
    %c0_i32_0 = arith.constant 0 : i32
    %c0_i32_1 = arith.constant 0 : i32
    return %c0_i32, %c0_i32_0 : i32, i32
  }
  func.func @transform_5(%arg0: i32) -> (i32, i32) {
    %c0_i32 = arith.constant 0 : i32
    %c0_i32_0 = arith.constant 0 : i32
    %c0_i32_1 = arith.constant 0 : i32
    return %c0_i32, %c0_i32_0 : i32, i32
  }
  func.func @transform_6(%arg0: i32) -> (i32, i32) {
    %c0_i32 = arith.constant 0 : i32
    %c0_i32_0 = arith.constant 0 : i32
    %c0_i32_1 = arith.constant 0 : i32
    return %c0_i32, %c0_i32_0 : i32, i32
  }
  func.func @transform_7(%arg0: i32) -> (i32, i32) {
    %c0_i32 = arith.constant 0 : i32
    %c0_i32_0 = arith.constant 0 : i32
    %c0_i32_1 = arith.constant 0 : i32
    return %c0_i32, %c0_i32_0 : i32, i32
  }
  func.func @transform_8(%arg0: i32) -> (i32, i32) {
    %c0_i32 = arith.constant 0 : i32
    %c0_i32_0 = arith.constant 0 : i32
    %c0_i32_1 = arith.constant 0 : i32
    return %c0_i32, %c0_i32_0 : i32, i32
  }
  func.func @transform_9(%arg0: i32) -> (i32, i32) {
    %c0_i32 = arith.constant 0 : i32
    %c0_i32_0 = arith.constant 0 : i32
    %c0_i32_1 = arith.constant 0 : i32
    return %c0_i32, %c0_i32_0 : i32, i32
  }
}

</mosaic_0001>

<sc_bundles>
// kernel: kernel.12.cloned.1.call-start
scs
__scs_entry_jumppad:
0x0: {  	(pc) =	sbr.rel $0x88, $3  }
0x1: {  	(tag) =	ssettag $0x0;
	lr =	simm.s32 $0x1  }
0x2: {  	[smem:$0x3F91] =	sst lr;
	_ =	strace $0xD0000000  }
0x3: {  	_ = 	snop  }
0x4: {  	_ = 	snop  }
0x5: {  	_ = 	snop  }
0x6: {  	_ = 	snop  }
0x7: {  	_ = 	snop  }
__scs_overlays_trampoline_lowered:
0x8: {  	[smem:$0x3FA0] =	sst s0  }
0x9: {  	[smem:$0x3FA1] =	sst s1  }
0xa: {  	[smem:$0x3FA2] =	sst s2  }
0xb: {  	[smem:$0x3FA3] =	sst s3  }
0xc: {  	[smem:$0x3FA4] =	sst s4  }
0xd: {  	[smem:$0x3FA5] =	sst s5  }
0xe: {  	[smem:$0x3FA6] =	sst s6  }
0xf: {  	[smem:$0x3FA7] =	sst s7  }
0x10: {  	[smem:$0x3FA8] =	sst s8  }
0x11: {  	[smem:$0x3FA9] =	sst s9;
	s0 =	simm.s32 @!p0 $0x0  }
0x12: {  	s1 =	sld [smem:$0x3F8F];
	s0 =	simm.s32 @p0 $0x1  }
0x13: {  	[smem:$0x3FAA] =	sst s0;
	s0 =	simm.s32 @!p1 $0x0  }
0x14: {  	s2 =	sld [smem:$0x3F8E];
	s0 =	simm.s32 @p1 $0x1  }
0x15: {  	[smem:$0x3FAB] =	sst s0;
	s0 =	simm.s32 @!p2 $0x0  }
0x16: {  	s3 =	sld [smem:$0x3FDB];
	s0 =	simm.s32 @p2 $0x1  }
0x17: {  	s4 =	simm.s32 $0x1BF5;
	[smem:$0x3FAD] =	sst s0  }
0x18: {  	s0 =	sld [smem:$0x3F90];
	_ =	swait.ge [sflag:s4], $0x0  }
0x19: {  	s7 =	sld [smem:$0x3F91]  }
0x1a: {  	s8 =	sadd.s32 $0xFFFFE003, lr  }
0x1b: {  	s9 =	sadd.s32 $0xFFFFFEF7, lr;
	s5 =	simm.s32 $0xFFFFFFFF;
	p2 =	slt.u32 s8, $0xFFFFF086  }
0x1c: {  	p1 =	slt.u32 s9, $0xF7A;
	s5 =	simm.s32 @!p2 $0x0  }
0x1d: {  	s5 =	simm.s32 @p1 $0x1;
	p0 =	seq.s32 s7, s2  }
0x1e: {  	s7 =	smul.u32 @!p0 $0xF7A, s2;
	p2 =	seq.s32 @!p0 s5, $0x0  }
0x1f: {  	s9 =	smul.u32 $0xF7A, s1;
	s8 =	simm.s32 @!p0 $0x1BF5;
	p2 =	por !p2, p0  }
0x20: {  	[sflag:s8] =	ssyncset.s32 @!p0 $0xFFFFF086;
	s6 =	sadd.s32 @!p0 s3, s7;
	s7 =	simm.s32 @!p0 $0x108  }
0x21: {  	s3 =	sadd.s32 s3, s9;
	s6 =	sadd.s32 @!p0 $0x88, s6;
	s7 =	simm.s32 @p2 $0x1082  }
0x22: {  	[simem:s7], [sflag:s8] =	dma.local @!p0 [hbm:s6], $0xF7A  }
0x23: {  	s9 =	sor.u32 $0xD0000000, s2;
	s6 =	simm.s32 $0x108;
	_ =	swait.ge @!p0 [sflag:s8], $0x0  }
0x24: {  	s3 =	sadd.s32 $0x88, s3;
	s6 =	simm.s32 @!p1 $0x1082;
	[sflag:s4] =	ssyncset.s32 $0xFFFFF086  }
0x25: {  	[simem:s6], [sflag:s4] =	dma.local [hbm:s3], $0xF7A  }
0x26: {  	[smem:$0x3F91] =	sst s1;
	(tag) =	ssettag s2;
	_ =	strace s9  }
0x27: {  	s1 =	sld [smem:$0x3FA1]  }
0x28: {  	s2 =	sld [smem:$0x3FA2]  }
0x29: {  	s4 =	sld [smem:$0x3FA4]  }
0x2a: {  	p0 =	seq.s32 s5, $0x0;
	s5 =	sld [smem:$0x3FA5]  }
0x2b: {  	s6 =	sld [smem:$0x3FA6]  }
0x2c: {  	s7 =	sld [smem:$0x3FA7]  }
0x2d: {  	s3 =	simm.s32 $0x108;
	s8 =	sld [smem:$0x3FA8]  }
0x2e: {  	s3 =	simm.s32 @!p0 $0x1082;
	s9 =	sld [smem:$0x3FA9]  }
0x2f: {  	lr =	sadd.s32 s0, s3;
	s0 =	sld [smem:$0x3FA0]  }
0x30: {  	s3 =	sld [smem:$0x3FA3]  }
0x31: {  	[smem:$0x3FAC] =	sst s10  }
0x32: {  	s10 =	sld [smem:$0x3FAA];
	_ =	sdelay $0x3  }
0x33: {  	p0 =	seq.s32 s10, $0x1;
	s10 =	sld [smem:$0x3FAC];
	_ =	sdelay $0x3  }
0x34: {  	[smem:$0x3FAC] =	sst s10  }
0x35: {  	s10 =	sld [smem:$0x3FAB];
	_ =	sdelay $0x3  }
0x36: {  	p1 =	seq.s32 s10, $0x1;
	s10 =	sld [smem:$0x3FAC];
	_ =	sdelay $0x3  }
0x37: {  	[smem:$0x3FAC] =	sst s10  }
0x38: {  	s10 =	sld [smem:$0x3FAD]  }
0x39: {  	_ = 	snop;
	(pc) =	sbr.ind lr, $3  }
0x3a: {  	_ = 	snop  }
0x3b: {  	_ = 	snop  }
0x3c: {  	p2 =	seq.s32 s10, $0x1;
	s10 =	sld [smem:$0x3FAC]  }
0x3d: {  	_ =	shalt  }
0x3e: {  	_ =	shalt  }
0x3f: {  	_ =	shalt  }
0x40: {  	_ =	shalt  }
0x41: {  	_ =	shalt  }
0x42: {  	_ =	shalt  }
0x43: {  	_ =	shalt  }
0x44: {  	_ =	shalt  }
0x45: {  	_ =	shalt  }
0x46: {  	_ =	shalt  }
0x47: {  	_ =	shalt  }
0x48: {  	_ =	shalt  }
0x49: {  	_ =	shalt  }
0x4a: {  	_ =	shalt  }
0x4b: {  	_ =	shalt  }
0x4c: {  	_ =	shalt  }
0x4d: {  	_ =	shalt  }
0x4e: {  	_ =	shalt  }
0x4f: {  	_ =	shalt  }
0x50: {  	_ =	shalt  }
0x51: {  	_ =	shalt  }
0x52: {  	_ =	shalt  }
0x53: {  	_ =	shalt  }
0x54: {  	_ =	shalt  }
0x55: {  	_ =	shalt  }
0x56: {  	_ =	shalt  }
0x57: {  	_ =	shalt  }
0x58: {  	_ =	shalt  }
0x59: {  	_ =	shalt  }
0x5a: {  	_ =	shalt  }
0x5b: {  	_ =	shalt  }
0x5c: {  	_ =	shalt  }
0x5d: {  	_ =	shalt  }
0x5e: {  	_ =	shalt  }
0x5f: {  	_ =	shalt  }
0x60: {  	_ =	shalt  }
0x61: {  	_ =	shalt  }
0x62: {  	_ =	shalt  }
0x63: {  	_ =	shalt  }
0x64: {  	_ =	shalt  }
0x65: {  	_ =	shalt  }
0x66: {  	_ =	shalt  }
0x67: {  	_ =	shalt  }
0x68: {  	_ =	shalt  }
0x69: {  	_ =	shalt  }
0x6a: {  	_ =	shalt  }
0x6b: {  	_ =	shalt  }
0x6c: {  	_ =	shalt  }
0x6d: {  	_ =	shalt  }
0x6e: {  	_ =	shalt  }
0x6f: {  	_ =	shalt  }
0x70: {  	_ =	shalt  }
0x71: {  	_ =	shalt  }
0x72: {  	_ =	shalt  }
0x73: {  	_ =	shalt  }
0x74: {  	_ =	shalt  }
0x75: {  	_ =	shalt  }
0x76: {  	_ =	shalt  }
0x77: {  	_ =	shalt  }
0x78: {  	_ =	shalt  }
0x79: {  	_ =	shalt  }
0x7a: {  	_ =	shalt  }
0x7b: {  	_ =	shalt  }
0x7c: {  	_ =	shalt  }
0x7d: {  	_ =	shalt  }
0x7e: {  	_ =	shalt  }
0x7f: {  	_ =	shalt  }
0x80: {  	_ =	shalt  }
0x81: {  	_ =	shalt  }
0x82: {  	_ =	shalt  }
0x83: {  	_ =	shalt  }
0x84: {  	_ =	shalt  }
0x85: {  	_ =	shalt  }
0x86: {  	_ =	shalt  }
0x87: {  	_ =	shalt  }
.Lfunc_end0:
.L_simem_size_0:
called_computation.1_lowered:
.L_overlay_start_0:
0x88: {  	s2 =	sld [smem:$0x3FD9]  }
0x89: {  	s3 =	sld [smem:$0x3FFE];
	_ =	sdelay $0x1  }
0x8a: {  	s1 =	srdreg.scid  }
0x8b: {  	s0 =	sand.u32 $0x1, s1  }
0x8c: {  	s16 =	sshll.u32 s0, $0xA;
	s2 =	sadd.s32 s3, s2  }
0x8d: {  	s2 =	sadd.s32 s2, s16  }
0x8e: {  	[smem:$0x3FB8] =	sst s2  }
0x8f: {  	_ = 	snop  }
0x90: {  	(tm) =	ssettm $0x1  }
0x91: {  	s17 =	sld [smem:$0x3FFB];
	_ =	sdelay $0x3  }
0x92: {  	_ =	strace s17  }
0x93: {  	s2 =	sld [smem:$0x3FFC];
	_ =	sdelay $0x3  }
0x94: {  	_ =	strace s2  }
0x95: {  	s2 =	sld [smem:$0x3FFD];
	_ =	sdelay $0x3  }
0x96: {  	_ =	strace s2  }
0x97: {  	_ =	strace $0x8FFFFFFF  }
0x98: {  	s18 =	sld [smem:$0x3FDB];
	_ =	sdelay $0x1  }
0x99: {  	s19 =	simm.s32 $_scs_section_size  }
0x9a: {  	s4 =	simm.s32 $_size__tile_overlayer_lowered;
	s5 =	simm.s32 $_tile_overlayer_lowered  }
0x9b: {  	s22 =	simm.s32 $0x1BFF;
	s21 =	sshll.u32 s5, $0x1;
	s2 =	sadd.s32 s19, s18  }
0x9c: {  	s6 =	simm.s32 $0x0;
	s20 =	sshll.u32 s4, $0x1;
	s4 =	sadd.s32 s21, s2  }
0x9d: {  	[timem:s6], [sflag:s22] =	dma.local [hbm:s4], s20  }
0x9e: {  	_ =	swait.ge [sflag:s22], s20  }
0x9f: {  	s3 =	ssub.s32 $0x0, s20;
	[sflag:s22] =	ssyncset.done $0x0  }
0xa0: {  	[sflag:s22] =	ssyncadd.s32 s3;
	_ =	sdelay $0x1  }
0xa1: {  	s23 =	simm.s32 $0x1B8B  }
0xa2: {  	_ =	swait.ge [sflag:s23], $0x1  }
0xa3: {  	[sflag:s23] =	ssyncset.done $0x0  }
0xa4: {  	s25 =	simm.s32 $0x1B8E;
	s24 =	sld [smem:$0x3FFE];
	[sflag:s23] =	ssyncadd.s32 $0xFFFFFFFF  }
0xa5: {  	s26 =	simm.s32 $execute0_lowered;
	[smem:$0x3FD2] =	sst s25  }
0xa6: {  	s4 =	sshll.u32 s26, $0x1;
	_ =	strace $0x80000049;
	[dreg:$0x1] =	wrdreg $0xFFFFFFFF  }
0xa7: {  	s28 =	simm.s32 $_size_execute0_lowered;
	s2 =	sadd.s32 s2, s4;
	[dreg:$0x0] =	wrdreg $0x0  }
0xa8: {  	s4 =	sshll.u32 s28, $0x1;
	[dreg:$0x2] =	wrdreg s2  }
0xa9: {  	[dreg:$0x3] =	wrdreg s4  }
0xaa: {  	[dreg:$0x4] =	wrdreg $0xC0  }
0xab: {  	_ =	task [dreg:s6], $0x5FFFF  }
0xac: {  	[dreg:$0x1] =	wrdreg $0xFFFFFFFF  }
0xad: {  	[dreg:$0x0] =	wrdreg $0x60  }
0xae: {  	[dreg:$0x2] =	wrdreg s24  }
0xaf: {  	[dreg:$0x3] =	wrdreg $0xBB000  }
0xb0: {  	[dreg:$0x4] =	wrdreg $0x9  }
0xb1: {  	_ =	task.clear_ibuf [dreg:s6], $0x5FFFF;
	_ =	strace $0x90000049  }
0xb2: {  	s29 =	simm.s32 $0x9;
	_ =	strace $0x8000004B  }
0xb3: {  	_ =	swait.ge [sflag:s29], $0x1  }
0xb4: {  	[sflag:s29] =	ssyncadd.s32 $0xFFFFFFFF  }
0xb5: {  	_ =	strace $0x9000004B  }
0xb6: {  	_ =	sfence  }
0xb7: {  	s30 =	sld [smem:$0x0];
	_ =	sdelay $0x2  }
0xb8: {  	s31 =	sshll.u32 s1, $0xD;
	s1 =	sshrl.u32 s1, $0x2  }
0xb9: {  	s3 =	sand.u32 $0x4000, s31;
	s1 =	sadd.s32 s1, s30  }
0xba: {  	s0 =	sor.u32 s3, s0;
	s1 =	sshll.u32 s1, $0x11  }
0xbb: {  	s0 =	sor.u32 s1, s0  }
0xbc: {  	s0 =	sadd.s32 $0x8F2B, s0  }
0xbd: {  	[sflag:s0] =	ssyncadd.remote.s32 $0x1  }
0xbe: {  	_ =	sfence.sel $0xFFFF  }
0xbf: {  	[dreg:$0x0] =	wrdreg $0xFFFFFFFF;
	(pc) =	sbr.abs _section_cstart, $3  }
0xc0: {  	[dreg:$0x1] =	wrdreg $0xFFFFFFFF  }
0xc1: {  	_ =	task.clear_ibuf [dreg:s6], $0x2FFFF;
	_ =	strace $0x9FFFFFFF  }
0xc2: {  	(tm) =	ssettm $0x7FFFFFFF  }
0xc3: {  	_ =	shalt  }
tec
execute0_lowered:
.L_overlay_start_1:
0x0: {  	(tag) =	ssettag $0x1  }
0x1: {  	s0 =	srdreg.scid  }
0x2: {  	s5 =	stileid.u32;
	s1 =	rddreg [dreg:$0x0]  }
0x3: {  	s2 =	rddreg [dreg:$0x1];
	s0 =	sand.u32 $0x1, s0;
	s3 =	sshll.u32 s5, $0x1  }
0x4: {  	s5 =	smul.u32 $0x280, s5;
	s10 =	sadd.s32 $0x3E600, s1;
	s4 =	sor.u32 s0, s3  }
0x5: {  	s3 =	simm.s32 $0x0;
	s7 =	smul.u32 $0x138800, s0;
	s0 =	ssub.s32 $0x2, s0  }
0x6: {  	s6 =	smul.u32 $0x4E2, s4;
	[smem:$0x7FF] =	sst s3;
	s5 =	smin.u32 s5, $0x2490  }
0x7: {  	s4 =	sadd.s32 $0x17400, s1;
	s11 =	sshrl.u32 s0, $0x1;
	_ =	strace $0x8000004A  }
0x8: {  	s5 =	sshll.u32 s5, $0x7;
	[dreg:$0x3] =	wrdreg s10;
	s0 =	ssub.s32 s0, s11  }
0x9: {  	s8 =	sadd.s32 s6, s1;
	s9 =	sadd.s32 s7, s5;
	s0 =	smax.u32 s0, $0x1  }
0xa: {  	s6 =	sshrl.u32 s9, $0x3;
	s12 =	sadd.s32 $0xD600, s8;
	[dreg:$0x7] =	wrdreg s0  }
0xb: {  	s13 =	sadd.s32 $0x3800, s8;
	s1 =	sadd.s32 s6, s1;
	[dreg:$0x4] =	wrdreg s12  }
0xc: {  	s6 =	sadd.s32 s5, s2;
	[dreg:$0x5] =	wrdreg s13;
	s1 =	sadd.s32 $0x3E800, s1  }
0xd: {  	s14 =	sadd.s32 $0x800, s6;
	[dreg:$0x6] =	wrdreg s1  }
0xe: {  	s15 =	sadd.s32 $0x1000, s6;
	[dreg:$0x8] =	wrdreg s14  }
0xf: {  	s16 =	sadd.s32 $0x1800, s6;
	[dreg:$0x9] =	wrdreg s15  }
0x10: {  	s17 =	sadd.s32 $0x2000, s6;
	[dreg:$0xa] =	wrdreg s16  }
0x11: {  	s18 =	sadd.s32 $0x2800, s6;
	[dreg:$0xb] =	wrdreg s17  }
0x12: {  	s19 =	sadd.s32 $0x3000, s6;
	[dreg:$0xc] =	wrdreg s18  }
0x13: {  	s20 =	sadd.s32 $0x3800, s6;
	[dreg:$0xd] =	wrdreg s19  }
0x14: {  	s21 =	sadd.s32 $0x4000, s6;
	[dreg:$0xe] =	wrdreg s20  }
0x15: {  	s22 =	sadd.s32 $0x4800, s6;
	[dreg:$0xf] =	wrdreg s21  }
0x16: {  	s23 =	sadd.s32 $0x5000, s6;
	[dreg:$0x10] =	wrdreg s22  }
0x17: {  	s24 =	sadd.s32 $0x5800, s6;
	[dreg:$0x11] =	wrdreg s23  }
0x18: {  	s25 =	sadd.s32 $0x6000, s6;
	[dreg:$0x12] =	wrdreg s24  }
0x19: {  	s26 =	sadd.s32 $0x6800, s6;
	[dreg:$0x13] =	wrdreg s25  }
0x1a: {  	s5 =	sadd.s32 $0x7800, s6;
	[dreg:$0x14] =	wrdreg s26  }
0x1b: {  	s7 =	sadd.s32 $0x8000, s6;
	[dreg:$0x16] =	wrdreg s5  }
0x1c: {  	s8 =	sadd.s32 $0x8800, s6;
	[dreg:$0x17] =	wrdreg s7  }
0x1d: {  	s9 =	sadd.s32 $0x9000, s6;
	[dreg:$0x18] =	wrdreg s8  }
0x1e: {  	s10 =	sadd.s32 $0x9800, s6;
	[dreg:$0x19] =	wrdreg s9  }
0x1f: {  	s11 =	sadd.s32 $0xA000, s6;
	[dreg:$0x1a] =	wrdreg s10  }
0x20: {  	s12 =	sadd.s32 $0xA800, s6;
	[dreg:$0x1b] =	wrdreg s11  }
0x21: {  	s13 =	sadd.s32 $0xB000, s6;
	[dreg:$0x1c] =	wrdreg s12  }
0x22: {  	s1 =	sadd.s32 $0x7000, s6;
	[dreg:$0x1d] =	wrdreg s13  }
0x23: {  	s28 =	simm.s32 $0x7700;
	s14 =	sadd.s32 $0xB800, s6;
	[dreg:$0x15] =	wrdreg s1  }
0x24: {  	s29 =	simm.s32 $0x8B00;
	s15 =	sadd.s32 $0xC000, s6;
	[dreg:$0x1e] =	wrdreg s14  }
0x25: {  	s30 =	simm.s32 $0x9F00;
	s16 =	sadd.s32 $0xC800, s6;
	[dreg:$0x1f] =	wrdreg s15  }
0x26: {  	s31 =	simm.s32 $0xB;
	s17 =	sadd.s32 $0xD000, s6;
	[smem:$0x7F3] =	sst s16  }
0x27: {  	s0 =	simm.s32 $0x28;
	s18 =	sadd.s32 $0xD800, s6;
	[smem:$0x7F4] =	sst s17  }
0x28: {  	s19 =	sadd.s32 $0xE000, s6;
	s20 =	sadd.s32 $0xE800, s6;
	[smem:$0x7F5] =	sst s18  }
0x29: {  	s21 =	sadd.s32 $0xF000, s6;
	s22 =	sadd.s32 $0xF800, s6;
	[smem:$0x7F6] =	sst s19  }
0x2a: {  	s23 =	sadd.s32 $0x10000, s6;
	s24 =	sadd.s32 $0x10800, s6;
	[smem:$0x7F7] =	sst s20  }
0x2b: {  	s25 =	sadd.s32 $0x11000, s6;
	s26 =	sadd.s32 $0x11800, s6;
	[smem:$0x7F8] =	sst s21  }
0x2c: {  	s5 =	simm.s32 $0x2;
	s7 =	simm.s32 $0x3;
	[smem:$0x7F9] =	sst s22  }
0x2d: {  	s8 =	simm.s32 $0x4;
	s9 =	simm.s32 $0x5;
	[smem:$0x7FA] =	sst s23  }
0x2e: {  	s10 =	simm.s32 $0x6;
	s11 =	simm.s32 $0x7;
	[smem:$0x7FB] =	sst s24  }
0x2f: {  	s12 =	simm.s32 $0x8;
	s13 =	simm.s32 $0x9;
	[smem:$0x7FC] =	sst s25  }
0x30: {  	[smem:$0x7FD] =	sst s26;
	s19 =	sadd.s32 $0x12000, s6;
	s20 =	sadd.s32 $0x12800, s6  }
0x31: {  	s21 =	sadd.s32 $0x13000, s6;
	s22 =	sadd.s32 $0x13800, s6;
	s23 =	simm.s32 $0xB300  }
0x32: {  	s24 =	simm.s32 $0xC;
	s25 =	simm.s32 $0x4F00;
	s26 =	simm.s32 $0x6300  }
0x33: {  	s1 =	simm.s32 $0x1;
	s14 =	simm.s32 $0xA;
	s15 =	simm.s32 $0x0  }
.LBB2_1:
0x34: {  	s16 =	rddreg [dreg:$0x3]  }
0x35: {  	[tilespmem:s23], [sflag:$0xC] =	stream.linear.gather [hbm4b:s16+s3], $0x800, $0x38;
	[tilespmem:$0x1F380] =	vst v63  }
0x36: {  	_ =	swait.ge [sflag:s24], $0x800  }
0x37: {  	[sflag:s24] =	ssyncset.done $0x0  }
0x38: {  	s18 =	rddreg [dreg:$0x8];
	[sflag:s24] =	ssyncadd.s32 $0xFFFFF800  }
0x39: {  	[spmem:s6] =	stream.linear.scatter [tilespmem:s23], [sflag:$0xB], $0x800, $0x38;
	[tilespmem:$0x1F380] =	vst v63  }
0x3a: {  	s17 =	rddreg [dreg:$0x9]  }
0x3b: {  	[spmem:s18] =	stream.linear.scatter [tilespmem:s23], [sflag:$0xB], $0x800, $0x38;
	[tilespmem:$0x1F380] =	vst v63  }
0x3c: {  	s18 =	rddreg [dreg:$0xa]  }
0x3d: {  	[spmem:s17] =	stream.linear.scatter [tilespmem:s23], [sflag:$0xB], $0x800, $0x38;
	[tilespmem:$0x1F380] =	vst v63  }
0x3e: {  	s17 =	rddreg [dreg:$0xb]  }
0x3f: {  	[spmem:s18] =	stream.linear.scatter [tilespmem:s23], [sflag:$0xB], $0x800, $0x38;
	[tilespmem:$0x1F380] =	vst v63  }
0x40: {  	s18 =	rddreg [dreg:$0xc]  }
0x41: {  	[spmem:s17] =	stream.linear.scatter [tilespmem:s23], [sflag:$0xB], $0x800, $0x38;
	[tilespmem:$0x1F380] =	vst v63  }
0x42: {  	s17 =	rddreg [dreg:$0xd]  }
0x43: {  	[spmem:s18] =	stream.linear.scatter [tilespmem:s23], [sflag:$0xB], $0x800, $0x38;
	[tilespmem:$0x1F380] =	vst v63  }
0x44: {  	s18 =	rddreg [dreg:$0xe]  }
0x45: {  	[spmem:s17] =	stream.linear.scatter [tilespmem:s23], [sflag:$0xB], $0x800, $0x38;
	[tilespmem:$0x1F380] =	vst v63  }
0x46: {  	s17 =	rddreg [dreg:$0xf]  }
0x47: {  	[spmem:s18] =	stream.linear.scatter [tilespmem:s23], [sflag:$0xB], $0x800, $0x38;
	[tilespmem:$0x1F380] =	vst v63  }
0x48: {  	s18 =	rddreg [dreg:$0x10]  }
0x49: {  	[spmem:s17] =	stream.linear.scatter [tilespmem:s23], [sflag:$0xB], $0x800, $0x38;
	[tilespmem:$0x1F380] =	vst v63  }
0x4a: {  	s17 =	rddreg [dreg:$0x11]  }
0x4b: {  	[spmem:s18] =	stream.linear.scatter [tilespmem:s23], [sflag:$0xB], $0x800, $0x38;
	[tilespmem:$0x1F380] =	vst v63  }
0x4c: {  	s18 =	rddreg [dreg:$0x12]  }
0x4d: {  	[spmem:s17] =	stream.linear.scatter [tilespmem:s23], [sflag:$0xB], $0x800, $0x38;
	[tilespmem:$0x1F380] =	vst v63  }
0x4e: {  	s17 =	rddreg [dreg:$0x13]  }
0x4f: {  	[spmem:s18] =	stream.linear.scatter [tilespmem:s23], [sflag:$0xB], $0x800, $0x38;
	[tilespmem:$0x1F380] =	vst v63  }
0x50: {  	s18 =	rddreg [dreg:$0x14]  }
0x51: {  	[spmem:s17] =	stream.linear.scatter [tilespmem:s23], [sflag:$0xB], $0x800, $0x38;
	[tilespmem:$0x1F380] =	vst v63  }
0x52: {  	s17 =	rddreg [dreg:$0x15]  }
0x53: {  	[spmem:s18] =	stream.linear.scatter [tilespmem:s23], [sflag:$0xB], $0x800, $0x38;
	[tilespmem:$0x1F380] =	vst v63  }
0x54: {  	s18 =	rddreg [dreg:$0x16]  }
0x55: {  	[spmem:s17] =	stream.linear.scatter [tilespmem:s23], [sflag:$0xB], $0x800, $0x38;
	[tilespmem:$0x1F380] =	vst v63  }
0x56: {  	s17 =	rddreg [dreg:$0x17]  }
0x57: {  	[spmem:s18] =	stream.linear.scatter [tilespmem:s23], [sflag:$0xB], $0x800, $0x38;
	[tilespmem:$0x1F380] =	vst v63  }
0x58: {  	s18 =	rddreg [dreg:$0x18]  }
0x59: {  	[spmem:s17] =	stream.linear.scatter [tilespmem:s23], [sflag:$0xB], $0x800, $0x38;
	[tilespmem:$0x1F380] =	vst v63  }
0x5a: {  	s17 =	rddreg [dreg:$0x19]  }
0x5b: {  	[spmem:s18] =	stream.linear.scatter [tilespmem:s23], [sflag:$0xB], $0x800, $0x38;
	[tilespmem:$0x1F380] =	vst v63  }
0x5c: {  	s18 =	rddreg [dreg:$0x1a]  }
0x5d: {  	[spmem:s17] =	stream.linear.scatter [tilespmem:s23], [sflag:$0xB], $0x800, $0x38;
	[tilespmem:$0x1F380] =	vst v63  }
0x5e: {  	s17 =	rddreg [dreg:$0x1b]  }
0x5f: {  	[spmem:s18] =	stream.linear.scatter [tilespmem:s23], [sflag:$0xB], $0x800, $0x38;
	[tilespmem:$0x1F380] =	vst v63  }
0x60: {  	s18 =	rddreg [dreg:$0x1c]  }
0x61: {  	[spmem:s17] =	stream.linear.scatter [tilespmem:s23], [sflag:$0xB], $0x800, $0x38;
	[tilespmem:$0x1F380] =	vst v63  }
0x62: {  	s17 =	rddreg [dreg:$0x1d]  }
0x63: {  	[spmem:s18] =	stream.linear.scatter [tilespmem:s23], [sflag:$0xB], $0x800, $0x38;
	[tilespmem:$0x1F380] =	vst v63  }
0x64: {  	s18 =	rddreg [dreg:$0x1e]  }
0x65: {  	[spmem:s17] =	stream.linear.scatter [tilespmem:s23], [sflag:$0xB], $0x800, $0x38;
	[tilespmem:$0x1F380] =	vst v63  }
0x66: {  	s17 =	rddreg [dreg:$0x1f]  }
0x67: {  	[spmem:s18] =	stream.linear.scatter [tilespmem:s23], [sflag:$0xB], $0x800, $0x38;
	[tilespmem:$0x1F380] =	vst v63  }
0x68: {  	s18 =	sld [smem:$0x7F3]  }
0x69: {  	[spmem:s17] =	stream.linear.scatter [tilespmem:s23], [sflag:$0xB], $0x800, $0x38;
	[tilespmem:$0x1F380] =	vst v63  }
0x6a: {  	s17 =	sld [smem:$0x7F4]  }
0x6b: {  	[spmem:s18] =	stream.linear.scatter [tilespmem:s23], [sflag:$0xB], $0x800, $0x38;
	[tilespmem:$0x1F380] =	vst v63  }
0x6c: {  	s18 =	sld [smem:$0x7F5]  }
0x6d: {  	[spmem:s17] =	stream.linear.scatter [tilespmem:s23], [sflag:$0xB], $0x800, $0x38;
	[tilespmem:$0x1F380] =	vst v63  }
0x6e: {  	s17 =	sld [smem:$0x7F6]  }
0x6f: {  	[spmem:s18] =	stream.linear.scatter [tilespmem:s23], [sflag:$0xB], $0x800, $0x38;
	[tilespmem:$0x1F380] =	vst v63  }
0x70: {  	s18 =	sld [smem:$0x7F7]  }
0x71: {  	[spmem:s17] =	stream.linear.scatter [tilespmem:s23], [sflag:$0xB], $0x800, $0x38;
	[tilespmem:$0x1F380] =	vst v63  }
0x72: {  	s17 =	sld [smem:$0x7F8]  }
0x73: {  	[spmem:s18] =	stream.linear.scatter [tilespmem:s23], [sflag:$0xB], $0x800, $0x38;
	[tilespmem:$0x1F380] =	vst v63  }
0x74: {  	s18 =	sld [smem:$0x7F9]  }
0x75: {  	[spmem:s17] =	stream.linear.scatter [tilespmem:s23], [sflag:$0xB], $0x800, $0x38;
	[tilespmem:$0x1F380] =	vst v63  }
0x76: {  	s17 =	sld [smem:$0x7FA]  }
0x77: {  	[spmem:s18] =	stream.linear.scatter [tilespmem:s23], [sflag:$0xB], $0x800, $0x38;
	[tilespmem:$0x1F380] =	vst v63  }
0x78: {  	s18 =	sld [smem:$0x7FB]  }
0x79: {  	[spmem:s17] =	stream.linear.scatter [tilespmem:s23], [sflag:$0xB], $0x800, $0x38;
	[tilespmem:$0x1F380] =	vst v63  }
0x7a: {  	s17 =	sld [smem:$0x7FC]  }
0x7b: {  	[spmem:s18] =	stream.linear.scatter [tilespmem:s23], [sflag:$0xB], $0x800, $0x38;
	[tilespmem:$0x1F380] =	vst v63  }
0x7c: {  	s18 =	sld [smem:$0x7FD]  }
0x7d: {  	[spmem:s17] =	stream.linear.scatter [tilespmem:s23], [sflag:$0xB], $0x800, $0x38;
	[tilespmem:$0x1F380] =	vst v63  }
0x7e: {  	_ = 	snop  }
0x7f: {  	[spmem:s18] =	stream.linear.scatter [tilespmem:s23], [sflag:$0xB], $0x800, $0x38;
	[tilespmem:$0x1F380] =	vst v63  }
0x80: {  	_ = 	snop  }
0x81: {  	[spmem:s19] =	stream.linear.scatter [tilespmem:s23], [sflag:$0xB], $0x800, $0x38;
	[tilespmem:$0x1F380] =	vst v63  }
0x82: {  	_ = 	snop  }
0x83: {  	[spmem:s20] =	stream.linear.scatter [tilespmem:s23], [sflag:$0xB], $0x800, $0x38;
	[tilespmem:$0x1F380] =	vst v63  }
0x84: {  	_ = 	snop  }
0x85: {  	[spmem:s21] =	stream.linear.scatter [tilespmem:s23], [sflag:$0xB], $0x800, $0x38;
	[tilespmem:$0x1F380] =	vst v63  }
0x86: {  	_ = 	snop  }
0x87: {  	[spmem:s22] =	stream.linear.scatter [tilespmem:s23], [sflag:$0xB], $0x800, $0x38;
	[tilespmem:$0x1F380] =	vst v63  }
0x88: {  	s17 =	rddreg [dreg:$0x4]  }
0x89: {  	[tilespmem:s3], [sflag:$0xC] =	stream.linear.gather [hbm4b:s17+s3], $0x2710, $0x38;
	[tilespmem:$0x1F380] =	vst v63  }
0x8a: {  	_ =	swait.ge [sflag:s24], $0x2710  }
0x8b: {  	[sflag:s24] =	ssyncset.done $0x0  }
0x8c: {  	s17 =	simm.s32 $0x2780;
	s18 =	rddreg [dreg:$0x5];
	[sflag:s24] =	ssyncadd.s32 $0xFFFFD8F0  }
0x8d: {  	[tilespmem:s17], [sflag:$0xC] =	stream.linear.gather [hbm4b:s18+s3], $0x2710, $0x38;
	[tilespmem:$0x1F380] =	vst v63  }
0x8e: {  	_ =	swait.ge [sflag:s24], $0x2710  }
0x8f: {  	[sflag:s24] =	ssyncset.done $0x0  }
0x90: {  	[sflag:s24] =	ssyncadd.s32 $0xFFFFD8F0  }
0x91: {  	[tilespmem:s25], [sflag:$0x1] =	stream.indirect.gather [hbm4b:s4+s0], $0x80, s3, s0, $0xb8;
	[tilespmem:$0x1F380] =	vst v63  }
0x92: {  	_ = 	snop  }
0x93: {  	[tilespmem:s26], [sflag:$0x2] =	stream.indirect.gather [hbm4b:s4+s0], $0x80, s0, s0, $0xb8;
	[tilespmem:$0x1F380] =	vst v63  }
0x94: {  	s18 =	simm.s32 $0x50  }
0x95: {  	[tilespmem:s28], [sflag:$0x3] =	stream.indirect.gather [hbm4b:s4+s0], $0x80, s18, s0, $0xb8;
	[tilespmem:$0x1F380] =	vst v63  }
0x96: {  	s17 =	simm.s32 $0x78  }
0x97: {  	[tilespmem:s29], [sflag:$0x4] =	stream.indirect.gather [hbm4b:s4+s0], $0x80, s17, s0, $0xb8;
	[tilespmem:$0x1F380] =	vst v63  }
0x98: {  	s18 =	simm.s32 $0xA0  }
0x99: {  	[tilespmem:s30], [sflag:$0x5] =	stream.indirect.gather [hbm4b:s4+s0], $0x80, s18, s0, $0xb8;
	[tilespmem:$0x1F380] =	vst v63  }
0x9a: {  	_ =	swait.ge [sflag:s31], $0x800  }
0x9b: {  	s16 =	simm.s32 $0x27;
	[sflag:s31] =	ssyncset.done $0x0  }
.LBB2_2:
0x9c: {  	p0 =	sne.s32 s16, $0x1;
	s16 =	sadd.s32 $0xFFFFFFFF, s16;
	[sflag:s31] =	ssyncadd.s32 $0xFFFFF800  }
.Ltmp0:
0x9d: {  	(pc) =	sbr.rel @p0 .LBB2_2-.Ltmp0, $3  }
0x9e: {  	_ =	sdelay $0x1  }
0x9f: {  	_ =	swait.ge [sflag:s31], $0x800  }
0xa0: {  	[sflag:s31] =	ssyncset.done $0x0  }
0xa1: {  	[sflag:s31] =	ssyncadd.s32 $0xFFFFF800  }
0xa2: {  	[bflag:$0x0] =	sbarrier.arrive $0xFFFF  }
0xa3: {  	_ =	swait.ge [sflag:s1], $0x1400  }
0xa4: {  	[sflag:s1] =	ssyncset.done $0x0  }
0xa5: {  	s16 =	simm.s32 $0x2780;
	[sflag:s1] =	ssyncadd.s32 $0xFFFFEC00  }
0xa6: {  	[spmem:s2] =	stream.indirect.scatter.add.f32 [tilespmem:s25], [sflag:$0x6], $0x80, s16, s0, $0xb8;
	[tilespmem:$0x1F380] =	vst v63  }
0xa7: {  	_ =	swait.ge [sflag:s5], $0x1400  }
0xa8: {  	[sflag:s5] =	ssyncset.done $0x0  }
0xa9: {  	s17 =	simm.s32 $0x27A8;
	[sflag:s5] =	ssyncadd.s32 $0xFFFFEC00  }
0xaa: {  	[spmem:s2] =	stream.indirect.scatter.add.f32 [tilespmem:s26], [sflag:$0x7], $0x80, s17, s0, $0xb8;
	[tilespmem:$0x1F380] =	vst v63  }
0xab: {  	_ =	swait.ge [sflag:s7], $0x1400  }
0xac: {  	[sflag:s7] =	ssyncset.done $0x0  }
0xad: {  	s18 =	simm.s32 $0x27D0;
	[sflag:s7] =	ssyncadd.s32 $0xFFFFEC00  }
0xae: {  	[spmem:s2] =	stream.indirect.scatter.add.f32 [tilespmem:s28], [sflag:$0x8], $0x80, s18, s0, $0xb8;
	[tilespmem:$0x1F380] =	vst v63  }
0xaf: {  	_ =	swait.ge [sflag:s8], $0x1400  }
0xb0: {  	[sflag:s8] =	ssyncset.done $0x0  }
0xb1: {  	s17 =	simm.s32 $0x27F8;
	[sflag:s8] =	ssyncadd.s32 $0xFFFFEC00  }
0xb2: {  	[spmem:s2] =	stream.indirect.scatter.add.f32 [tilespmem:s29], [sflag:$0x9], $0x80, s17, s0, $0xb8;
	[tilespmem:$0x1F380] =	vst v63  }
0xb3: {  	_ =	swait.ge [sflag:s9], $0x1400  }
0xb4: {  	[sflag:s9] =	ssyncset.done $0x0  }
0xb5: {  	s18 =	simm.s32 $0x2820;
	[sflag:s9] =	ssyncadd.s32 $0xFFFFEC00  }
0xb6: {  	[spmem:s2] =	stream.indirect.scatter.add.f32 [tilespmem:s30], [sflag:$0xA], $0x80, s18, s0, $0xb8;
	[tilespmem:$0x1F380] =	vst v63  }
0xb7: {  	_ =	swait.ge [sflag:s10], $0x1400  }
0xb8: {  	[sflag:s10] =	ssyncset.done $0x0  }
0xb9: {  	s17 =	simm.s32 $0xC8;
	[sflag:s10] =	ssyncadd.s32 $0xFFFFEC00  }
0xba: {  	[tilespmem:s25], [sflag:$0x1] =	stream.indirect.gather [hbm4b:s4+s0], $0x80, s17, s0, $0xb8;
	[tilespmem:$0x1F380] =	vst v63  }
0xbb: {  	_ =	swait.ge [sflag:s11], $0x1400  }
0xbc: {  	[sflag:s11] =	ssyncset.done $0x0  }
0xbd: {  	s18 =	simm.s32 $0xF0;
	[sflag:s11] =	ssyncadd.s32 $0xFFFFEC00  }
0xbe: {  	[tilespmem:s26], [sflag:$0x2] =	stream.indirect.gather [hbm4b:s4+s0], $0x80, s18, s0, $0xb8;
	[tilespmem:$0x1F380] =	vst v63  }
0xbf: {  	_ =	swait.ge [sflag:s12], $0x1400  }
0xc0: {  	[sflag:s12] =	ssyncset.done $0x0  }
0xc1: {  	s17 =	simm.s32 $0x118;
	[sflag:s12] =	ssyncadd.s32 $0xFFFFEC00  }
0xc2: {  	[tilespmem:s28], [sflag:$0x3] =	stream.indirect.gather [hbm4b:s4+s0], $0x80, s17, s0, $0xb8;
	[tilespmem:$0x1F380] =	vst v63  }
0xc3: {  	_ =	swait.ge [sflag:s13], $0x1400  }
0xc4: {  	[sflag:s13] =	ssyncset.done $0x0  }
0xc5: {  	s18 =	simm.s32 $0x140;
	[sflag:s13] =	ssyncadd.s32 $0xFFFFEC00  }
0xc6: {  	[tilespmem:s29], [sflag:$0x4] =	stream.indirect.gather [hbm4b:s4+s0], $0x80, s18, s0, $0xb8;
	[tilespmem:$0x1F380] =	vst v63  }
0xc7: {  	_ =	swait.ge [sflag:s14], $0x1400  }
0xc8: {  	[sflag:s14] =	ssyncset.done $0x0  }
0xc9: {  	s16 =	simm.s32 $0x320;
	s17 =	simm.s32 $0x168;
	[sflag:s14] =	ssyncadd.s32 $0xFFFFEC00  }
.LBB2_4:
0xca: {  	[tilespmem:s30], [sflag:$0x5] =	stream.indirect.gather [hbm4b:s4+s0], $0x80, s17, s0, $0xb8;
	[tilespmem:$0x1F380] =	vst v63  }
0xcb: {  	s17 =	smov.u32 s16  }
0xcc: {  	p0 =	sne.s32 s16, $0x9600;
	s16 =	sadd.s32 $0x320, s16;
	_ =	swait.ge [sflag:s1], $0x1400  }
0xcd: {  	s17 =	sshra.s32 s17, $0x2;
	[sflag:s1] =	ssyncset.done $0x0  }
0xce: {  	s18 =	sadd.s32 $0x2780, s17;
	[sflag:s1] =	ssyncadd.s32 $0xFFFFEC00  }
0xcf: {  	[spmem:s2] =	stream.indirect.scatter.add.f32 [tilespmem:s25], [sflag:$0x6], $0x80, s18, s0, $0xb8;
	[tilespmem:$0x1F380] =	vst v63  }
0xd0: {  	_ =	swait.ge [sflag:s5], $0x1400  }
0xd1: {  	[sflag:s5] =	ssyncset.done $0x0  }
0xd2: {  	s18 =	sadd.s32 $0x27A8, s17;
	[sflag:s5] =	ssyncadd.s32 $0xFFFFEC00  }
0xd3: {  	[spmem:s2] =	stream.indirect.scatter.add.f32 [tilespmem:s26], [sflag:$0x7], $0x80, s18, s0, $0xb8;
	[tilespmem:$0x1F380] =	vst v63  }
0xd4: {  	_ =	swait.ge [sflag:s7], $0x1400  }
0xd5: {  	[sflag:s7] =	ssyncset.done $0x0  }
0xd6: {  	s18 =	sadd.s32 $0x27D0, s17;
	[sflag:s7] =	ssyncadd.s32 $0xFFFFEC00  }
0xd7: {  	[spmem:s2] =	stream.indirect.scatter.add.f32 [tilespmem:s28], [sflag:$0x8], $0x80, s18, s0, $0xb8;
	[tilespmem:$0x1F380] =	vst v63  }
0xd8: {  	_ =	swait.ge [sflag:s8], $0x1400  }
0xd9: {  	[sflag:s8] =	ssyncset.done $0x0  }
0xda: {  	s18 =	sadd.s32 $0x27F8, s17;
	[sflag:s8] =	ssyncadd.s32 $0xFFFFEC00  }
0xdb: {  	[spmem:s2] =	stream.indirect.scatter.add.f32 [tilespmem:s29], [sflag:$0x9], $0x80, s18, s0, $0xb8;
	[tilespmem:$0x1F380] =	vst v63  }
0xdc: {  	_ =	swait.ge [sflag:s9], $0x1400  }
0xdd: {  	[sflag:s9] =	ssyncset.done $0x0  }
0xde: {  	s18 =	sadd.s32 $0x2820, s17;
	[sflag:s9] =	ssyncadd.s32 $0xFFFFEC00  }
0xdf: {  	[spmem:s2] =	stream.indirect.scatter.add.f32 [tilespmem:s30], [sflag:$0xA], $0x80, s18, s0, $0xb8;
	[tilespmem:$0x1F380] =	vst v63  }
0xe0: {  	_ =	swait.ge [sflag:s10], $0x1400  }
0xe1: {  	[sflag:s10] =	ssyncset.done $0x0  }
0xe2: {  	s18 =	sadd.s32 $0xC8, s17;
	[sflag:s10] =	ssyncadd.s32 $0xFFFFEC00  }
0xe3: {  	[tilespmem:s25], [sflag:$0x1] =	stream.indirect.gather [hbm4b:s4+s0], $0x80, s18, s0, $0xb8;
	[tilespmem:$0x1F380] =	vst v63  }
0xe4: {  	_ =	swait.ge [sflag:s11], $0x1400  }
0xe5: {  	[sflag:s11] =	ssyncset.done $0x0  }
0xe6: {  	s18 =	sadd.s32 $0xF0, s17;
	[sflag:s11] =	ssyncadd.s32 $0xFFFFEC00  }
0xe7: {  	[tilespmem:s26], [sflag:$0x2] =	stream.indirect.gather [hbm4b:s4+s0], $0x80, s18, s0, $0xb8;
	[tilespmem:$0x1F380] =	vst v63  }
0xe8: {  	_ =	swait.ge [sflag:s12], $0x1400  }
0xe9: {  	[sflag:s12] =	ssyncset.done $0x0  }
0xea: {  	s18 =	sadd.s32 $0x118, s17;
	[sflag:s12] =	ssyncadd.s32 $0xFFFFEC00  }
0xeb: {  	[tilespmem:s28], [sflag:$0x3] =	stream.indirect.gather [hbm4b:s4+s0], $0x80, s18, s0, $0xb8;
	[tilespmem:$0x1F380] =	vst v63  }
0xec: {  	_ =	swait.ge [sflag:s13], $0x1400  }
0xed: {  	[sflag:s13] =	ssyncset.done $0x0  }
.Ltmp1:
0xee: {  	s18 =	sadd.s32 $0x140, s17;
	[sflag:s13] =	ssyncadd.s32 $0xFFFFEC00;
	(pc) =	sbr.rel @p0 .LBB2_4-.Ltmp1, $4  }
0xef: {  	[tilespmem:s29], [sflag:$0x4] =	stream.indirect.gather [hbm4b:s4+s0], $0x80, s18, s0, $0xb8;
	[tilespmem:$0x1F380] =	vst v63  }
0xf0: {  	_ =	swait.ge [sflag:s14], $0x1400  }
0xf1: {  	[sflag:s14] =	ssyncset.done $0x0  }
0xf2: {  	s17 =	sadd.s32 $0x168, s17;
	[sflag:s14] =	ssyncadd.s32 $0xFFFFEC00  }
0xf3: {  	[tilespmem:s30], [sflag:$0x5] =	stream.indirect.gather [hbm4b:s4+s0], $0x80, s17, s0, $0xb8;
	[tilespmem:$0x1F380] =	vst v63  }
0xf4: {  	_ =	swait.ge [sflag:s1], $0x1400  }
0xf5: {  	[sflag:s1] =	ssyncset.done $0x0  }
0xf6: {  	s16 =	simm.s32 $0x4DC8;
	[sflag:s1] =	ssyncadd.s32 $0xFFFFEC00  }
0xf7: {  	[spmem:s2] =	stream.indirect.scatter.add.f32 [tilespmem:s25], [sflag:$0x6], $0x80, s16, s0, $0xb8;
	[tilespmem:$0x1F380] =	vst v63  }
0xf8: {  	_ =	swait.ge [sflag:s5], $0x1400  }
0xf9: {  	[sflag:s5] =	ssyncset.done $0x0  }
0xfa: {  	s17 =	simm.s32 $0x4DF0;
	[sflag:s5] =	ssyncadd.s32 $0xFFFFEC00  }
0xfb: {  	[spmem:s2] =	stream.indirect.scatter.add.f32 [tilespmem:s26], [sflag:$0x7], $0x80, s17, s0, $0xb8;
	[tilespmem:$0x1F380] =	vst v63  }
0xfc: {  	_ =	swait.ge [sflag:s7], $0x1400  }
0xfd: {  	[sflag:s7] =	ssyncset.done $0x0  }
0xfe: {  	s18 =	simm.s32 $0x4E18;
	[sflag:s7] =	ssyncadd.s32 $0xFFFFEC00  }
0xff: {  	[spmem:s2] =	stream.indirect.scatter.add.f32 [tilespmem:s28], [sflag:$0x8], $0x80, s18, s0, $0xb8;
	[tilespmem:$0x1F380] =	vst v63  }
0x100: {  	_ =	swait.ge [sflag:s8], $0x1400  }
0x101: {  	[sflag:s8] =	ssyncset.done $0x0  }
0x102: {  	s17 =	simm.s32 $0x4E40;
	[sflag:s8] =	ssyncadd.s32 $0xFFFFEC00  }
0x103: {  	[spmem:s2] =	stream.indirect.scatter.add.f32 [tilespmem:s29], [sflag:$0x9], $0x80, s17, s0, $0xb8;
	[tilespmem:$0x1F380] =	vst v63  }
0x104: {  	_ =	swait.ge [sflag:s9], $0x1400  }
0x105: {  	[sflag:s9] =	ssyncset.done $0x0  }
0x106: {  	s18 =	simm.s32 $0x4E68;
	[sflag:s9] =	ssyncadd.s32 $0xFFFFEC00  }
0x107: {  	[spmem:s2] =	stream.indirect.scatter.add.f32 [tilespmem:s30], [sflag:$0xA], $0x80, s18, s0, $0xb8;
	[tilespmem:$0x1F380] =	vst v63  }
0x108: {  	_ =	swait.ge [sflag:s10], $0x1400  }
0x109: {  	[sflag:s10] =	ssyncset.done $0x0  }
0x10a: {  	[sflag:s10] =	ssyncadd.s32 $0xFFFFEC00  }
0x10b: {  	_ =	swait.ge [sflag:s11], $0x1400  }
0x10c: {  	[sflag:s11] =	ssyncset.done $0x0  }
0x10d: {  	[sflag:s11] =	ssyncadd.s32 $0xFFFFEC00  }
0x10e: {  	_ =	swait.ge [sflag:s12], $0x1400  }
0x10f: {  	[sflag:s12] =	ssyncset.done $0x0  }
0x110: {  	[sflag:s12] =	ssyncadd.s32 $0xFFFFEC00  }
0x111: {  	_ =	swait.ge [sflag:s13], $0x1400  }
0x112: {  	[sflag:s13] =	ssyncset.done $0x0  }
0x113: {  	[sflag:s13] =	ssyncadd.s32 $0xFFFFEC00  }
0x114: {  	_ =	swait.ge [sflag:s14], $0x1400  }
0x115: {  	[sflag:s14] =	ssyncset.done $0x0  }
0x116: {  	s17 =	stileid.u32;
	[sflag:s14] =	ssyncadd.s32 $0xFFFFEC00  }
0x117: {  	s16 =	sshll.u32 s17, $0x6;
	[bflag:$0x0] =	sbarrier.arrive $0xFFFF  }
0x118: {  	s17 =	sshrl.u32 s6, $0x3;
	s16 =	sor.u32 $0x1C0C, s16;
	s18 =	rddreg [dreg:$0x6]  }
0x119: {  	[hbm:s18], [sflag:s16] =	dma.local [spmem:s17], $0x2800  }
0x11a: {  	_ =	swait.ge [sflag:s24], $0x2800  }
0x11b: {  	s15 =	sadd.s32 $0x1, s15;
	s18 =	rddreg [dreg:$0x7]  }
0x11c: {  	p0 =	sne.s32 s15, s18  }
.Ltmp2:
0x11d: {  	_ = 	snop;
	(pc) =	sbr.rel @p0 .LBB2_1-.Ltmp2, $3  }
0x11e: {  	_ =	sdelay $0x1  }
0x11f: {  	[sflag:s24] =	ssyncset.done $0x0  }
0x120: {  	[sflag:s24] =	ssyncadd.s32 $0xFFFFD800  }
0x121: {  	_ =	sfence.sel $0x180000  }
0x122: {  	[bflag:$0x0] =	sbarrier.arrive $0xFFFF  }
0x123: {  	_ =	strace $0x9000004A  }
0x124: {  	s0 =	stileid.u32;
	[bflag:$0x2] =	sbarrier.arrive $0xFFFF  }
0x125: {  	p0 =	sne.s32 s0, $0x0;
	s0 =	rddreg [dreg:$0x2]  }
0x126: {  	s0 =	sadd.s32 @!p0 $0x100000, s0  }
0x127: {  	[sflag:s0] =	ssyncadd.tile.s32 @!p0 $0x1;
	_ =	shalt  }
.Lfunc_end2:
_tile_overlayer_lowered:
.L_overlay_start_2:
0x128: {  	(tag) =	ssettag $0x2  }
0x129: {  	s0 =	rddreg [dreg:$0x0];
	s2 =	stileid.u32  }
0x12a: {  	s1 =	rddreg [dreg:$0x1];
	p0 =	sne.s32 s2, $0x0  }
0x12b: {  	s3 =	rddreg [dreg:$0x2];
	[bflag:$0x3] =	sbarrier.arrive $0xFFFF;
	s2 =	simm.s32 @!p0 $0x1C0C  }
0x12c: {  	[timem:s3], [sflag:s2] =	dma.local @!p0 [hbm:s0], s1  }
0x12d: {  	s0 =	simm.s32 @!p0 $0xC  }
0x12e: {  	_ =	swait.ge @!p0 [sflag:s0], s1  }
0x12f: {  	s1 =	ssub.s32 @!p0 $0x0, s1;
	[sflag:s0] =	ssyncset.done @!p0 $0x0  }
0x130: {  	[sflag:s0] =	ssyncadd.s32 @!p0 s1  }
0x131: {  	[bflag:$0x3] =	sbarrier.arrive $0xFFFF  }
0x132: {  	_ =	shalt  }

// kernel: kernel.15.cloned.1.call-start
scs
__scs_entry_jumppad:
0x0: {  	(pc) =	sbr.rel $0x88, $3  }
0x1: {  	(tag) =	ssettag $0x0;
	lr =	simm.s32 $0x1  }
0x2: {  	[smem:$0x3F91] =	sst lr;
	_ =	strace $0xD0000000  }
0x3: {  	_ = 	snop  }
0x4: {  	_ = 	snop  }
0x5: {  	_ = 	snop  }
0x6: {  	_ = 	snop  }
0x7: {  	_ = 	snop  }
__scs_overlays_trampoline_lowered:
0x8: {  	[smem:$0x3FA0] =	sst s0  }
0x9: {  	[smem:$0x3FA1] =	sst s1  }
0xa: {  	[smem:$0x3FA2] =	sst s2  }
0xb: {  	[smem:$0x3FA3] =	sst s3  }
0xc: {  	[smem:$0x3FA4] =	sst s4  }
0xd: {  	[smem:$0x3FA5] =	sst s5  }
0xe: {  	[smem:$0x3FA6] =	sst s6  }
0xf: {  	[smem:$0x3FA7] =	sst s7  }
0x10: {  	[smem:$0x3FA8] =	sst s8  }
0x11: {  	[smem:$0x3FA9] =	sst s9;
	s0 =	simm.s32 @!p0 $0x0  }
0x12: {  	s1 =	sld [smem:$0x3F8F];
	s0 =	simm.s32 @p0 $0x1  }
0x13: {  	[smem:$0x3FAA] =	sst s0;
	s0 =	simm.s32 @!p1 $0x0  }
0x14: {  	s2 =	sld [smem:$0x3F8E];
	s0 =	simm.s32 @p1 $0x1  }
0x15: {  	[smem:$0x3FAB] =	sst s0;
	s0 =	simm.s32 @!p2 $0x0  }
0x16: {  	s3 =	sld [smem:$0x3FDB];
	s0 =	simm.s32 @p2 $0x1  }
0x17: {  	s4 =	simm.s32 $0x1BF5;
	[smem:$0x3FAD] =	sst s0  }
0x18: {  	s0 =	sld [smem:$0x3F90];
	_ =	swait.ge [sflag:s4], $0x0  }
0x19: {  	s7 =	sld [smem:$0x3F91]  }
0x1a: {  	s8 =	sadd.s32 $0xFFFFE003, lr  }
0x1b: {  	s9 =	sadd.s32 $0xFFFFFEF7, lr;
	s5 =	simm.s32 $0xFFFFFFFF;
	p2 =	slt.u32 s8, $0xFFFFF086  }
0x1c: {  	p1 =	slt.u32 s9, $0xF7A;
	s5 =	simm.s32 @!p2 $0x0  }
0x1d: {  	s5 =	simm.s32 @p1 $0x1;
	p0 =	seq.s32 s7, s2  }
0x1e: {  	s7 =	smul.u32 @!p0 $0xF7A, s2;
	p2 =	seq.s32 @!p0 s5, $0x0  }
0x1f: {  	s9 =	smul.u32 $0xF7A, s1;
	s8 =	simm.s32 @!p0 $0x1BF5;
	p2 =	por !p2, p0  }
0x20: {  	[sflag:s8] =	ssyncset.s32 @!p0 $0xFFFFF086;
	s6 =	sadd.s32 @!p0 s3, s7;
	s7 =	simm.s32 @!p0 $0x108  }
0x21: {  	s3 =	sadd.s32 s3, s9;
	s6 =	sadd.s32 @!p0 $0x88, s6;
	s7 =	simm.s32 @p2 $0x1082  }
0x22: {  	[simem:s7], [sflag:s8] =	dma.local @!p0 [hbm:s6], $0xF7A  }
0x23: {  	s9 =	sor.u32 $0xD0000000, s2;
	s6 =	simm.s32 $0x108;
	_ =	swait.ge @!p0 [sflag:s8], $0x0  }
0x24: {  	s3 =	sadd.s32 $0x88, s3;
	s6 =	simm.s32 @!p1 $0x1082;
	[sflag:s4] =	ssyncset.s32 $0xFFFFF086  }
0x25: {  	[simem:s6], [sflag:s4] =	dma.local [hbm:s3], $0xF7A  }
0x26: {  	[smem:$0x3F91] =	sst s1;
	(tag) =	ssettag s2;
	_ =	strace s9  }
0x27: {  	s1 =	sld [smem:$0x3FA1]  }
0x28: {  	s2 =	sld [smem:$0x3FA2]  }
0x29: {  	s4 =	sld [smem:$0x3FA4]  }
0x2a: {  	p0 =	seq.s32 s5, $0x0;
	s5 =	sld [smem:$0x3FA5]  }
0x2b: {  	s6 =	sld [smem:$0x3FA6]  }
0x2c: {  	s7 =	sld [smem:$0x3FA7]  }
0x2d: {  	s3 =	simm.s32 $0x108;
	s8 =	sld [smem:$0x3FA8]  }
0x2e: {  	s3 =	simm.s32 @!p0 $0x1082;
	s9 =	sld [smem:$0x3FA9]  }
0x2f: {  	lr =	sadd.s32 s0, s3;
	s0 =	sld [smem:$0x3FA0]  }
0x30: {  	s3 =	sld [smem:$0x3FA3]  }
0x31: {  	[smem:$0x3FAC] =	sst s10  }
0x32: {  	s10 =	sld [smem:$0x3FAA];
	_ =	sdelay $0x3  }
0x33: {  	p0 =	seq.s32 s10, $0x1;
	s10 =	sld [smem:$0x3FAC];
	_ =	sdelay $0x3  }
0x34: {  	[smem:$0x3FAC] =	sst s10  }
0x35: {  	s10 =	sld [smem:$0x3FAB];
	_ =	sdelay $0x3  }
0x36: {  	p1 =	seq.s32 s10, $0x1;
	s10 =	sld [smem:$0x3FAC];
	_ =	sdelay $0x3  }
0x37: {  	[smem:$0x3FAC] =	sst s10  }
0x38: {  	s10 =	sld [smem:$0x3FAD]  }
0x39: {  	_ = 	snop;
	(pc) =	sbr.ind lr, $3  }
0x3a: {  	_ = 	snop  }
0x3b: {  	_ = 	snop  }
0x3c: {  	p2 =	seq.s32 s10, $0x1;
	s10 =	sld [smem:$0x3FAC]  }
0x3d: {  	_ =	shalt  }
0x3e: {  	_ =	shalt  }
0x3f: {  	_ =	shalt  }
0x40: {  	_ =	shalt  }
0x41: {  	_ =	shalt  }
0x42: {  	_ =	shalt  }
0x43: {  	_ =	shalt  }
0x44: {  	_ =	shalt  }
0x45: {  	_ =	shalt  }
0x46: {  	_ =	shalt  }
0x47: {  	_ =	shalt  }
0x48: {  	_ =	shalt  }
0x49: {  	_ =	shalt  }
0x4a: {  	_ =	shalt  }
0x4b: {  	_ =	shalt  }
0x4c: {  	_ =	shalt  }
0x4d: {  	_ =	shalt  }
0x4e: {  	_ =	shalt  }
0x4f: {  	_ =	shalt  }
0x50: {  	_ =	shalt  }
0x51: {  	_ =	shalt  }
0x52: {  	_ =	shalt  }
0x53: {  	_ =	shalt  }
0x54: {  	_ =	shalt  }
0x55: {  	_ =	shalt  }
0x56: {  	_ =	shalt  }
0x57: {  	_ =	shalt  }
0x58: {  	_ =	shalt  }
0x59: {  	_ =	shalt  }
0x5a: {  	_ =	shalt  }
0x5b: {  	_ =	shalt  }
0x5c: {  	_ =	shalt  }
0x5d: {  	_ =	shalt  }
0x5e: {  	_ =	shalt  }
0x5f: {  	_ =	shalt  }
0x60: {  	_ =	shalt  }
0x61: {  	_ =	shalt  }
0x62: {  	_ =	shalt  }
0x63: {  	_ =	shalt  }
0x64: {  	_ =	shalt  }
0x65: {  	_ =	shalt  }
0x66: {  	_ =	shalt  }
0x67: {  	_ =	shalt  }
0x68: {  	_ =	shalt  }
0x69: {  	_ =	shalt  }
0x6a: {  	_ =	shalt  }
0x6b: {  	_ =	shalt  }
0x6c: {  	_ =	shalt  }
0x6d: {  	_ =	shalt  }
0x6e: {  	_ =	shalt  }
0x6f: {  	_ =	shalt  }
0x70: {  	_ =	shalt  }
0x71: {  	_ =	shalt  }
0x72: {  	_ =	shalt  }
0x73: {  	_ =	shalt  }
0x74: {  	_ =	shalt  }
0x75: {  	_ =	shalt  }
0x76: {  	_ =	shalt  }
0x77: {  	_ =	shalt  }
0x78: {  	_ =	shalt  }
0x79: {  	_ =	shalt  }
0x7a: {  	_ =	shalt  }
0x7b: {  	_ =	shalt  }
0x7c: {  	_ =	shalt  }
0x7d: {  	_ =	shalt  }
0x7e: {  	_ =	shalt  }
0x7f: {  	_ =	shalt  }
0x80: {  	_ =	shalt  }
0x81: {  	_ =	shalt  }
0x82: {  	_ =	shalt  }
0x83: {  	_ =	shalt  }
0x84: {  	_ =	shalt  }
0x85: {  	_ =	shalt  }
0x86: {  	_ =	shalt  }
0x87: {  	_ =	shalt  }
.Lfunc_end0:
.L_simem_size_0:
called_computation.2_lowered:
.L_overlay_start_0:
0x88: {  	s2 =	sld [smem:$0x3FD9]  }
0x89: {  	s3 =	sld [smem:$0x3FFE];
	_ =	sdelay $0x1  }
0x8a: {  	s1 =	srdreg.scid  }
0x8b: {  	s0 =	sand.u32 $0x1, s1  }
0x8c: {  	s16 =	sshll.u32 s0, $0xA;
	s2 =	sadd.s32 s3, s2  }
0x8d: {  	s2 =	sadd.s32 s2, s16  }
0x8e: {  	[smem:$0x3FB8] =	sst s2  }
0x8f: {  	_ = 	snop  }
0x90: {  	(tm) =	ssettm $0x1  }
0x91: {  	s17 =	sld [smem:$0x3FFB];
	_ =	sdelay $0x3  }
0x92: {  	_ =	strace s17  }
0x93: {  	s2 =	sld [smem:$0x3FFC];
	_ =	sdelay $0x3  }
0x94: {  	_ =	strace s2  }
0x95: {  	s2 =	sld [smem:$0x3FFD];
	_ =	sdelay $0x3  }
0x96: {  	_ =	strace s2  }
0x97: {  	_ =	strace $0x8FFFFFFF  }
0x98: {  	s18 =	sld [smem:$0x3FDB];
	_ =	sdelay $0x1  }
0x99: {  	s19 =	simm.s32 $_scs_section_size  }
0x9a: {  	s4 =	simm.s32 $_size__tile_overlayer_lowered;
	s5 =	simm.s32 $_tile_overlayer_lowered  }
0x9b: {  	s22 =	simm.s32 $0x1BFF;
	s21 =	sshll.u32 s5, $0x1;
	s2 =	sadd.s32 s19, s18  }
0x9c: {  	s6 =	simm.s32 $0x0;
	s20 =	sshll.u32 s4, $0x1;
	s4 =	sadd.s32 s21, s2  }
0x9d: {  	[timem:s6], [sflag:s22] =	dma.local [hbm:s4], s20  }
0x9e: {  	_ =	swait.ge [sflag:s22], s20  }
0x9f: {  	s3 =	ssub.s32 $0x0, s20;
	[sflag:s22] =	ssyncset.done $0x0  }
0xa0: {  	[sflag:s22] =	ssyncadd.s32 s3;
	_ =	sdelay $0x1  }
0xa1: {  	s23 =	simm.s32 $0x1B8B  }
0xa2: {  	_ =	swait.ge [sflag:s23], $0x1  }
0xa3: {  	[sflag:s23] =	ssyncset.done $0x0  }
0xa4: {  	s25 =	simm.s32 $0x1B8E;
	s24 =	sld [smem:$0x3FFE];
	[sflag:s23] =	ssyncadd.s32 $0xFFFFFFFF  }
0xa5: {  	s26 =	simm.s32 $execute0_lowered;
	[smem:$0x3FD2] =	sst s25  }
0xa6: {  	s4 =	sshll.u32 s26, $0x1;
	_ =	strace $0x8000004C;
	[dreg:$0x1] =	wrdreg $0xFFFFFFFF  }
0xa7: {  	s28 =	simm.s32 $_size_execute0_lowered;
	s2 =	sadd.s32 s2, s4;
	[dreg:$0x0] =	wrdreg $0x0  }
0xa8: {  	s4 =	sshll.u32 s28, $0x1;
	[dreg:$0x2] =	wrdreg s2  }
0xa9: {  	[dreg:$0x3] =	wrdreg s4  }
0xaa: {  	[dreg:$0x4] =	wrdreg $0xC0  }
0xab: {  	_ =	task [dreg:s6], $0x5FFFF  }
0xac: {  	[dreg:$0x1] =	wrdreg $0xFFFFFFFF  }
0xad: {  	[dreg:$0x0] =	wrdreg $0x60  }
0xae: {  	[dreg:$0x2] =	wrdreg s24  }
0xaf: {  	[dreg:$0x3] =	wrdreg $0xBB000  }
0xb0: {  	[dreg:$0x4] =	wrdreg $0x9  }
0xb1: {  	_ =	task.clear_ibuf [dreg:s6], $0x5FFFF;
	_ =	strace $0x9000004C  }
0xb2: {  	s29 =	simm.s32 $0x9;
	_ =	strace $0x8000004E  }
0xb3: {  	_ =	swait.ge [sflag:s29], $0x1  }
0xb4: {  	[sflag:s29] =	ssyncadd.s32 $0xFFFFFFFF  }
0xb5: {  	_ =	strace $0x9000004E  }
0xb6: {  	_ =	sfence  }
0xb7: {  	s30 =	sld [smem:$0x0];
	_ =	sdelay $0x2  }
0xb8: {  	s31 =	sshll.u32 s1, $0xD;
	s1 =	sshrl.u32 s1, $0x2  }
0xb9: {  	s3 =	sand.u32 $0x4000, s31;
	s1 =	sadd.s32 s1, s30  }
0xba: {  	s0 =	sor.u32 s3, s0;
	s1 =	sshll.u32 s1, $0x11  }
0xbb: {  	s0 =	sor.u32 s1, s0  }
0xbc: {  	s0 =	sadd.s32 $0x8F2B, s0  }
0xbd: {  	[sflag:s0] =	ssyncadd.remote.s32 $0x1  }
0xbe: {  	_ =	sfence.sel $0xFFFF  }
0xbf: {  	[dreg:$0x0] =	wrdreg $0xFFFFFFFF;
	(pc) =	sbr.abs _section_cstart, $3  }
0xc0: {  	[dreg:$0x1] =	wrdreg $0xFFFFFFFF  }
0xc1: {  	_ =	task.clear_ibuf [dreg:s6], $0x2FFFF;
	_ =	strace $0x9FFFFFFF  }
0xc2: {  	(tm) =	ssettm $0x7FFFFFFF  }
0xc3: {  	_ =	shalt  }
tec
execute0_lowered:
.L_overlay_start_1:
0x0: {  	(tag) =	ssettag $0x1  }
0x1: {  	s0 =	srdreg.scid  }
0x2: {  	s5 =	stileid.u32;
	s1 =	rddreg [dreg:$0x0]  }
0x3: {  	s2 =	rddreg [dreg:$0x1];
	s0 =	sand.u32 $0x1, s0;
	s3 =	sshll.u32 s5, $0x1  }
0x4: {  	s5 =	smul.u32 $0x280, s5;
	s10 =	sadd.s32 $0x3E600, s1;
	s4 =	sor.u32 s0, s3  }
0x5: {  	s3 =	simm.s32 $0x0;
	s7 =	smul.u32 $0x138800, s0;
	s0 =	ssub.s32 $0x2, s0  }
0x6: {  	s6 =	smul.u32 $0x4E2, s4;
	[smem:$0x7FF] =	sst s3;
	s5 =	smin.u32 s5, $0x2490  }
0x7: {  	s4 =	sadd.s32 $0x17400, s1;
	s11 =	sshrl.u32 s0, $0x1;
	_ =	strace $0x8000004D  }
0x8: {  	s5 =	sshll.u32 s5, $0x7;
	[dreg:$0x3] =	wrdreg s10;
	s0 =	ssub.s32 s0, s11  }
0x9: {  	s8 =	sadd.s32 s6, s1;
	s9 =	sadd.s32 s7, s5;
	s0 =	smax.u32 s0, $0x1  }
0xa: {  	s6 =	sshrl.u32 s9, $0x3;
	s12 =	sadd.s32 $0xD600, s8;
	[dreg:$0x7] =	wrdreg s0  }
0xb: {  	s13 =	sadd.s32 $0x3800, s8;
	s1 =	sadd.s32 s6, s1;
	[dreg:$0x4] =	wrdreg s12  }
0xc: {  	s6 =	sadd.s32 s5, s2;
	[dreg:$0x5] =	wrdreg s13;
	s1 =	sadd.s32 $0x3E800, s1  }
0xd: {  	s14 =	sadd.s32 $0x800, s6;
	[dreg:$0x6] =	wrdreg s1  }
0xe: {  	s15 =	sadd.s32 $0x1000, s6;
	[dreg:$0x8] =	wrdreg s14  }
0xf: {  	s16 =	sadd.s32 $0x1800, s6;
	[dreg:$0x9] =	wrdreg s15  }
0x10: {  	s17 =	sadd.s32 $0x2000, s6;
	[dreg:$0xa] =	wrdreg s16  }
0x11: {  	s18 =	sadd.s32 $0x2800, s6;
	[dreg:$0xb] =	wrdreg s17  }
0x12: {  	s19 =	sadd.s32 $0x3000, s6;
	[dreg:$0xc] =	wrdreg s18  }
0x13: {  	s20 =	sadd.s32 $0x3800, s6;
	[dreg:$0xd] =	wrdreg s19  }
0x14: {  	s21 =	sadd.s32 $0x4000, s6;
	[dreg:$0xe] =	wrdreg s20  }
0x15: {  	s22 =	sadd.s32 $0x4800, s6;
	[dreg:$0xf] =	wrdreg s21  }
0x16: {  	s23 =	sadd.s32 $0x5000, s6;
	[dreg:$0x10] =	wrdreg s22  }
0x17: {  	s24 =	sadd.s32 $0x5800, s6;
	[dreg:$0x11] =	wrdreg s23  }
0x18: {  	s25 =	sadd.s32 $0x6000, s6;
	[dreg:$0x12] =	wrdreg s24  }
0x19: {  	s26 =	sadd.s32 $0x6800, s6;
	[dreg:$0x13] =	wrdreg s25  }
0x1a: {  	s5 =	sadd.s32 $0x7800, s6;
	[dreg:$0x14] =	wrdreg s26  }
0x1b: {  	s7 =	sadd.s32 $0x8000, s6;
	[dreg:$0x16] =	wrdreg s5  }
0x1c: {  	s8 =	sadd.s32 $0x8800, s6;
	[dreg:$0x17] =	wrdreg s7  }
0x1d: {  	s9 =	sadd.s32 $0x9000, s6;
	[dreg:$0x18] =	wrdreg s8  }
0x1e: {  	s10 =	sadd.s32 $0x9800, s6;
	[dreg:$0x19] =	wrdreg s9  }
0x1f: {  	s11 =	sadd.s32 $0xA000, s6;
	[dreg:$0x1a] =	wrdreg s10  }
0x20: {  	s12 =	sadd.s32 $0xA800, s6;
	[dreg:$0x1b] =	wrdreg s11  }
0x21: {  	s13 =	sadd.s32 $0xB000, s6;
	[dreg:$0x1c] =	wrdreg s12  }
0x22: {  	s1 =	sadd.s32 $0x7000, s6;
	[dreg:$0x1d] =	wrdreg s13  }
0x23: {  	s28 =	simm.s32 $0x7700;
	s14 =	sadd.s32 $0xB800, s6;
	[dreg:$0x15] =	wrdreg s1  }
0x24: {  	s29 =	simm.s32 $0x8B00;
	s15 =	sadd.s32 $0xC000, s6;
	[dreg:$0x1e] =	wrdreg s14  }
0x25: {  	s30 =	simm.s32 $0x9F00;
	s16 =	sadd.s32 $0xC800, s6;
	[dreg:$0x1f] =	wrdreg s15  }
0x26: {  	s31 =	simm.s32 $0xB;
	s17 =	sadd.s32 $0xD000, s6;
	[smem:$0x7F3] =	sst s16  }
0x27: {  	s0 =	simm.s32 $0x28;
	s18 =	sadd.s32 $0xD800, s6;
	[smem:$0x7F4] =	sst s17  }
0x28: {  	s19 =	sadd.s32 $0xE000, s6;
	s20 =	sadd.s32 $0xE800, s6;
	[smem:$0x7F5] =	sst s18  }
0x29: {  	s21 =	sadd.s32 $0xF000, s6;
	s22 =	sadd.s32 $0xF800, s6;
	[smem:$0x7F6] =	sst s19  }
0x2a: {  	s23 =	sadd.s32 $0x10000, s6;
	s24 =	sadd.s32 $0x10800, s6;
	[smem:$0x7F7] =	sst s20  }
0x2b: {  	s25 =	sadd.s32 $0x11000, s6;
	s26 =	sadd.s32 $0x11800, s6;
	[smem:$0x7F8] =	sst s21  }
0x2c: {  	s5 =	simm.s32 $0x2;
	s7 =	simm.s32 $0x3;
	[smem:$0x7F9] =	sst s22  }
0x2d: {  	s8 =	simm.s32 $0x4;
	s9 =	simm.s32 $0x5;
	[smem:$0x7FA] =	sst s23  }
0x2e: {  	s10 =	simm.s32 $0x6;
	s11 =	simm.s32 $0x7;
	[smem:$0x7FB] =	sst s24  }
0x2f: {  	s12 =	simm.s32 $0x8;
	s13 =	simm.s32 $0x9;
	[smem:$0x7FC] =	sst s25  }
0x30: {  	[smem:$0x7FD] =	sst s26;
	s19 =	sadd.s32 $0x12000, s6;
	s20 =	sadd.s32 $0x12800, s6  }
0x31: {  	s21 =	sadd.s32 $0x13000, s6;
	s22 =	sadd.s32 $0x13800, s6;
	s23 =	simm.s32 $0xB300  }
0x32: {  	s24 =	simm.s32 $0xC;
	s25 =	simm.s32 $0x4F00;
	s26 =	simm.s32 $0x6300  }
0x33: {  	s1 =	simm.s32 $0x1;
	s14 =	simm.s32 $0xA;
	s15 =	simm.s32 $0x0  }
.LBB2_1:
0x34: {  	s16 =	rddreg [dreg:$0x3]  }
0x35: {  	[tilespmem:s23], [sflag:$0xC] =	stream.linear.gather [hbm4b:s16+s3], $0x800, $0x38;
	[tilespmem:$0x1F380] =	vst v63  }
0x36: {  	_ =	swait.ge [sflag:s24], $0x800  }
0x37: {  	[sflag:s24] =	ssyncset.done $0x0  }
0x38: {  	s18 =	rddreg [dreg:$0x8];
	[sflag:s24] =	ssyncadd.s32 $0xFFFFF800  }
0x39: {  	[spmem:s6] =	stream.linear.scatter [tilespmem:s23], [sflag:$0xB], $0x800, $0x38;
	[tilespmem:$0x1F380] =	vst v63  }
0x3a: {  	s17 =	rddreg [dreg:$0x9]  }
0x3b: {  	[spmem:s18] =	stream.linear.scatter [tilespmem:s23], [sflag:$0xB], $0x800, $0x38;
	[tilespmem:$0x1F380] =	vst v63  }
0x3c: {  	s18 =	rddreg [dreg:$0xa]  }
0x3d: {  	[spmem:s17] =	stream.linear.scatter [tilespmem:s23], [sflag:$0xB], $0x800, $0x38;
	[tilespmem:$0x1F380] =	vst v63  }
0x3e: {  	s17 =	rddreg [dreg:$0xb]  }
0x3f: {  	[spmem:s18] =	stream.linear.scatter [tilespmem:s23], [sflag:$0xB], $0x800, $0x38;
	[tilespmem:$0x1F380] =	vst v63  }
0x40: {  	s18 =	rddreg [dreg:$0xc]  }
0x41: {  	[spmem:s17] =	stream.linear.scatter [tilespmem:s23], [sflag:$0xB], $0x800, $0x38;
	[tilespmem:$0x1F380] =	vst v63  }
0x42: {  	s17 =	rddreg [dreg:$0xd]  }
0x43: {  	[spmem:s18] =	stream.linear.scatter [tilespmem:s23], [sflag:$0xB], $0x800, $0x38;
	[tilespmem:$0x1F380] =	vst v63  }
0x44: {  	s18 =	rddreg [dreg:$0xe]  }
0x45: {  	[spmem:s17] =	stream.linear.scatter [tilespmem:s23], [sflag:$0xB], $0x800, $0x38;
	[tilespmem:$0x1F380] =	vst v63  }
0x46: {  	s17 =	rddreg [dreg:$0xf]  }
0x47: {  	[spmem:s18] =	stream.linear.scatter [tilespmem:s23], [sflag:$0xB], $0x800, $0x38;
	[tilespmem:$0x1F380] =	vst v63  }
0x48: {  	s18 =	rddreg [dreg:$0x10]  }
0x49: {  	[spmem:s17] =	stream.linear.scatter [tilespmem:s23], [sflag:$0xB], $0x800, $0x38;
	[tilespmem:$0x1F380] =	vst v63  }
0x4a: {  	s17 =	rddreg [dreg:$0x11]  }
0x4b: {  	[spmem:s18] =	stream.linear.scatter [tilespmem:s23], [sflag:$0xB], $0x800, $0x38;
	[tilespmem:$0x1F380] =	vst v63  }
0x4c: {  	s18 =	rddreg [dreg:$0x12]  }
0x4d: {  	[spmem:s17] =	stream.linear.scatter [tilespmem:s23], [sflag:$0xB], $0x800, $0x38;
	[tilespmem:$0x1F380] =	vst v63  }
0x4e: {  	s17 =	rddreg [dreg:$0x13]  }
0x4f: {  	[spmem:s18] =	stream.linear.scatter [tilespmem:s23], [sflag:$0xB], $0x800, $0x38;
	[tilespmem:$0x1F380] =	vst v63  }
0x50: {  	s18 =	rddreg [dreg:$0x14]  }
0x51: {  	[spmem:s17] =	stream.linear.scatter [tilespmem:s23], [sflag:$0xB], $0x800, $0x38;
	[tilespmem:$0x1F380] =	vst v63  }
0x52: {  	s17 =	rddreg [dreg:$0x15]  }
0x53: {  	[spmem:s18] =	stream.linear.scatter [tilespmem:s23], [sflag:$0xB], $0x800, $0x38;
	[tilespmem:$0x1F380] =	vst v63  }
0x54: {  	s18 =	rddreg [dreg:$0x16]  }
0x55: {  	[spmem:s17] =	stream.linear.scatter [tilespmem:s23], [sflag:$0xB], $0x800, $0x38;
	[tilespmem:$0x1F380] =	vst v63  }
0x56: {  	s17 =	rddreg [dreg:$0x17]  }
0x57: {  	[spmem:s18] =	stream.linear.scatter [tilespmem:s23], [sflag:$0xB], $0x800, $0x38;
	[tilespmem:$0x1F380] =	vst v63  }
0x58: {  	s18 =	rddreg [dreg:$0x18]  }
0x59: {  	[spmem:s17] =	stream.linear.scatter [tilespmem:s23], [sflag:$0xB], $0x800, $0x38;
	[tilespmem:$0x1F380] =	vst v63  }
0x5a: {  	s17 =	rddreg [dreg:$0x19]  }
0x5b: {  	[spmem:s18] =	stream.linear.scatter [tilespmem:s23], [sflag:$0xB], $0x800, $0x38;
	[tilespmem:$0x1F380] =	vst v63  }
0x5c: {  	s18 =	rddreg [dreg:$0x1a]  }
0x5d: {  	[spmem:s17] =	stream.linear.scatter [tilespmem:s23], [sflag:$0xB], $0x800, $0x38;
	[tilespmem:$0x1F380] =	vst v63  }
0x5e: {  	s17 =	rddreg [dreg:$0x1b]  }
0x5f: {  	[spmem:s18] =	stream.linear.scatter [tilespmem:s23], [sflag:$0xB], $0x800, $0x38;
	[tilespmem:$0x1F380] =	vst v63  }
0x60: {  	s18 =	rddreg [dreg:$0x1c]  }
0x61: {  	[spmem:s17] =	stream.linear.scatter [tilespmem:s23], [sflag:$0xB], $0x800, $0x38;
	[tilespmem:$0x1F380] =	vst v63  }
0x62: {  	s17 =	rddreg [dreg:$0x1d]  }
0x63: {  	[spmem:s18] =	stream.linear.scatter [tilespmem:s23], [sflag:$0xB], $0x800, $0x38;
	[tilespmem:$0x1F380] =	vst v63  }
0x64: {  	s18 =	rddreg [dreg:$0x1e]  }
0x65: {  	[spmem:s17] =	stream.linear.scatter [tilespmem:s23], [sflag:$0xB], $0x800, $0x38;
	[tilespmem:$0x1F380] =	vst v63  }
0x66: {  	s17 =	rddreg [dreg:$0x1f]  }
0x67: {  	[spmem:s18] =	stream.linear.scatter [tilespmem:s23], [sflag:$0xB], $0x800, $0x38;
	[tilespmem:$0x1F380] =	vst v63  }
0x68: {  	s18 =	sld [smem:$0x7F3]  }
0x69: {  	[spmem:s17] =	stream.linear.scatter [tilespmem:s23], [sflag:$0xB], $0x800, $0x38;
	[tilespmem:$0x1F380] =	vst v63  }
0x6a: {  	s17 =	sld [smem:$0x7F4]  }
0x6b: {  	[spmem:s18] =	stream.linear.scatter [tilespmem:s23], [sflag:$0xB], $0x800, $0x38;
	[tilespmem:$0x1F380] =	vst v63  }
0x6c: {  	s18 =	sld [smem:$0x7F5]  }
0x6d: {  	[spmem:s17] =	stream.linear.scatter [tilespmem:s23], [sflag:$0xB], $0x800, $0x38;
	[tilespmem:$0x1F380] =	vst v63  }
0x6e: {  	s17 =	sld [smem:$0x7F6]  }
0x6f: {  	[spmem:s18] =	stream.linear.scatter [tilespmem:s23], [sflag:$0xB], $0x800, $0x38;
	[tilespmem:$0x1F380] =	vst v63  }
0x70: {  	s18 =	sld [smem:$0x7F7]  }
0x71: {  	[spmem:s17] =	stream.linear.scatter [tilespmem:s23], [sflag:$0xB], $0x800, $0x38;
	[tilespmem:$0x1F380] =	vst v63  }
0x72: {  	s17 =	sld [smem:$0x7F8]  }
0x73: {  	[spmem:s18] =	stream.linear.scatter [tilespmem:s23], [sflag:$0xB], $0x800, $0x38;
	[tilespmem:$0x1F380] =	vst v63  }
0x74: {  	s18 =	sld [smem:$0x7F9]  }
0x75: {  	[spmem:s17] =	stream.linear.scatter [tilespmem:s23], [sflag:$0xB], $0x800, $0x38;
	[tilespmem:$0x1F380] =	vst v63  }
0x76: {  	s17 =	sld [smem:$0x7FA]  }
0x77: {  	[spmem:s18] =	stream.linear.scatter [tilespmem:s23], [sflag:$0xB], $0x800, $0x38;
	[tilespmem:$0x1F380] =	vst v63  }
0x78: {  	s18 =	sld [smem:$0x7FB]  }
0x79: {  	[spmem:s17] =	stream.linear.scatter [tilespmem:s23], [sflag:$0xB], $0x800, $0x38;
	[tilespmem:$0x1F380] =	vst v63  }
0x7a: {  	s17 =	sld [smem:$0x7FC]  }
0x7b: {  	[spmem:s18] =	stream.linear.scatter [tilespmem:s23], [sflag:$0xB], $0x800, $0x38;
	[tilespmem:$0x1F380] =	vst v63  }
0x7c: {  	s18 =	sld [smem:$0x7FD]  }
0x7d: {  	[spmem:s17] =	stream.linear.scatter [tilespmem:s23], [sflag:$0xB], $0x800, $0x38;
	[tilespmem:$0x1F380] =	vst v63  }
0x7e: {  	_ = 	snop  }
0x7f: {  	[spmem:s18] =	stream.linear.scatter [tilespmem:s23], [sflag:$0xB], $0x800, $0x38;
	[tilespmem:$0x1F380] =	vst v63  }
0x80: {  	_ = 	snop  }
0x81: {  	[spmem:s19] =	stream.linear.scatter [tilespmem:s23], [sflag:$0xB], $0x800, $0x38;
	[tilespmem:$0x1F380] =	vst v63  }
0x82: {  	_ = 	snop  }
0x83: {  	[spmem:s20] =	stream.linear.scatter [tilespmem:s23], [sflag:$0xB], $0x800, $0x38;
	[tilespmem:$0x1F380] =	vst v63  }
0x84: {  	_ = 	snop  }
0x85: {  	[spmem:s21] =	stream.linear.scatter [tilespmem:s23], [sflag:$0xB], $0x800, $0x38;
	[tilespmem:$0x1F380] =	vst v63  }
0x86: {  	_ = 	snop  }
0x87: {  	[spmem:s22] =	stream.linear.scatter [tilespmem:s23], [sflag:$0xB], $0x800, $0x38;
	[tilespmem:$0x1F380] =	vst v63  }
0x88: {  	s17 =	rddreg [dreg:$0x4]  }
0x89: {  	[tilespmem:s3], [sflag:$0xC] =	stream.linear.gather [hbm4b:s17+s3], $0x2710, $0x38;
	[tilespmem:$0x1F380] =	vst v63  }
0x8a: {  	_ =	swait.ge [sflag:s24], $0x2710  }
0x8b: {  	[sflag:s24] =	ssyncset.done $0x0  }
0x8c: {  	s17 =	simm.s32 $0x2780;
	s18 =	rddreg [dreg:$0x5];
	[sflag:s24] =	ssyncadd.s32 $0xFFFFD8F0  }
0x8d: {  	[tilespmem:s17], [sflag:$0xC] =	stream.linear.gather [hbm4b:s18+s3], $0x2710, $0x38;
	[tilespmem:$0x1F380] =	vst v63  }
0x8e: {  	_ =	swait.ge [sflag:s24], $0x2710  }
0x8f: {  	[sflag:s24] =	ssyncset.done $0x0  }
0x90: {  	[sflag:s24] =	ssyncadd.s32 $0xFFFFD8F0  }
0x91: {  	[tilespmem:s25], [sflag:$0x1] =	stream.indirect.gather [hbm4b:s4+s0], $0x80, s3, s0, $0xb8;
	[tilespmem:$0x1F380] =	vst v63  }
0x92: {  	_ = 	snop  }
0x93: {  	[tilespmem:s26], [sflag:$0x2] =	stream.indirect.gather [hbm4b:s4+s0], $0x80, s0, s0, $0xb8;
	[tilespmem:$0x1F380] =	vst v63  }
0x94: {  	s18 =	simm.s32 $0x50  }
0x95: {  	[tilespmem:s28], [sflag:$0x3] =	stream.indirect.gather [hbm4b:s4+s0], $0x80, s18, s0, $0xb8;
	[tilespmem:$0x1F380] =	vst v63  }
0x96: {  	s17 =	simm.s32 $0x78  }
0x97: {  	[tilespmem:s29], [sflag:$0x4] =	stream.indirect.gather [hbm4b:s4+s0], $0x80, s17, s0, $0xb8;
	[tilespmem:$0x1F380] =	vst v63  }
0x98: {  	s18 =	simm.s32 $0xA0  }
0x99: {  	[tilespmem:s30], [sflag:$0x5] =	stream.indirect.gather [hbm4b:s4+s0], $0x80, s18, s0, $0xb8;
	[tilespmem:$0x1F380] =	vst v63  }
0x9a: {  	_ =	swait.ge [sflag:s31], $0x800  }
0x9b: {  	s16 =	simm.s32 $0x27;
	[sflag:s31] =	ssyncset.done $0x0  }
.LBB2_2:
0x9c: {  	p0 =	sne.s32 s16, $0x1;
	s16 =	sadd.s32 $0xFFFFFFFF, s16;
	[sflag:s31] =	ssyncadd.s32 $0xFFFFF800  }
.Ltmp0:
0x9d: {  	(pc) =	sbr.rel @p0 .LBB2_2-.Ltmp0, $3  }
0x9e: {  	_ =	sdelay $0x1  }
0x9f: {  	_ =	swait.ge [sflag:s31], $0x800  }
0xa0: {  	[sflag:s31] =	ssyncset.done $0x0  }
0xa1: {  	[sflag:s31] =	ssyncadd.s32 $0xFFFFF800  }
0xa2: {  	[bflag:$0x0] =	sbarrier.arrive $0xFFFF  }
0xa3: {  	_ =	swait.ge [sflag:s1], $0x1400  }
0xa4: {  	[sflag:s1] =	ssyncset.done $0x0  }
0xa5: {  	s16 =	simm.s32 $0x2780;
	[sflag:s1] =	ssyncadd.s32 $0xFFFFEC00  }
0xa6: {  	[spmem:s2] =	stream.indirect.scatter.add.f32 [tilespmem:s25], [sflag:$0x6], $0x80, s16, s0, $0xb8;
	[tilespmem:$0x1F380] =	vst v63  }
0xa7: {  	_ =	swait.ge [sflag:s5], $0x1400  }
0xa8: {  	[sflag:s5] =	ssyncset.done $0x0  }
0xa9: {  	s17 =	simm.s32 $0x27A8;
	[sflag:s5] =	ssyncadd.s32 $0xFFFFEC00  }
0xaa: {  	[spmem:s2] =	stream.indirect.scatter.add.f32 [tilespmem:s26], [sflag:$0x7], $0x80, s17, s0, $0xb8;
	[tilespmem:$0x1F380] =	vst v63  }
0xab: {  	_ =	swait.ge [sflag:s7], $0x1400  }
0xac: {  	[sflag:s7] =	ssyncset.done $0x0  }
0xad: {  	s18 =	simm.s32 $0x27D0;
	[sflag:s7] =	ssyncadd.s32 $0xFFFFEC00  }
0xae: {  	[spmem:s2] =	stream.indirect.scatter.add.f32 [tilespmem:s28], [sflag:$0x8], $0x80, s18, s0, $0xb8;
	[tilespmem:$0x1F380] =	vst v63  }
0xaf: {  	_ =	swait.ge [sflag:s8], $0x1400  }
0xb0: {  	[sflag:s8] =	ssyncset.done $0x0  }
0xb1: {  	s17 =	simm.s32 $0x27F8;
	[sflag:s8] =	ssyncadd.s32 $0xFFFFEC00  }
0xb2: {  	[spmem:s2] =	stream.indirect.scatter.add.f32 [tilespmem:s29], [sflag:$0x9], $0x80, s17, s0, $0xb8;
	[tilespmem:$0x1F380] =	vst v63  }
0xb3: {  	_ =	swait.ge [sflag:s9], $0x1400  }
0xb4: {  	[sflag:s9] =	ssyncset.done $0x0  }
0xb5: {  	s18 =	simm.s32 $0x2820;
	[sflag:s9] =	ssyncadd.s32 $0xFFFFEC00  }
0xb6: {  	[spmem:s2] =	stream.indirect.scatter.add.f32 [tilespmem:s30], [sflag:$0xA], $0x80, s18, s0, $0xb8;
	[tilespmem:$0x1F380] =	vst v63  }
0xb7: {  	_ =	swait.ge [sflag:s10], $0x1400  }
0xb8: {  	[sflag:s10] =	ssyncset.done $0x0  }
0xb9: {  	s17 =	simm.s32 $0xC8;
	[sflag:s10] =	ssyncadd.s32 $0xFFFFEC00  }
0xba: {  	[tilespmem:s25], [sflag:$0x1] =	stream.indirect.gather [hbm4b:s4+s0], $0x80, s17, s0, $0xb8;
	[tilespmem:$0x1F380] =	vst v63  }
0xbb: {  	_ =	swait.ge [sflag:s11], $0x1400  }
0xbc: {  	[sflag:s11] =	ssyncset.done $0x0  }
0xbd: {  	s18 =	simm.s32 $0xF0;
	[sflag:s11] =	ssyncadd.s32 $0xFFFFEC00  }
0xbe: {  	[tilespmem:s26], [sflag:$0x2] =	stream.indirect.gather [hbm4b:s4+s0], $0x80, s18, s0, $0xb8;
	[tilespmem:$0x1F380] =	vst v63  }
0xbf: {  	_ =	swait.ge [sflag:s12], $0x1400  }
0xc0: {  	[sflag:s12] =	ssyncset.done $0x0  }
0xc1: {  	s17 =	simm.s32 $0x118;
	[sflag:s12] =	ssyncadd.s32 $0xFFFFEC00  }
0xc2: {  	[tilespmem:s28], [sflag:$0x3] =	stream.indirect.gather [hbm4b:s4+s0], $0x80, s17, s0, $0xb8;
	[tilespmem:$0x1F380] =	vst v63  }
0xc3: {  	_ =	swait.ge [sflag:s13], $0x1400  }
0xc4: {  	[sflag:s13] =	ssyncset.done $0x0  }
0xc5: {  	s18 =	simm.s32 $0x140;
	[sflag:s13] =	ssyncadd.s32 $0xFFFFEC00  }
0xc6: {  	[tilespmem:s29], [sflag:$0x4] =	stream.indirect.gather [hbm4b:s4+s0], $0x80, s18, s0, $0xb8;
	[tilespmem:$0x1F380] =	vst v63  }
0xc7: {  	_ =	swait.ge [sflag:s14], $0x1400  }
0xc8: {  	[sflag:s14] =	ssyncset.done $0x0  }
0xc9: {  	s16 =	simm.s32 $0x320;
	s17 =	simm.s32 $0x168;
	[sflag:s14] =	ssyncadd.s32 $0xFFFFEC00  }
.LBB2_4:
0xca: {  	[tilespmem:s30], [sflag:$0x5] =	stream.indirect.gather [hbm4b:s4+s0], $0x80, s17, s0, $0xb8;
	[tilespmem:$0x1F380] =	vst v63  }
0xcb: {  	s17 =	smov.u32 s16  }
0xcc: {  	p0 =	sne.s32 s16, $0x9600;
	s16 =	sadd.s32 $0x320, s16;
	_ =	swait.ge [sflag:s1], $0x1400  }
0xcd: {  	s17 =	sshra.s32 s17, $0x2;
	[sflag:s1] =	ssyncset.done $0x0  }
0xce: {  	s18 =	sadd.s32 $0x2780, s17;
	[sflag:s1] =	ssyncadd.s32 $0xFFFFEC00  }
0xcf: {  	[spmem:s2] =	stream.indirect.scatter.add.f32 [tilespmem:s25], [sflag:$0x6], $0x80, s18, s0, $0xb8;
	[tilespmem:$0x1F380] =	vst v63  }
0xd0: {  	_ =	swait.ge [sflag:s5], $0x1400  }
0xd1: {  	[sflag:s5] =	ssyncset.done $0x0  }
0xd2: {  	s18 =	sadd.s32 $0x27A8, s17;
	[sflag:s5] =	ssyncadd.s32 $0xFFFFEC00  }
0xd3: {  	[spmem:s2] =	stream.indirect.scatter.add.f32 [tilespmem:s26], [sflag:$0x7], $0x80, s18, s0, $0xb8;
	[tilespmem:$0x1F380] =	vst v63  }
0xd4: {  	_ =	swait.ge [sflag:s7], $0x1400  }
0xd5: {  	[sflag:s7] =	ssyncset.done $0x0  }
0xd6: {  	s18 =	sadd.s32 $0x27D0, s17;
	[sflag:s7] =	ssyncadd.s32 $0xFFFFEC00  }
0xd7: {  	[spmem:s2] =	stream.indirect.scatter.add.f32 [tilespmem:s28], [sflag:$0x8], $0x80, s18, s0, $0xb8;
	[tilespmem:$0x1F380] =	vst v63  }
0xd8: {  	_ =	swait.ge [sflag:s8], $0x1400  }
0xd9: {  	[sflag:s8] =	ssyncset.done $0x0  }
0xda: {  	s18 =	sadd.s32 $0x27F8, s17;
	[sflag:s8] =	ssyncadd.s32 $0xFFFFEC00  }
0xdb: {  	[spmem:s2] =	stream.indirect.scatter.add.f32 [tilespmem:s29], [sflag:$0x9], $0x80, s18, s0, $0xb8;
	[tilespmem:$0x1F380] =	vst v63  }
0xdc: {  	_ =	swait.ge [sflag:s9], $0x1400  }
0xdd: {  	[sflag:s9] =	ssyncset.done $0x0  }
0xde: {  	s18 =	sadd.s32 $0x2820, s17;
	[sflag:s9] =	ssyncadd.s32 $0xFFFFEC00  }
0xdf: {  	[spmem:s2] =	stream.indirect.scatter.add.f32 [tilespmem:s30], [sflag:$0xA], $0x80, s18, s0, $0xb8;
	[tilespmem:$0x1F380] =	vst v63  }
0xe0: {  	_ =	swait.ge [sflag:s10], $0x1400  }
0xe1: {  	[sflag:s10] =	ssyncset.done $0x0  }
0xe2: {  	s18 =	sadd.s32 $0xC8, s17;
	[sflag:s10] =	ssyncadd.s32 $0xFFFFEC00  }
0xe3: {  	[tilespmem:s25], [sflag:$0x1] =	stream.indirect.gather [hbm4b:s4+s0], $0x80, s18, s0, $0xb8;
	[tilespmem:$0x1F380] =	vst v63  }
0xe4: {  	_ =	swait.ge [sflag:s11], $0x1400  }
0xe5: {  	[sflag:s11] =	ssyncset.done $0x0  }
0xe6: {  	s18 =	sadd.s32 $0xF0, s17;
	[sflag:s11] =	ssyncadd.s32 $0xFFFFEC00  }
0xe7: {  	[tilespmem:s26], [sflag:$0x2] =	stream.indirect.gather [hbm4b:s4+s0], $0x80, s18, s0, $0xb8;
	[tilespmem:$0x1F380] =	vst v63  }
0xe8: {  	_ =	swait.ge [sflag:s12], $0x1400  }
0xe9: {  	[sflag:s12] =	ssyncset.done $0x0  }
0xea: {  	s18 =	sadd.s32 $0x118, s17;
	[sflag:s12] =	ssyncadd.s32 $0xFFFFEC00  }
0xeb: {  	[tilespmem:s28], [sflag:$0x3] =	stream.indirect.gather [hbm4b:s4+s0], $0x80, s18, s0, $0xb8;
	[tilespmem:$0x1F380] =	vst v63  }
0xec: {  	_ =	swait.ge [sflag:s13], $0x1400  }
0xed: {  	[sflag:s13] =	ssyncset.done $0x0  }
.Ltmp1:
0xee: {  	s18 =	sadd.s32 $0x140, s17;
	[sflag:s13] =	ssyncadd.s32 $0xFFFFEC00;
	(pc) =	sbr.rel @p0 .LBB2_4-.Ltmp1, $4  }
0xef: {  	[tilespmem:s29], [sflag:$0x4] =	stream.indirect.gather [hbm4b:s4+s0], $0x80, s18, s0, $0xb8;
	[tilespmem:$0x1F380] =	vst v63  }
0xf0: {  	_ =	swait.ge [sflag:s14], $0x1400  }
0xf1: {  	[sflag:s14] =	ssyncset.done $0x0  }
0xf2: {  	s17 =	sadd.s32 $0x168, s17;
	[sflag:s14] =	ssyncadd.s32 $0xFFFFEC00  }
0xf3: {  	[tilespmem:s30], [sflag:$0x5] =	stream.indirect.gather [hbm4b:s4+s0], $0x80, s17, s0, $0xb8;
	[tilespmem:$0x1F380] =	vst v63  }
0xf4: {  	_ =	swait.ge [sflag:s1], $0x1400  }
0xf5: {  	[sflag:s1] =	ssyncset.done $0x0  }
0xf6: {  	s16 =	simm.s32 $0x4DC8;
	[sflag:s1] =	ssyncadd.s32 $0xFFFFEC00  }
0xf7: {  	[spmem:s2] =	stream.indirect.scatter.add.f32 [tilespmem:s25], [sflag:$0x6], $0x80, s16, s0, $0xb8;
	[tilespmem:$0x1F380] =	vst v63  }
0xf8: {  	_ =	swait.ge [sflag:s5], $0x1400  }
0xf9: {  	[sflag:s5] =	ssyncset.done $0x0  }
0xfa: {  	s17 =	simm.s32 $0x4DF0;
	[sflag:s5] =	ssyncadd.s32 $0xFFFFEC00  }
0xfb: {  	[spmem:s2] =	stream.indirect.scatter.add.f32 [tilespmem:s26], [sflag:$0x7], $0x80, s17, s0, $0xb8;
	[tilespmem:$0x1F380] =	vst v63  }
0xfc: {  	_ =	swait.ge [sflag:s7], $0x1400  }
0xfd: {  	[sflag:s7] =	ssyncset.done $0x0  }
0xfe: {  	s18 =	simm.s32 $0x4E18;
	[sflag:s7] =	ssyncadd.s32 $0xFFFFEC00  }
0xff: {  	[spmem:s2] =	stream.indirect.scatter.add.f32 [tilespmem:s28], [sflag:$0x8], $0x80, s18, s0, $0xb8;
	[tilespmem:$0x1F380] =	vst v63  }
0x100: {  	_ =	swait.ge [sflag:s8], $0x1400  }
0x101: {  	[sflag:s8] =	ssyncset.done $0x0  }
0x102: {  	s17 =	simm.s32 $0x4E40;
	[sflag:s8] =	ssyncadd.s32 $0xFFFFEC00  }
0x103: {  	[spmem:s2] =	stream.indirect.scatter.add.f32 [tilespmem:s29], [sflag:$0x9], $0x80, s17, s0, $0xb8;
	[tilespmem:$0x1F380] =	vst v63  }
0x104: {  	_ =	swait.ge [sflag:s9], $0x1400  }
0x105: {  	[sflag:s9] =	ssyncset.done $0x0  }
0x106: {  	s18 =	simm.s32 $0x4E68;
	[sflag:s9] =	ssyncadd.s32 $0xFFFFEC00  }
0x107: {  	[spmem:s2] =	stream.indirect.scatter.add.f32 [tilespmem:s30], [sflag:$0xA], $0x80, s18, s0, $0xb8;
	[tilespmem:$0x1F380] =	vst v63  }
0x108: {  	_ =	swait.ge [sflag:s10], $0x1400  }
0x109: {  	[sflag:s10] =	ssyncset.done $0x0  }
0x10a: {  	[sflag:s10] =	ssyncadd.s32 $0xFFFFEC00  }
0x10b: {  	_ =	swait.ge [sflag:s11], $0x1400  }
0x10c: {  	[sflag:s11] =	ssyncset.done $0x0  }
0x10d: {  	[sflag:s11] =	ssyncadd.s32 $0xFFFFEC00  }
0x10e: {  	_ =	swait.ge [sflag:s12], $0x1400  }
0x10f: {  	[sflag:s12] =	ssyncset.done $0x0  }
0x110: {  	[sflag:s12] =	ssyncadd.s32 $0xFFFFEC00  }
0x111: {  	_ =	swait.ge [sflag:s13], $0x1400  }
0x112: {  	[sflag:s13] =	ssyncset.done $0x0  }
0x113: {  	[sflag:s13] =	ssyncadd.s32 $0xFFFFEC00  }
0x114: {  	_ =	swait.ge [sflag:s14], $0x1400  }
0x115: {  	[sflag:s14] =	ssyncset.done $0x0  }
0x116: {  	s17 =	stileid.u32;
	[sflag:s14] =	ssyncadd.s32 $0xFFFFEC00  }
0x117: {  	s16 =	sshll.u32 s17, $0x6;
	[bflag:$0x0] =	sbarrier.arrive $0xFFFF  }
0x118: {  	s17 =	sshrl.u32 s6, $0x3;
	s16 =	sor.u32 $0x1C0C, s16;
	s18 =	rddreg [dreg:$0x6]  }
0x119: {  	[hbm:s18], [sflag:s16] =	dma.local [spmem:s17], $0x2800  }
0x11a: {  	_ =	swait.ge [sflag:s24], $0x2800  }
0x11b: {  	s15 =	sadd.s32 $0x1, s15;
	s18 =	rddreg [dreg:$0x7]  }
0x11c: {  	p0 =	sne.s32 s15, s18  }
.Ltmp2:
0x11d: {  	_ = 	snop;
	(pc) =	sbr.rel @p0 .LBB2_1-.Ltmp2, $3  }
0x11e: {  	_ =	sdelay $0x1  }
0x11f: {  	[sflag:s24] =	ssyncset.done $0x0  }
0x120: {  	[sflag:s24] =	ssyncadd.s32 $0xFFFFD800  }
0x121: {  	_ =	sfence.sel $0x180000  }
0x122: {  	[bflag:$0x0] =	sbarrier.arrive $0xFFFF  }
0x123: {  	_ =	strace $0x9000004D  }
0x124: {  	s0 =	stileid.u32;
	[bflag:$0x2] =	sbarrier.arrive $0xFFFF  }
0x125: {  	p0 =	sne.s32 s0, $0x0;
	s0 =	rddreg [dreg:$0x2]  }
0x126: {  	s0 =	sadd.s32 @!p0 $0x100000, s0  }
0x127: {  	[sflag:s0] =	ssyncadd.tile.s32 @!p0 $0x1;
	_ =	shalt  }
.Lfunc_end2:
_tile_overlayer_lowered:
.L_overlay_start_2:
0x128: {  	(tag) =	ssettag $0x2  }
0x129: {  	s0 =	rddreg [dreg:$0x0];
	s2 =	stileid.u32  }
0x12a: {  	s1 =	rddreg [dreg:$0x1];
	p0 =	sne.s32 s2, $0x0  }
0x12b: {  	s3 =	rddreg [dreg:$0x2];
	[bflag:$0x3] =	sbarrier.arrive $0xFFFF;
	s2 =	simm.s32 @!p0 $0x1C0C  }
0x12c: {  	[timem:s3], [sflag:s2] =	dma.local @!p0 [hbm:s0], s1  }
0x12d: {  	s0 =	simm.s32 @!p0 $0xC  }
0x12e: {  	_ =	swait.ge @!p0 [sflag:s0], s1  }
0x12f: {  	s1 =	ssub.s32 @!p0 $0x0, s1;
	[sflag:s0] =	ssyncset.done @!p0 $0x0  }
0x130: {  	[sflag:s0] =	ssyncadd.s32 @!p0 s1  }
0x131: {  	[bflag:$0x3] =	sbarrier.arrive $0xFFFF  }
0x132: {  	_ =	shalt  }

// kernel: kernel.9.cloned.1.call-start
scs
__scs_entry_jumppad:
0x0: {  	(pc) =	sbr.rel $0x88, $3  }
0x1: {  	(tag) =	ssettag $0x0;
	lr =	simm.s32 $0x1  }
0x2: {  	[smem:$0x3F91] =	sst lr;
	_ =	strace $0xD0000000  }
0x3: {  	_ = 	snop  }
0x4: {  	_ = 	snop  }
0x5: {  	_ = 	snop  }
0x6: {  	_ = 	snop  }
0x7: {  	_ = 	snop  }
__scs_overlays_trampoline_lowered:
0x8: {  	[smem:$0x3FA0] =	sst s0  }
0x9: {  	[smem:$0x3FA1] =	sst s1  }
0xa: {  	[smem:$0x3FA2] =	sst s2  }
0xb: {  	[smem:$0x3FA3] =	sst s3  }
0xc: {  	[smem:$0x3FA4] =	sst s4  }
0xd: {  	[smem:$0x3FA5] =	sst s5  }
0xe: {  	[smem:$0x3FA6] =	sst s6  }
0xf: {  	[smem:$0x3FA7] =	sst s7  }
0x10: {  	[smem:$0x3FA8] =	sst s8  }
0x11: {  	[smem:$0x3FA9] =	sst s9;
	s0 =	simm.s32 @!p0 $0x0  }
0x12: {  	s1 =	sld [smem:$0x3F8F];
	s0 =	simm.s32 @p0 $0x1  }
0x13: {  	[smem:$0x3FAA] =	sst s0;
	s0 =	simm.s32 @!p1 $0x0  }
0x14: {  	s2 =	sld [smem:$0x3F8E];
	s0 =	simm.s32 @p1 $0x1  }
0x15: {  	[smem:$0x3FAB] =	sst s0;
	s0 =	simm.s32 @!p2 $0x0  }
0x16: {  	s3 =	sld [smem:$0x3FDB];
	s0 =	simm.s32 @p2 $0x1  }
0x17: {  	s4 =	simm.s32 $0x1BF5;
	[smem:$0x3FAD] =	sst s0  }
0x18: {  	s0 =	sld [smem:$0x3F90];
	_ =	swait.ge [sflag:s4], $0x0  }
0x19: {  	s7 =	sld [smem:$0x3F91]  }
0x1a: {  	s8 =	sadd.s32 $0xFFFFE003, lr  }
0x1b: {  	s9 =	sadd.s32 $0xFFFFFEF7, lr;
	s5 =	simm.s32 $0xFFFFFFFF;
	p2 =	slt.u32 s8, $0xFFFFF086  }
0x1c: {  	p1 =	slt.u32 s9, $0xF7A;
	s5 =	simm.s32 @!p2 $0x0  }
0x1d: {  	s5 =	simm.s32 @p1 $0x1;
	p0 =	seq.s32 s7, s2  }
0x1e: {  	s7 =	smul.u32 @!p0 $0xF7A, s2;
	p2 =	seq.s32 @!p0 s5, $0x0  }
0x1f: {  	s9 =	smul.u32 $0xF7A, s1;
	s8 =	simm.s32 @!p0 $0x1BF5;
	p2 =	por !p2, p0  }
0x20: {  	[sflag:s8] =	ssyncset.s32 @!p0 $0xFFFFF086;
	s6 =	sadd.s32 @!p0 s3, s7;
	s7 =	simm.s32 @!p0 $0x108  }
0x21: {  	s3 =	sadd.s32 s3, s9;
	s6 =	sadd.s32 @!p0 $0x88, s6;
	s7 =	simm.s32 @p2 $0x1082  }
0x22: {  	[simem:s7], [sflag:s8] =	dma.local @!p0 [hbm:s6], $0xF7A  }
0x23: {  	s9 =	sor.u32 $0xD0000000, s2;
	s6 =	simm.s32 $0x108;
	_ =	swait.ge @!p0 [sflag:s8], $0x0  }
0x24: {  	s3 =	sadd.s32 $0x88, s3;
	s6 =	simm.s32 @!p1 $0x1082;
	[sflag:s4] =	ssyncset.s32 $0xFFFFF086  }
0x25: {  	[simem:s6], [sflag:s4] =	dma.local [hbm:s3], $0xF7A  }
0x26: {  	[smem:$0x3F91] =	sst s1;
	(tag) =	ssettag s2;
	_ =	strace s9  }
0x27: {  	s1 =	sld [smem:$0x3FA1]  }
0x28: {  	s2 =	sld [smem:$0x3FA2]  }
0x29: {  	s4 =	sld [smem:$0x3FA4]  }
0x2a: {  	p0 =	seq.s32 s5, $0x0;
	s5 =	sld [smem:$0x3FA5]  }
0x2b: {  	s6 =	sld [smem:$0x3FA6]  }
0x2c: {  	s7 =	sld [smem:$0x3FA7]  }
0x2d: {  	s3 =	simm.s32 $0x108;
	s8 =	sld [smem:$0x3FA8]  }
0x2e: {  	s3 =	simm.s32 @!p0 $0x1082;
	s9 =	sld [smem:$0x3FA9]  }
0x2f: {  	lr =	sadd.s32 s0, s3;
	s0 =	sld [smem:$0x3FA0]  }
0x30: {  	s3 =	sld [smem:$0x3FA3]  }
0x31: {  	[smem:$0x3FAC] =	sst s10  }
0x32: {  	s10 =	sld [smem:$0x3FAA];
	_ =	sdelay $0x3  }
0x33: {  	p0 =	seq.s32 s10, $0x1;
	s10 =	sld [smem:$0x3FAC];
	_ =	sdelay $0x3  }
0x34: {  	[smem:$0x3FAC] =	sst s10  }
0x35: {  	s10 =	sld [smem:$0x3FAB];
	_ =	sdelay $0x3  }
0x36: {  	p1 =	seq.s32 s10, $0x1;
	s10 =	sld [smem:$0x3FAC];
	_ =	sdelay $0x3  }
0x37: {  	[smem:$0x3FAC] =	sst s10  }
0x38: {  	s10 =	sld [smem:$0x3FAD]  }
0x39: {  	_ = 	snop;
	(pc) =	sbr.ind lr, $3  }
0x3a: {  	_ = 	snop  }
0x3b: {  	_ = 	snop  }
0x3c: {  	p2 =	seq.s32 s10, $0x1;
	s10 =	sld [smem:$0x3FAC]  }
0x3d: {  	_ =	shalt  }
0x3e: {  	_ =	shalt  }
0x3f: {  	_ =	shalt  }
0x40: {  	_ =	shalt  }
0x41: {  	_ =	shalt  }
0x42: {  	_ =	shalt  }
0x43: {  	_ =	shalt  }
0x44: {  	_ =	shalt  }
0x45: {  	_ =	shalt  }
0x46: {  	_ =	shalt  }
0x47: {  	_ =	shalt  }
0x48: {  	_ =	shalt  }
0x49: {  	_ =	shalt  }
0x4a: {  	_ =	shalt  }
0x4b: {  	_ =	shalt  }
0x4c: {  	_ =	shalt  }
0x4d: {  	_ =	shalt  }
0x4e: {  	_ =	shalt  }
0x4f: {  	_ =	shalt  }
0x50: {  	_ =	shalt  }
0x51: {  	_ =	shalt  }
0x52: {  	_ =	shalt  }
0x53: {  	_ =	shalt  }
0x54: {  	_ =	shalt  }
0x55: {  	_ =	shalt  }
0x56: {  	_ =	shalt  }
0x57: {  	_ =	shalt  }
0x58: {  	_ =	shalt  }
0x59: {  	_ =	shalt  }
0x5a: {  	_ =	shalt  }
0x5b: {  	_ =	shalt  }
0x5c: {  	_ =	shalt  }
0x5d: {  	_ =	shalt  }
0x5e: {  	_ =	shalt  }
0x5f: {  	_ =	shalt  }
0x60: {  	_ =	shalt  }
0x61: {  	_ =	shalt  }
0x62: {  	_ =	shalt  }
0x63: {  	_ =	shalt  }
0x64: {  	_ =	shalt  }
0x65: {  	_ =	shalt  }
0x66: {  	_ =	shalt  }
0x67: {  	_ =	shalt  }
0x68: {  	_ =	shalt  }
0x69: {  	_ =	shalt  }
0x6a: {  	_ =	shalt  }
0x6b: {  	_ =	shalt  }
0x6c: {  	_ =	shalt  }
0x6d: {  	_ =	shalt  }
0x6e: {  	_ =	shalt  }
0x6f: {  	_ =	shalt  }
0x70: {  	_ =	shalt  }
0x71: {  	_ =	shalt  }
0x72: {  	_ =	shalt  }
0x73: {  	_ =	shalt  }
0x74: {  	_ =	shalt  }
0x75: {  	_ =	shalt  }
0x76: {  	_ =	shalt  }
0x77: {  	_ =	shalt  }
0x78: {  	_ =	shalt  }
0x79: {  	_ =	shalt  }
0x7a: {  	_ =	shalt  }
0x7b: {  	_ =	shalt  }
0x7c: {  	_ =	shalt  }
0x7d: {  	_ =	shalt  }
0x7e: {  	_ =	shalt  }
0x7f: {  	_ =	shalt  }
0x80: {  	_ =	shalt  }
0x81: {  	_ =	shalt  }
0x82: {  	_ =	shalt  }
0x83: {  	_ =	shalt  }
0x84: {  	_ =	shalt  }
0x85: {  	_ =	shalt  }
0x86: {  	_ =	shalt  }
0x87: {  	_ =	shalt  }
.Lfunc_end0:
.L_simem_size_0:
called_computation_lowered:
.L_overlay_start_0:
0x88: {  	s2 =	sld [smem:$0x3FD9]  }
0x89: {  	s3 =	sld [smem:$0x3FFE];
	_ =	sdelay $0x1  }
0x8a: {  	s1 =	srdreg.scid  }
0x8b: {  	s0 =	sand.u32 $0x1, s1  }
0x8c: {  	s16 =	sshll.u32 s0, $0xA;
	s2 =	sadd.s32 s3, s2  }
0x8d: {  	s2 =	sadd.s32 s2, s16  }
0x8e: {  	[smem:$0x3FB8] =	sst s2  }
0x8f: {  	_ = 	snop  }
0x90: {  	(tm) =	ssettm $0x1  }
0x91: {  	s17 =	sld [smem:$0x3FFB];
	_ =	sdelay $0x3  }
0x92: {  	_ =	strace s17  }
0x93: {  	s2 =	sld [smem:$0x3FFC];
	_ =	sdelay $0x3  }
0x94: {  	_ =	strace s2  }
0x95: {  	s2 =	sld [smem:$0x3FFD];
	_ =	sdelay $0x3  }
0x96: {  	_ =	strace s2  }
0x97: {  	_ =	strace $0x8FFFFFFF  }
0x98: {  	s18 =	sld [smem:$0x3FDB];
	_ =	sdelay $0x1  }
0x99: {  	s19 =	simm.s32 $_scs_section_size  }
0x9a: {  	s4 =	simm.s32 $_size__tile_overlayer_lowered;
	s5 =	simm.s32 $_tile_overlayer_lowered  }
0x9b: {  	s22 =	simm.s32 $0x1BFF;
	s21 =	sshll.u32 s5, $0x1;
	s2 =	sadd.s32 s19, s18  }
0x9c: {  	s6 =	simm.s32 $0x0;
	s20 =	sshll.u32 s4, $0x1;
	s4 =	sadd.s32 s21, s2  }
0x9d: {  	[timem:s6], [sflag:s22] =	dma.local [hbm:s4], s20  }
0x9e: {  	_ =	swait.ge [sflag:s22], s20  }
0x9f: {  	s3 =	ssub.s32 $0x0, s20;
	[sflag:s22] =	ssyncset.done $0x0  }
0xa0: {  	[sflag:s22] =	ssyncadd.s32 s3;
	_ =	sdelay $0x1  }
0xa1: {  	s23 =	simm.s32 $0x1B8B  }
0xa2: {  	_ =	swait.ge [sflag:s23], $0x1  }
0xa3: {  	[sflag:s23] =	ssyncset.done $0x0  }
0xa4: {  	s25 =	simm.s32 $0x1B8E;
	s24 =	sld [smem:$0x3FFE];
	[sflag:s23] =	ssyncadd.s32 $0xFFFFFFFF  }
0xa5: {  	s26 =	simm.s32 $execute0_lowered;
	[smem:$0x3FD2] =	sst s25  }
0xa6: {  	s4 =	sshll.u32 s26, $0x1;
	_ =	strace $0x80000046;
	[dreg:$0x1] =	wrdreg $0xFFFFFFFF  }
0xa7: {  	s28 =	simm.s32 $_size_execute0_lowered;
	s2 =	sadd.s32 s2, s4;
	[dreg:$0x0] =	wrdreg $0x0  }
0xa8: {  	s4 =	sshll.u32 s28, $0x1;
	[dreg:$0x2] =	wrdreg s2  }
0xa9: {  	[dreg:$0x3] =	wrdreg s4  }
0xaa: {  	[dreg:$0x4] =	wrdreg $0xC0  }
0xab: {  	_ =	task [dreg:s6], $0x5FFFF  }
0xac: {  	[dreg:$0x1] =	wrdreg $0xFFFFFFFF  }
0xad: {  	[dreg:$0x0] =	wrdreg $0x60  }
0xae: {  	[dreg:$0x2] =	wrdreg s24  }
0xaf: {  	[dreg:$0x3] =	wrdreg $0xBB000  }
0xb0: {  	[dreg:$0x4] =	wrdreg $0x9  }
0xb1: {  	_ =	task.clear_ibuf [dreg:s6], $0x5FFFF;
	_ =	strace $0x90000046  }
0xb2: {  	s29 =	simm.s32 $0x9;
	_ =	strace $0x80000048  }
0xb3: {  	_ =	swait.ge [sflag:s29], $0x1  }
0xb4: {  	[sflag:s29] =	ssyncadd.s32 $0xFFFFFFFF  }
0xb5: {  	_ =	strace $0x90000048  }
0xb6: {  	_ =	sfence  }
0xb7: {  	s30 =	sld [smem:$0x0];
	_ =	sdelay $0x2  }
0xb8: {  	s31 =	sshll.u32 s1, $0xD;
	s1 =	sshrl.u32 s1, $0x2  }
0xb9: {  	s3 =	sand.u32 $0x4000, s31;
	s1 =	sadd.s32 s1, s30  }
0xba: {  	s0 =	sor.u32 s3, s0;
	s1 =	sshll.u32 s1, $0x11  }
0xbb: {  	s0 =	sor.u32 s1, s0  }
0xbc: {  	s0 =	sadd.s32 $0x8F2B, s0  }
0xbd: {  	[sflag:s0] =	ssyncadd.remote.s32 $0x1  }
0xbe: {  	_ =	sfence.sel $0xFFFF  }
0xbf: {  	[dreg:$0x0] =	wrdreg $0xFFFFFFFF;
	(pc) =	sbr.abs _section_cstart, $3  }
0xc0: {  	[dreg:$0x1] =	wrdreg $0xFFFFFFFF  }
0xc1: {  	_ =	task.clear_ibuf [dreg:s6], $0x2FFFF;
	_ =	strace $0x9FFFFFFF  }
0xc2: {  	(tm) =	ssettm $0x7FFFFFFF  }
0xc3: {  	_ =	shalt  }
tec
execute0_lowered:
.L_overlay_start_1:
0x0: {  	(tag) =	ssettag $0x1  }
0x1: {  	s0 =	srdreg.scid  }
0x2: {  	s5 =	stileid.u32;
	s1 =	rddreg [dreg:$0x0]  }
0x3: {  	s2 =	rddreg [dreg:$0x1];
	s0 =	sand.u32 $0x1, s0;
	s3 =	sshll.u32 s5, $0x1  }
0x4: {  	s5 =	smul.u32 $0x280, s5;
	s10 =	sadd.s32 $0x3E600, s1;
	s4 =	sor.u32 s0, s3  }
0x5: {  	s3 =	simm.s32 $0x0;
	s7 =	smul.u32 $0x138800, s0;
	s0 =	ssub.s32 $0x2, s0  }
0x6: {  	s6 =	smul.u32 $0x4E2, s4;
	[smem:$0x7FF] =	sst s3;
	s5 =	smin.u32 s5, $0x2490  }
0x7: {  	s4 =	sadd.s32 $0x17400, s1;
	s11 =	sshrl.u32 s0, $0x1;
	_ =	strace $0x80000047  }
0x8: {  	s5 =	sshll.u32 s5, $0x7;
	[dreg:$0x3] =	wrdreg s10;
	s0 =	ssub.s32 s0, s11  }
0x9: {  	s8 =	sadd.s32 s6, s1;
	s9 =	sadd.s32 s7, s5;
	s0 =	smax.u32 s0, $0x1  }
0xa: {  	s6 =	sshrl.u32 s9, $0x3;
	s12 =	sadd.s32 $0xD600, s8;
	[dreg:$0x7] =	wrdreg s0  }
0xb: {  	s13 =	sadd.s32 $0x3800, s8;
	s1 =	sadd.s32 s6, s1;
	[dreg:$0x4] =	wrdreg s12  }
0xc: {  	s6 =	sadd.s32 s5, s2;
	[dreg:$0x5] =	wrdreg s13;
	s1 =	sadd.s32 $0x3E800, s1  }
0xd: {  	s14 =	sadd.s32 $0x800, s6;
	[dreg:$0x6] =	wrdreg s1  }
0xe: {  	s15 =	sadd.s32 $0x1000, s6;
	[dreg:$0x8] =	wrdreg s14  }
0xf: {  	s16 =	sadd.s32 $0x1800, s6;
	[dreg:$0x9] =	wrdreg s15  }
0x10: {  	s17 =	sadd.s32 $0x2000, s6;
	[dreg:$0xa] =	wrdreg s16  }
0x11: {  	s18 =	sadd.s32 $0x2800, s6;
	[dreg:$0xb] =	wrdreg s17  }
0x12: {  	s19 =	sadd.s32 $0x3000, s6;
	[dreg:$0xc] =	wrdreg s18  }
0x13: {  	s20 =	sadd.s32 $0x3800, s6;
	[dreg:$0xd] =	wrdreg s19  }
0x14: {  	s21 =	sadd.s32 $0x4000, s6;
	[dreg:$0xe] =	wrdreg s20  }
0x15: {  	s22 =	sadd.s32 $0x4800, s6;
	[dreg:$0xf] =	wrdreg s21  }
0x16: {  	s23 =	sadd.s32 $0x5000, s6;
	[dreg:$0x10] =	wrdreg s22  }
0x17: {  	s24 =	sadd.s32 $0x5800, s6;
	[dreg:$0x11] =	wrdreg s23  }
0x18: {  	s25 =	sadd.s32 $0x6000, s6;
	[dreg:$0x12] =	wrdreg s24  }
0x19: {  	s26 =	sadd.s32 $0x6800, s6;
	[dreg:$0x13] =	wrdreg s25  }
0x1a: {  	s5 =	sadd.s32 $0x7800, s6;
	[dreg:$0x14] =	wrdreg s26  }
0x1b: {  	s7 =	sadd.s32 $0x8000, s6;
	[dreg:$0x16] =	wrdreg s5  }
0x1c: {  	s8 =	sadd.s32 $0x8800, s6;
	[dreg:$0x17] =	wrdreg s7  }
0x1d: {  	s9 =	sadd.s32 $0x9000, s6;
	[dreg:$0x18] =	wrdreg s8  }
0x1e: {  	s10 =	sadd.s32 $0x9800, s6;
	[dreg:$0x19] =	wrdreg s9  }
0x1f: {  	s11 =	sadd.s32 $0xA000, s6;
	[dreg:$0x1a] =	wrdreg s10  }
0x20: {  	s12 =	sadd.s32 $0xA800, s6;
	[dreg:$0x1b] =	wrdreg s11  }
0x21: {  	s13 =	sadd.s32 $0xB000, s6;
	[dreg:$0x1c] =	wrdreg s12  }
0x22: {  	s1 =	sadd.s32 $0x7000, s6;
	[dreg:$0x1d] =	wrdreg s13  }
0x23: {  	s28 =	simm.s32 $0x7700;
	s14 =	sadd.s32 $0xB800, s6;
	[dreg:$0x15] =	wrdreg s1  }
0x24: {  	s29 =	simm.s32 $0x8B00;
	s15 =	sadd.s32 $0xC000, s6;
	[dreg:$0x1e] =	wrdreg s14  }
0x25: {  	s30 =	simm.s32 $0x9F00;
	s16 =	sadd.s32 $0xC800, s6;
	[dreg:$0x1f] =	wrdreg s15  }
0x26: {  	s31 =	simm.s32 $0xB;
	s17 =	sadd.s32 $0xD000, s6;
	[smem:$0x7F3] =	sst s16  }
0x27: {  	s0 =	simm.s32 $0x28;
	s18 =	sadd.s32 $0xD800, s6;
	[smem:$0x7F4] =	sst s17  }
0x28: {  	s19 =	sadd.s32 $0xE000, s6;
	s20 =	sadd.s32 $0xE800, s6;
	[smem:$0x7F5] =	sst s18  }
0x29: {  	s21 =	sadd.s32 $0xF000, s6;
	s22 =	sadd.s32 $0xF800, s6;
	[smem:$0x7F6] =	sst s19  }
0x2a: {  	s23 =	sadd.s32 $0x10000, s6;
	s24 =	sadd.s32 $0x10800, s6;
	[smem:$0x7F7] =	sst s20  }
0x2b: {  	s25 =	sadd.s32 $0x11000, s6;
	s26 =	sadd.s32 $0x11800, s6;
	[smem:$0x7F8] =	sst s21  }
0x2c: {  	s5 =	simm.s32 $0x2;
	s7 =	simm.s32 $0x3;
	[smem:$0x7F9] =	sst s22  }
0x2d: {  	s8 =	simm.s32 $0x4;
	s9 =	simm.s32 $0x5;
	[smem:$0x7FA] =	sst s23  }
0x2e: {  	s10 =	simm.s32 $0x6;
	s11 =	simm.s32 $0x7;
	[smem:$0x7FB] =	sst s24  }
0x2f: {  	s12 =	simm.s32 $0x8;
	s13 =	simm.s32 $0x9;
	[smem:$0x7FC] =	sst s25  }
0x30: {  	[smem:$0x7FD] =	sst s26;
	s19 =	sadd.s32 $0x12000, s6;
	s20 =	sadd.s32 $0x12800, s6  }
0x31: {  	s21 =	sadd.s32 $0x13000, s6;
	s22 =	sadd.s32 $0x13800, s6;
	s23 =	simm.s32 $0xB300  }
0x32: {  	s24 =	simm.s32 $0xC;
	s25 =	simm.s32 $0x4F00;
	s26 =	simm.s32 $0x6300  }
0x33: {  	s1 =	simm.s32 $0x1;
	s14 =	simm.s32 $0xA;
	s15 =	simm.s32 $0x0  }
.LBB2_1:
0x34: {  	s16 =	rddreg [dreg:$0x3]  }
0x35: {  	[tilespmem:s23], [sflag:$0xC] =	stream.linear.gather [hbm4b:s16+s3], $0x800, $0x38;
	[tilespmem:$0x1F380] =	vst v63  }
0x36: {  	_ =	swait.ge [sflag:s24], $0x800  }
0x37: {  	[sflag:s24] =	ssyncset.done $0x0  }
0x38: {  	s18 =	rddreg [dreg:$0x8];
	[sflag:s24] =	ssyncadd.s32 $0xFFFFF800  }
0x39: {  	[spmem:s6] =	stream.linear.scatter [tilespmem:s23], [sflag:$0xB], $0x800, $0x38;
	[tilespmem:$0x1F380] =	vst v63  }
0x3a: {  	s17 =	rddreg [dreg:$0x9]  }
0x3b: {  	[spmem:s18] =	stream.linear.scatter [tilespmem:s23], [sflag:$0xB], $0x800, $0x38;
	[tilespmem:$0x1F380] =	vst v63  }
0x3c: {  	s18 =	rddreg [dreg:$0xa]  }
0x3d: {  	[spmem:s17] =	stream.linear.scatter [tilespmem:s23], [sflag:$0xB], $0x800, $0x38;
	[tilespmem:$0x1F380] =	vst v63  }
0x3e: {  	s17 =	rddreg [dreg:$0xb]  }
0x3f: {  	[spmem:s18] =	stream.linear.scatter [tilespmem:s23], [sflag:$0xB], $0x800, $0x38;
	[tilespmem:$0x1F380] =	vst v63  }
0x40: {  	s18 =	rddreg [dreg:$0xc]  }
0x41: {  	[spmem:s17] =	stream.linear.scatter [tilespmem:s23], [sflag:$0xB], $0x800, $0x38;
	[tilespmem:$0x1F380] =	vst v63  }
0x42: {  	s17 =	rddreg [dreg:$0xd]  }
0x43: {  	[spmem:s18] =	stream.linear.scatter [tilespmem:s23], [sflag:$0xB], $0x800, $0x38;
	[tilespmem:$0x1F380] =	vst v63  }
0x44: {  	s18 =	rddreg [dreg:$0xe]  }
0x45: {  	[spmem:s17] =	stream.linear.scatter [tilespmem:s23], [sflag:$0xB], $0x800, $0x38;
	[tilespmem:$0x1F380] =	vst v63  }
0x46: {  	s17 =	rddreg [dreg:$0xf]  }
0x47: {  	[spmem:s18] =	stream.linear.scatter [tilespmem:s23], [sflag:$0xB], $0x800, $0x38;
	[tilespmem:$0x1F380] =	vst v63  }
0x48: {  	s18 =	rddreg [dreg:$0x10]  }
0x49: {  	[spmem:s17] =	stream.linear.scatter [tilespmem:s23], [sflag:$0xB], $0x800, $0x38;
	[tilespmem:$0x1F380] =	vst v63  }
0x4a: {  	s17 =	rddreg [dreg:$0x11]  }
0x4b: {  	[spmem:s18] =	stream.linear.scatter [tilespmem:s23], [sflag:$0xB], $0x800, $0x38;
	[tilespmem:$0x1F380] =	vst v63  }
0x4c: {  	s18 =	rddreg [dreg:$0x12]  }
0x4d: {  	[spmem:s17] =	stream.linear.scatter [tilespmem:s23], [sflag:$0xB], $0x800, $0x38;
	[tilespmem:$0x1F380] =	vst v63  }
0x4e: {  	s17 =	rddreg [dreg:$0x13]  }
0x4f: {  	[spmem:s18] =	stream.linear.scatter [tilespmem:s23], [sflag:$0xB], $0x800, $0x38;
	[tilespmem:$0x1F380] =	vst v63  }
0x50: {  	s18 =	rddreg [dreg:$0x14]  }
0x51: {  	[spmem:s17] =	stream.linear.scatter [tilespmem:s23], [sflag:$0xB], $0x800, $0x38;
	[tilespmem:$0x1F380] =	vst v63  }
0x52: {  	s17 =	rddreg [dreg:$0x15]  }
0x53: {  	[spmem:s18] =	stream.linear.scatter [tilespmem:s23], [sflag:$0xB], $0x800, $0x38;
	[tilespmem:$0x1F380] =	vst v63  }
0x54: {  	s18 =	rddreg [dreg:$0x16]  }
0x55: {  	[spmem:s17] =	stream.linear.scatter [tilespmem:s23], [sflag:$0xB], $0x800, $0x38;
	[tilespmem:$0x1F380] =	vst v63  }
0x56: {  	s17 =	rddreg [dreg:$0x17]  }
0x57: {  	[spmem:s18] =	stream.linear.scatter [tilespmem:s23], [sflag:$0xB], $0x800, $0x38;
	[tilespmem:$0x1F380] =	vst v63  }
0x58: {  	s18 =	rddreg [dreg:$0x18]  }
0x59: {  	[spmem:s17] =	stream.linear.scatter [tilespmem:s23], [sflag:$0xB], $0x800, $0x38;
	[tilespmem:$0x1F380] =	vst v63  }
0x5a: {  	s17 =	rddreg [dreg:$0x19]  }
0x5b: {  	[spmem:s18] =	stream.linear.scatter [tilespmem:s23], [sflag:$0xB], $0x800, $0x38;
	[tilespmem:$0x1F380] =	vst v63  }
0x5c: {  	s18 =	rddreg [dreg:$0x1a]  }
0x5d: {  	[spmem:s17] =	stream.linear.scatter [tilespmem:s23], [sflag:$0xB], $0x800, $0x38;
	[tilespmem:$0x1F380] =	vst v63  }
0x5e: {  	s17 =	rddreg [dreg:$0x1b]  }
0x5f: {  	[spmem:s18] =	stream.linear.scatter [tilespmem:s23], [sflag:$0xB], $0x800, $0x38;
	[tilespmem:$0x1F380] =	vst v63  }
0x60: {  	s18 =	rddreg [dreg:$0x1c]  }
0x61: {  	[spmem:s17] =	stream.linear.scatter [tilespmem:s23], [sflag:$0xB], $0x800, $0x38;
	[tilespmem:$0x1F380] =	vst v63  }
0x62: {  	s17 =	rddreg [dreg:$0x1d]  }
0x63: {  	[spmem:s18] =	stream.linear.scatter [tilespmem:s23], [sflag:$0xB], $0x800, $0x38;
	[tilespmem:$0x1F380] =	vst v63  }
0x64: {  	s18 =	rddreg [dreg:$0x1e]  }
0x65: {  	[spmem:s17] =	stream.linear.scatter [tilespmem:s23], [sflag:$0xB], $0x800, $0x38;
	[tilespmem:$0x1F380] =	vst v63  }
0x66: {  	s17 =	rddreg [dreg:$0x1f]  }
0x67: {  	[spmem:s18] =	stream.linear.scatter [tilespmem:s23], [sflag:$0xB], $0x800, $0x38;
	[tilespmem:$0x1F380] =	vst v63  }
0x68: {  	s18 =	sld [smem:$0x7F3]  }
0x69: {  	[spmem:s17] =	stream.linear.scatter [tilespmem:s23], [sflag:$0xB], $0x800, $0x38;
	[tilespmem:$0x1F380] =	vst v63  }
0x6a: {  	s17 =	sld [smem:$0x7F4]  }
0x6b: {  	[spmem:s18] =	stream.linear.scatter [tilespmem:s23], [sflag:$0xB], $0x800, $0x38;
	[tilespmem:$0x1F380] =	vst v63  }
0x6c: {  	s18 =	sld [smem:$0x7F5]  }
0x6d: {  	[spmem:s17] =	stream.linear.scatter [tilespmem:s23], [sflag:$0xB], $0x800, $0x38;
	[tilespmem:$0x1F380] =	vst v63  }
0x6e: {  	s17 =	sld [smem:$0x7F6]  }
0x6f: {  	[spmem:s18] =	stream.linear.scatter [tilespmem:s23], [sflag:$0xB], $0x800, $0x38;
	[tilespmem:$0x1F380] =	vst v63  }
0x70: {  	s18 =	sld [smem:$0x7F7]  }
0x71: {  	[spmem:s17] =	stream.linear.scatter [tilespmem:s23], [sflag:$0xB], $0x800, $0x38;
	[tilespmem:$0x1F380] =	vst v63  }
0x72: {  	s17 =	sld [smem:$0x7F8]  }
0x73: {  	[spmem:s18] =	stream.linear.scatter [tilespmem:s23], [sflag:$0xB], $0x800, $0x38;
	[tilespmem:$0x1F380] =	vst v63  }
0x74: {  	s18 =	sld [smem:$0x7F9]  }
0x75: {  	[spmem:s17] =	stream.linear.scatter [tilespmem:s23], [sflag:$0xB], $0x800, $0x38;
	[tilespmem:$0x1F380] =	vst v63  }
0x76: {  	s17 =	sld [smem:$0x7FA]  }
0x77: {  	[spmem:s18] =	stream.linear.scatter [tilespmem:s23], [sflag:$0xB], $0x800, $0x38;
	[tilespmem:$0x1F380] =	vst v63  }
0x78: {  	s18 =	sld [smem:$0x7FB]  }
0x79: {  	[spmem:s17] =	stream.linear.scatter [tilespmem:s23], [sflag:$0xB], $0x800, $0x38;
	[tilespmem:$0x1F380] =	vst v63  }
0x7a: {  	s17 =	sld [smem:$0x7FC]  }
0x7b: {  	[spmem:s18] =	stream.linear.scatter [tilespmem:s23], [sflag:$0xB], $0x800, $0x38;
	[tilespmem:$0x1F380] =	vst v63  }
0x7c: {  	s18 =	sld [smem:$0x7FD]  }
0x7d: {  	[spmem:s17] =	stream.linear.scatter [tilespmem:s23], [sflag:$0xB], $0x800, $0x38;
	[tilespmem:$0x1F380] =	vst v63  }
0x7e: {  	_ = 	snop  }
0x7f: {  	[spmem:s18] =	stream.linear.scatter [tilespmem:s23], [sflag:$0xB], $0x800, $0x38;
	[tilespmem:$0x1F380] =	vst v63  }
0x80: {  	_ = 	snop  }
0x81: {  	[spmem:s19] =	stream.linear.scatter [tilespmem:s23], [sflag:$0xB], $0x800, $0x38;
	[tilespmem:$0x1F380] =	vst v63  }
0x82: {  	_ = 	snop  }
0x83: {  	[spmem:s20] =	stream.linear.scatter [tilespmem:s23], [sflag:$0xB], $0x800, $0x38;
	[tilespmem:$0x1F380] =	vst v63  }
0x84: {  	_ = 	snop  }
0x85: {  	[spmem:s21] =	stream.linear.scatter [tilespmem:s23], [sflag:$0xB], $0x800, $0x38;
	[tilespmem:$0x1F380] =	vst v63  }
0x86: {  	_ = 	snop  }
0x87: {  	[spmem:s22] =	stream.linear.scatter [tilespmem:s23], [sflag:$0xB], $0x800, $0x38;
	[tilespmem:$0x1F380] =	vst v63  }
0x88: {  	s17 =	rddreg [dreg:$0x4]  }
0x89: {  	[tilespmem:s3], [sflag:$0xC] =	stream.linear.gather [hbm4b:s17+s3], $0x2710, $0x38;
	[tilespmem:$0x1F380] =	vst v63  }
0x8a: {  	_ =	swait.ge [sflag:s24], $0x2710  }
0x8b: {  	[sflag:s24] =	ssyncset.done $0x0  }
0x8c: {  	s17 =	simm.s32 $0x2780;
	s18 =	rddreg [dreg:$0x5];
	[sflag:s24] =	ssyncadd.s32 $0xFFFFD8F0  }
0x8d: {  	[tilespmem:s17], [sflag:$0xC] =	stream.linear.gather [hbm4b:s18+s3], $0x2710, $0x38;
	[tilespmem:$0x1F380] =	vst v63  }
0x8e: {  	_ =	swait.ge [sflag:s24], $0x2710  }
0x8f: {  	[sflag:s24] =	ssyncset.done $0x0  }
0x90: {  	[sflag:s24] =	ssyncadd.s32 $0xFFFFD8F0  }
0x91: {  	[tilespmem:s25], [sflag:$0x1] =	stream.indirect.gather [hbm4b:s4+s0], $0x80, s3, s0, $0xb8;
	[tilespmem:$0x1F380] =	vst v63  }
0x92: {  	_ = 	snop  }
0x93: {  	[tilespmem:s26], [sflag:$0x2] =	stream.indirect.gather [hbm4b:s4+s0], $0x80, s0, s0, $0xb8;
	[tilespmem:$0x1F380] =	vst v63  }
0x94: {  	s18 =	simm.s32 $0x50  }
0x95: {  	[tilespmem:s28], [sflag:$0x3] =	stream.indirect.gather [hbm4b:s4+s0], $0x80, s18, s0, $0xb8;
	[tilespmem:$0x1F380] =	vst v63  }
0x96: {  	s17 =	simm.s32 $0x78  }
0x97: {  	[tilespmem:s29], [sflag:$0x4] =	stream.indirect.gather [hbm4b:s4+s0], $0x80, s17, s0, $0xb8;
	[tilespmem:$0x1F380] =	vst v63  }
0x98: {  	s18 =	simm.s32 $0xA0  }
0x99: {  	[tilespmem:s30], [sflag:$0x5] =	stream.indirect.gather [hbm4b:s4+s0], $0x80, s18, s0, $0xb8;
	[tilespmem:$0x1F380] =	vst v63  }
0x9a: {  	_ =	swait.ge [sflag:s31], $0x800  }
0x9b: {  	s16 =	simm.s32 $0x27;
	[sflag:s31] =	ssyncset.done $0x0  }
.LBB2_2:
0x9c: {  	p0 =	sne.s32 s16, $0x1;
	s16 =	sadd.s32 $0xFFFFFFFF, s16;
	[sflag:s31] =	ssyncadd.s32 $0xFFFFF800  }
.Ltmp0:
0x9d: {  	(pc) =	sbr.rel @p0 .LBB2_2-.Ltmp0, $3  }
0x9e: {  	_ =	sdelay $0x1  }
0x9f: {  	_ =	swait.ge [sflag:s31], $0x800  }
0xa0: {  	[sflag:s31] =	ssyncset.done $0x0  }
0xa1: {  	[sflag:s31] =	ssyncadd.s32 $0xFFFFF800  }
0xa2: {  	[bflag:$0x0] =	sbarrier.arrive $0xFFFF  }
0xa3: {  	_ =	swait.ge [sflag:s1], $0x1400  }
0xa4: {  	[sflag:s1] =	ssyncset.done $0x0  }
0xa5: {  	s16 =	simm.s32 $0x2780;
	[sflag:s1] =	ssyncadd.s32 $0xFFFFEC00  }
0xa6: {  	[spmem:s2] =	stream.indirect.scatter.add.f32 [tilespmem:s25], [sflag:$0x6], $0x80, s16, s0, $0xb8;
	[tilespmem:$0x1F380] =	vst v63  }
0xa7: {  	_ =	swait.ge [sflag:s5], $0x1400  }
0xa8: {  	[sflag:s5] =	ssyncset.done $0x0  }
0xa9: {  	s17 =	simm.s32 $0x27A8;
	[sflag:s5] =	ssyncadd.s32 $0xFFFFEC00  }
0xaa: {  	[spmem:s2] =	stream.indirect.scatter.add.f32 [tilespmem:s26], [sflag:$0x7], $0x80, s17, s0, $0xb8;
	[tilespmem:$0x1F380] =	vst v63  }
0xab: {  	_ =	swait.ge [sflag:s7], $0x1400  }
0xac: {  	[sflag:s7] =	ssyncset.done $0x0  }
0xad: {  	s18 =	simm.s32 $0x27D0;
	[sflag:s7] =	ssyncadd.s32 $0xFFFFEC00  }
0xae: {  	[spmem:s2] =	stream.indirect.scatter.add.f32 [tilespmem:s28], [sflag:$0x8], $0x80, s18, s0, $0xb8;
	[tilespmem:$0x1F380] =	vst v63  }
0xaf: {  	_ =	swait.ge [sflag:s8], $0x1400  }
0xb0: {  	[sflag:s8] =	ssyncset.done $0x0  }
0xb1: {  	s17 =	simm.s32 $0x27F8;
	[sflag:s8] =	ssyncadd.s32 $0xFFFFEC00  }
0xb2: {  	[spmem:s2] =	stream.indirect.scatter.add.f32 [tilespmem:s29], [sflag:$0x9], $0x80, s17, s0, $0xb8;
	[tilespmem:$0x1F380] =	vst v63  }
0xb3: {  	_ =	swait.ge [sflag:s9], $0x1400  }
0xb4: {  	[sflag:s9] =	ssyncset.done $0x0  }
0xb5: {  	s18 =	simm.s32 $0x2820;
	[sflag:s9] =	ssyncadd.s32 $0xFFFFEC00  }
0xb6: {  	[spmem:s2] =	stream.indirect.scatter.add.f32 [tilespmem:s30], [sflag:$0xA], $0x80, s18, s0, $0xb8;
	[tilespmem:$0x1F380] =	vst v63  }
0xb7: {  	_ =	swait.ge [sflag:s10], $0x1400  }
0xb8: {  	[sflag:s10] =	ssyncset.done $0x0  }
0xb9: {  	s17 =	simm.s32 $0xC8;
	[sflag:s10] =	ssyncadd.s32 $0xFFFFEC00  }
0xba: {  	[tilespmem:s25], [sflag:$0x1] =	stream.indirect.gather [hbm4b:s4+s0], $0x80, s17, s0, $0xb8;
	[tilespmem:$0x1F380] =	vst v63  }
0xbb: {  	_ =	swait.ge [sflag:s11], $0x1400  }
0xbc: {  	[sflag:s11] =	ssyncset.done $0x0  }
0xbd: {  	s18 =	simm.s32 $0xF0;
	[sflag:s11] =	ssyncadd.s32 $0xFFFFEC00  }
0xbe: {  	[tilespmem:s26], [sflag:$0x2] =	stream.indirect.gather [hbm4b:s4+s0], $0x80, s18, s0, $0xb8;
	[tilespmem:$0x1F380] =	vst v63  }
0xbf: {  	_ =	swait.ge [sflag:s12], $0x1400  }
0xc0: {  	[sflag:s12] =	ssyncset.done $0x0  }
0xc1: {  	s17 =	simm.s32 $0x118;
	[sflag:s12] =	ssyncadd.s32 $0xFFFFEC00  }
0xc2: {  	[tilespmem:s28], [sflag:$0x3] =	stream.indirect.gather [hbm4b:s4+s0], $0x80, s17, s0, $0xb8;
	[tilespmem:$0x1F380] =	vst v63  }
0xc3: {  	_ =	swait.ge [sflag:s13], $0x1400  }
0xc4: {  	[sflag:s13] =	ssyncset.done $0x0  }
0xc5: {  	s18 =	simm.s32 $0x140;
	[sflag:s13] =	ssyncadd.s32 $0xFFFFEC00  }
0xc6: {  	[tilespmem:s29], [sflag:$0x4] =	stream.indirect.gather [hbm4b:s4+s0], $0x80, s18, s0, $0xb8;
	[tilespmem:$0x1F380] =	vst v63  }
0xc7: {  	_ =	swait.ge [sflag:s14], $0x1400  }
0xc8: {  	[sflag:s14] =	ssyncset.done $0x0  }
0xc9: {  	s16 =	simm.s32 $0x320;
	s17 =	simm.s32 $0x168;
	[sflag:s14] =	ssyncadd.s32 $0xFFFFEC00  }
.LBB2_4:
0xca: {  	[tilespmem:s30], [sflag:$0x5] =	stream.indirect.gather [hbm4b:s4+s0], $0x80, s17, s0, $0xb8;
	[tilespmem:$0x1F380] =	vst v63  }
0xcb: {  	s17 =	smov.u32 s16  }
0xcc: {  	p0 =	sne.s32 s16, $0x9600;
	s16 =	sadd.s32 $0x320, s16;
	_ =	swait.ge [sflag:s1], $0x1400  }
0xcd: {  	s17 =	sshra.s32 s17, $0x2;
	[sflag:s1] =	ssyncset.done $0x0  }
0xce: {  	s18 =	sadd.s32 $0x2780, s17;
	[sflag:s1] =	ssyncadd.s32 $0xFFFFEC00  }
0xcf: {  	[spmem:s2] =	stream.indirect.scatter.add.f32 [tilespmem:s25], [sflag:$0x6], $0x80, s18, s0, $0xb8;
	[tilespmem:$0x1F380] =	vst v63  }
0xd0: {  	_ =	swait.ge [sflag:s5], $0x1400  }
0xd1: {  	[sflag:s5] =	ssyncset.done $0x0  }
0xd2: {  	s18 =	sadd.s32 $0x27A8, s17;
	[sflag:s5] =	ssyncadd.s32 $0xFFFFEC00  }
0xd3: {  	[spmem:s2] =	stream.indirect.scatter.add.f32 [tilespmem:s26], [sflag:$0x7], $0x80, s18, s0, $0xb8;
	[tilespmem:$0x1F380] =	vst v63  }
0xd4: {  	_ =	swait.ge [sflag:s7], $0x1400  }
0xd5: {  	[sflag:s7] =	ssyncset.done $0x0  }
0xd6: {  	s18 =	sadd.s32 $0x27D0, s17;
	[sflag:s7] =	ssyncadd.s32 $0xFFFFEC00  }
0xd7: {  	[spmem:s2] =	stream.indirect.scatter.add.f32 [tilespmem:s28], [sflag:$0x8], $0x80, s18, s0, $0xb8;
	[tilespmem:$0x1F380] =	vst v63  }
0xd8: {  	_ =	swait.ge [sflag:s8], $0x1400  }
0xd9: {  	[sflag:s8] =	ssyncset.done $0x0  }
0xda: {  	s18 =	sadd.s32 $0x27F8, s17;
	[sflag:s8] =	ssyncadd.s32 $0xFFFFEC00  }
0xdb: {  	[spmem:s2] =	stream.indirect.scatter.add.f32 [tilespmem:s29], [sflag:$0x9], $0x80, s18, s0, $0xb8;
	[tilespmem:$0x1F380] =	vst v63  }
0xdc: {  	_ =	swait.ge [sflag:s9], $0x1400  }
0xdd: {  	[sflag:s9] =	ssyncset.done $0x0  }
0xde: {  	s18 =	sadd.s32 $0x2820, s17;
	[sflag:s9] =	ssyncadd.s32 $0xFFFFEC00  }
0xdf: {  	[spmem:s2] =	stream.indirect.scatter.add.f32 [tilespmem:s30], [sflag:$0xA], $0x80, s18, s0, $0xb8;
	[tilespmem:$0x1F380] =	vst v63  }
0xe0: {  	_ =	swait.ge [sflag:s10], $0x1400  }
0xe1: {  	[sflag:s10] =	ssyncset.done $0x0  }
0xe2: {  	s18 =	sadd.s32 $0xC8, s17;
	[sflag:s10] =	ssyncadd.s32 $0xFFFFEC00  }
0xe3: {  	[tilespmem:s25], [sflag:$0x1] =	stream.indirect.gather [hbm4b:s4+s0], $0x80, s18, s0, $0xb8;
	[tilespmem:$0x1F380] =	vst v63  }
0xe4: {  	_ =	swait.ge [sflag:s11], $0x1400  }
0xe5: {  	[sflag:s11] =	ssyncset.done $0x0  }
0xe6: {  	s18 =	sadd.s32 $0xF0, s17;
	[sflag:s11] =	ssyncadd.s32 $0xFFFFEC00  }
0xe7: {  	[tilespmem:s26], [sflag:$0x2] =	stream.indirect.gather [hbm4b:s4+s0], $0x80, s18, s0, $0xb8;
	[tilespmem:$0x1F380] =	vst v63  }
0xe8: {  	_ =	swait.ge [sflag:s12], $0x1400  }
0xe9: {  	[sflag:s12] =	ssyncset.done $0x0  }
0xea: {  	s18 =	sadd.s32 $0x118, s17;
	[sflag:s12] =	ssyncadd.s32 $0xFFFFEC00  }
0xeb: {  	[tilespmem:s28], [sflag:$0x3] =	stream.indirect.gather [hbm4b:s4+s0], $0x80, s18, s0, $0xb8;
	[tilespmem:$0x1F380] =	vst v63  }
0xec: {  	_ =	swait.ge [sflag:s13], $0x1400  }
0xed: {  	[sflag:s13] =	ssyncset.done $0x0  }
.Ltmp1:
0xee: {  	s18 =	sadd.s32 $0x140, s17;
	[sflag:s13] =	ssyncadd.s32 $0xFFFFEC00;
	(pc) =	sbr.rel @p0 .LBB2_4-.Ltmp1, $4  }
0xef: {  	[tilespmem:s29], [sflag:$0x4] =	stream.indirect.gather [hbm4b:s4+s0], $0x80, s18, s0, $0xb8;
	[tilespmem:$0x1F380] =	vst v63  }
0xf0: {  	_ =	swait.ge [sflag:s14], $0x1400  }
0xf1: {  	[sflag:s14] =	ssyncset.done $0x0  }
0xf2: {  	s17 =	sadd.s32 $0x168, s17;
	[sflag:s14] =	ssyncadd.s32 $0xFFFFEC00  }
0xf3: {  	[tilespmem:s30], [sflag:$0x5] =	stream.indirect.gather [hbm4b:s4+s0], $0x80, s17, s0, $0xb8;
	[tilespmem:$0x1F380] =	vst v63  }
0xf4: {  	_ =	swait.ge [sflag:s1], $0x1400  }
0xf5: {  	[sflag:s1] =	ssyncset.done $0x0  }
0xf6: {  	s16 =	simm.s32 $0x4DC8;
	[sflag:s1] =	ssyncadd.s32 $0xFFFFEC00  }
0xf7: {  	[spmem:s2] =	stream.indirect.scatter.add.f32 [tilespmem:s25], [sflag:$0x6], $0x80, s16, s0, $0xb8;
	[tilespmem:$0x1F380] =	vst v63  }
0xf8: {  	_ =	swait.ge [sflag:s5], $0x1400  }
0xf9: {  	[sflag:s5] =	ssyncset.done $0x0  }
0xfa: {  	s17 =	simm.s32 $0x4DF0;
	[sflag:s5] =	ssyncadd.s32 $0xFFFFEC00  }
0xfb: {  	[spmem:s2] =	stream.indirect.scatter.add.f32 [tilespmem:s26], [sflag:$0x7], $0x80, s17, s0, $0xb8;
	[tilespmem:$0x1F380] =	vst v63  }
0xfc: {  	_ =	swait.ge [sflag:s7], $0x1400  }
0xfd: {  	[sflag:s7] =	ssyncset.done $0x0  }
0xfe: {  	s18 =	simm.s32 $0x4E18;
	[sflag:s7] =	ssyncadd.s32 $0xFFFFEC00  }
0xff: {  	[spmem:s2] =	stream.indirect.scatter.add.f32 [tilespmem:s28], [sflag:$0x8], $0x80, s18, s0, $0xb8;
	[tilespmem:$0x1F380] =	vst v63  }
0x100: {  	_ =	swait.ge [sflag:s8], $0x1400  }
0x101: {  	[sflag:s8] =	ssyncset.done $0x0  }
0x102: {  	s17 =	simm.s32 $0x4E40;
	[sflag:s8] =	ssyncadd.s32 $0xFFFFEC00  }
0x103: {  	[spmem:s2] =	stream.indirect.scatter.add.f32 [tilespmem:s29], [sflag:$0x9], $0x80, s17, s0, $0xb8;
	[tilespmem:$0x1F380] =	vst v63  }
0x104: {  	_ =	swait.ge [sflag:s9], $0x1400  }
0x105: {  	[sflag:s9] =	ssyncset.done $0x0  }
0x106: {  	s18 =	simm.s32 $0x4E68;
	[sflag:s9] =	ssyncadd.s32 $0xFFFFEC00  }
0x107: {  	[spmem:s2] =	stream.indirect.scatter.add.f32 [tilespmem:s30], [sflag:$0xA], $0x80, s18, s0, $0xb8;
	[tilespmem:$0x1F380] =	vst v63  }
0x108: {  	_ =	swait.ge [sflag:s10], $0x1400  }
0x109: {  	[sflag:s10] =	ssyncset.done $0x0  }
0x10a: {  	[sflag:s10] =	ssyncadd.s32 $0xFFFFEC00  }
0x10b: {  	_ =	swait.ge [sflag:s11], $0x1400  }
0x10c: {  	[sflag:s11] =	ssyncset.done $0x0  }
0x10d: {  	[sflag:s11] =	ssyncadd.s32 $0xFFFFEC00  }
0x10e: {  	_ =	swait.ge [sflag:s12], $0x1400  }
0x10f: {  	[sflag:s12] =	ssyncset.done $0x0  }
0x110: {  	[sflag:s12] =	ssyncadd.s32 $0xFFFFEC00  }
0x111: {  	_ =	swait.ge [sflag:s13], $0x1400  }
0x112: {  	[sflag:s13] =	ssyncset.done $0x0  }
0x113: {  	[sflag:s13] =	ssyncadd.s32 $0xFFFFEC00  }
0x114: {  	_ =	swait.ge [sflag:s14], $0x1400  }
0x115: {  	[sflag:s14] =	ssyncset.done $0x0  }
0x116: {  	s17 =	stileid.u32;
	[sflag:s14] =	ssyncadd.s32 $0xFFFFEC00  }
0x117: {  	s16 =	sshll.u32 s17, $0x6;
	[bflag:$0x0] =	sbarrier.arrive $0xFFFF  }
0x118: {  	s17 =	sshrl.u32 s6, $0x3;
	s16 =	sor.u32 $0x1C0C, s16;
	s18 =	rddreg [dreg:$0x6]  }
0x119: {  	[hbm:s18], [sflag:s16] =	dma.local [spmem:s17], $0x2800  }
0x11a: {  	_ =	swait.ge [sflag:s24], $0x2800  }
0x11b: {  	s15 =	sadd.s32 $0x1, s15;
	s18 =	rddreg [dreg:$0x7]  }
0x11c: {  	p0 =	sne.s32 s15, s18  }
.Ltmp2:
0x11d: {  	_ = 	snop;
	(pc) =	sbr.rel @p0 .LBB2_1-.Ltmp2, $3  }
0x11e: {  	_ =	sdelay $0x1  }
0x11f: {  	[sflag:s24] =	ssyncset.done $0x0  }
0x120: {  	[sflag:s24] =	ssyncadd.s32 $0xFFFFD800  }
0x121: {  	_ =	sfence.sel $0x180000  }
0x122: {  	[bflag:$0x0] =	sbarrier.arrive $0xFFFF  }
0x123: {  	_ =	strace $0x90000047  }
0x124: {  	s0 =	stileid.u32;
	[bflag:$0x2] =	sbarrier.arrive $0xFFFF  }
0x125: {  	p0 =	sne.s32 s0, $0x0;
	s0 =	rddreg [dreg:$0x2]  }
0x126: {  	s0 =	sadd.s32 @!p0 $0x100000, s0  }
0x127: {  	[sflag:s0] =	ssyncadd.tile.s32 @!p0 $0x1;
	_ =	shalt  }
.Lfunc_end2:
_tile_overlayer_lowered:
.L_overlay_start_2:
0x128: {  	(tag) =	ssettag $0x2  }
0x129: {  	s0 =	rddreg [dreg:$0x0];
	s2 =	stileid.u32  }
0x12a: {  	s1 =	rddreg [dreg:$0x1];
	p0 =	sne.s32 s2, $0x0  }
0x12b: {  	s3 =	rddreg [dreg:$0x2];
	[bflag:$0x3] =	sbarrier.arrive $0xFFFF;
	s2 =	simm.s32 @!p0 $0x1C0C  }
0x12c: {  	[timem:s3], [sflag:s2] =	dma.local @!p0 [hbm:s0], s1  }
0x12d: {  	s0 =	simm.s32 @!p0 $0xC  }
0x12e: {  	_ =	swait.ge @!p0 [sflag:s0], s1  }
0x12f: {  	s1 =	ssub.s32 @!p0 $0x0, s1;
	[sflag:s0] =	ssyncset.done @!p0 $0x0  }
0x130: {  	[sflag:s0] =	ssyncadd.s32 @!p0 s1  }
0x131: {  	[bflag:$0x3] =	sbarrier.arrive $0xFFFF  }
0x132: {  	_ =	shalt  }

</sc_bundles>
